<compile_context>
chip_gen: v7x
topology: tpu7x:2x2x1
jax: 0.10.2.dev20260603
libtpu: 0.0.44.dev20260713+nightly
codegen_flags: <defaults>
</compile_context>

<pallas_src>
import functools

import jax
import jax.numpy as jnp
import numpy as np
from jax import lax
from jax.experimental import pallas as pl
from jax.experimental.pallas import tpu as pltpu
from jax.experimental.pallas import tpu_sc as plsc

_B = 4; _N = 8192; _P = 1024; _S = 64; _R = 0.2; _CIN = 16
_BN_EPS = 1e-5
_NW = 32
_CPW = (_B * _P) // _NW
_W = _N // 16
_D = 32
_IW = 80


def _fps_body(x_ref, inds_ref, nx_ref, mind_ref):
    mind_ref[...] = jnp.full((_B, 64, 128), 1e10, jnp.float32)
    iota2 = (lax.broadcasted_iota(jnp.int32, (64, 128), 0) * 128
             + lax.broadcasted_iota(jnp.int32, (64, 128), 1))
    lane = lax.broadcasted_iota(jnp.int32, (1, 128), 1)

    zrow = jnp.zeros((1, 128), jnp.int32)
    inds_ref[0:1, :] = zrow
    oh0 = iota2 == 0
    init = []
    for b in range(_B):
        cs = tuple(jnp.sum(jnp.where(oh0, x_ref[b, d], 0.0)) for d in range(3))
        init.append(cs)
    init = tuple(init)
    for d in range(3):
        coord0 = jnp.zeros((1, 128), jnp.float32)
        for b in range(_B):
            coord0 = jnp.where(lane == b, init[b][d], coord0)
        nx_ref[d, 0:1, :] = coord0

    def body(i, carry):
        coords = carry
        nxts = []
        for b in range(_B):
            cx, cy, cz = coords[b]
            xb = x_ref[b, 0]
            yb = x_ref[b, 1]
            zb = x_ref[b, 2]
            dx = xb - cx
            dy = yb - cy
            dz = zb - cz
            d = (dx * dx + dy * dy) + dz * dz
            m = jnp.minimum(mind_ref[b], d)
            mind_ref[b] = m
            mx = jnp.max(m)
            nxt = jnp.min(jnp.where(m == mx, iota2, _N))
            nxts.append(nxt)
        newcoords = []
        for b in range(_B):
            oh = iota2 == nxts[b]
            cx = jnp.sum(jnp.where(oh, x_ref[b, 0], 0.0))
            cy = jnp.sum(jnp.where(oh, x_ref[b, 1], 0.0))
            cz = jnp.sum(jnp.where(oh, x_ref[b, 2], 0.0))
            newcoords.append((cx, cy, cz))
        row = jnp.zeros((1, 128), jnp.int32)
        for b in range(_B):
            row = jnp.where(lane == b, nxts[b], row)
        inds_ref[pl.ds(i, 1), :] = row
        for d in range(3):
            crow = jnp.zeros((1, 128), jnp.float32)
            for b in range(_B):
                crow = jnp.where(lane == b, newcoords[b][d], crow)
            nx_ref[d, pl.ds(i, 1), :] = crow
        return tuple(newcoords)

    lax.fori_loop(1, _P, body, init)


def _run_fps(xyz):
    xq = jnp.transpose(xyz, (0, 2, 1)).reshape(_B, 3, 64, 128)
    inds_pk, nx_pk = pl.pallas_call(
        _fps_body,
        out_shape=[jax.ShapeDtypeStruct((_P, 128), jnp.int32),
                   jax.ShapeDtypeStruct((3, _P, 128), jnp.float32)],
        scratch_shapes=[pltpu.VMEM((_B, 64, 128), jnp.float32)],
    )(xq)
    inds = jnp.transpose(inds_pk[:, :_B], (1, 0))
    new_xyz = jnp.transpose(nx_pk[:, :, :_B], (2, 1, 0))
    return inds, new_xyz


_MCB = 128
_NB = 512


def _mask_body(c_ref, xt_ref, pk_ref, pc_ref, tri_ref, o_ref):
    cb = c_ref[0]
    xb = xt_ref[0]
    e = jnp.dot(cb, xb, preferred_element_type=jnp.float32)
    c0 = cb[:, 0:1]; c1 = cb[:, 1:2]; c2 = cb[:, 2:3]
    cs = (c0 * c0 + c1 * c1) + c2 * c2
    x0 = xb[0:1, :]; x1 = xb[1:2, :]; x2 = xb[2:3, :]
    xs = (x0 * x0 + x1 * x1) + x2 * x2
    d2 = (cs + xs) - 2.0 * e
    valid = (d2 <= jnp.float32(_R * _R)).astype(jnp.float32)
    pk = pk_ref[...]
    pc = pc_ref[...]
    bits, counts = [], []
    for nc in range(_N // _NB):
        v = valid[:, nc * _NB:(nc + 1) * _NB]
        bits.append(jnp.dot(v, pk, preferred_element_type=jnp.float32))
        counts.append(jnp.dot(v, pc, preferred_element_type=jnp.float32))
    bits = jnp.concatenate(bits, axis=1)
    counts = jnp.concatenate(counts, axis=1)
    csum = jnp.dot(counts, tri_ref[...],
                   preferred_element_type=jnp.float32)
    excl = (csum - counts).astype(jnp.int32)
    o_ref[0] = bits.astype(jnp.int32) + (excl << 16)


def _run_mask(new_xyz, xyzT):
    i = np.arange(_NB)
    pk = np.zeros((_NB, _NB // 16), np.float32)
    pk[i, i // 16] = np.float32(2.0) ** (i % 16)
    pc = np.zeros((_NB, _NB // 16), np.float32)
    pc[i, i // 16] = 1.0
    tri = np.triu(np.ones((_W, _W), np.float32))
    return pl.pallas_call(
        _mask_body,
        grid=(_B, _P // _MCB),
        in_specs=[
            pl.BlockSpec((1, _MCB, 3), lambda b, p: (b, p, 0)),
            pl.BlockSpec((1, 3, _N), lambda b, p: (b, 0, 0)),
            pl.BlockSpec((_NB, _NB // 16), lambda b, p: (0, 0)),
            pl.BlockSpec((_NB, _NB // 16), lambda b, p: (0, 0)),
            pl.BlockSpec((_W, _W), lambda b, p: (0, 0)),
        ],
        out_specs=pl.BlockSpec((1, _MCB, _W), lambda b, p: (b, p, 0)),
        out_shape=jax.ShapeDtypeStruct((_B, _P, _W), jnp.int32),
    )(new_xyz, xyzT, jnp.asarray(pk), jnp.asarray(pc), jnp.asarray(tri))


def _make_lutcc():
    lut = np.zeros((4096,), np.int32)
    for b in range(256):
        pos = [p for p in range(8) if (b >> p) & 1]
        for r, p in enumerate(pos):
            lut[b * 16 + r] = p
        lut[b * 16 + 8] = len(pos) - 8
    return jnp.asarray(lut)


def _sc_compact_gather(packed, table, lutcc):
    mesh = plsc.VectorSubcoreMesh(core_axis_name="c", subcore_axis_name="s")

    @functools.partial(
        pl.kernel,
        out_type=[jax.ShapeDtypeStruct((_B * _P, _S, _D), jnp.float32),
                  jax.ShapeDtypeStruct((_B * _P * 16,), jnp.int32)],
        mesh=mesh,
        compiler_params=pltpu.CompilerParams(use_tc_tiling_on_sc=False),
        scratch_types=[
            pltpu.VMEM((_CPW, _W), jnp.int32),
            pltpu.VMEM((_CPW * _S + 32,), jnp.int32),
            pltpu.VMEM((4096,), jnp.int32),
            pltpu.VMEM((_CPW * 16,), jnp.int32),
            pltpu.VMEM((_S, _D), jnp.float32),
            pltpu.SemaphoreType.DMA,
        ],
    )
    def k(pk_hbm, table_hbm, lut_hbm, out_hbm, cnt_hbm,
          bm_v, idx_v, lut_v, cnts_v, gbuf, sem):
        wid = lax.axis_index("s") * 2 + lax.axis_index("c")
        base_c = wid * _CPW
        base_row = (base_c // _P) * _N
        pltpu.sync_copy(pk_hbm.at[pl.ds(base_c, _CPW)], bm_v)
        pltpu.sync_copy(lut_hbm, lut_v)

        lanes = lax.iota(jnp.int32, 16)

        @pl.loop(0, (_CPW * _S + 32) // 16)
        def init(i):
            idx_v[pl.ds(i * 16, 16)] = lanes + base_row

        @pl.loop(0, _CPW)
        def per_center(ci):
            @pl.loop(0, _W // 16, init_carry=jnp.int32(0))
            def cnt(g, cnt):
                wv16 = bm_v[ci, pl.ds(g * 16, 16)]
                for t in range(16):
                    w0 = wv16[t]
                    lo = w0 & 0xFF
                    hi = lax.shift_right_logical(w0, 8) & 0xFF
                    rlo = lut_v[pl.ds(lo * 16, 16)]
                    rhi = lut_v[pl.ds(hi * 16, 16)]
                    klo = rlo[8] + 8
                    khi = rhi[8] + 8
                    base_w = (g * 16 + t) * 16 + base_row
                    off0 = ci * _S + jnp.minimum(cnt, jnp.int32(_S))
                    idx_v[pl.ds(off0, 16)] = rlo + base_w
                    idx_v[pl.ds(off0 + klo, 16)] = rhi + (base_w + 8)
                    cnt = cnt + klo + khi
                return cnt

            cnts_v[pl.ds(ci * 16, 16)] = cnt + lanes
            pltpu.async_copy(table_hbm.at[idx_v.at[pl.ds(ci * _S, _S)]],
                             gbuf, sem).wait()
            pltpu.sync_copy(gbuf, out_hbm.at[base_c + ci])

        pltpu.sync_copy(cnts_v, cnt_hbm.at[pl.ds(base_c * 16, _CPW * 16)])

    return k(packed, table, lutcc)


_CB = 128


def _mlp_body(g_ref, cnt_ref, cent_ref, w0_ref, b0_ref, w1_ref, b1_ref,
              w2_ref, b2_ref, nf_ref, mp_ref):
    g3 = g_ref[...]
    kk = cnt_ref[...][:, 0][:, None, None]
    sid = lax.broadcasted_iota(jnp.int32, (_CB, _S, 1), 1)
    g3 = jnp.where(sid < kk, g3, jnp.broadcast_to(g3[:, 0:1, :], (_CB, _S, _D)))
    flat = g3.reshape(_CB * _S, _D)
    pose = flat[:, 3:4]
    mask = flat[:, 4:5]
    sp = (mask * jnp.sin(pose)).reshape(_CB, _S)
    cp = (mask * jnp.cos(pose)).reshape(_CB, _S)
    s = jnp.sum(sp, axis=1, keepdims=True)
    c = jnp.sum(cp, axis=1, keepdims=True)
    cnt = jnp.sum(mask.reshape(_CB, _S), axis=1, keepdims=True)
    has = cnt > 0
    mode = jnp.arctan2(jnp.where(has, s, 0.0), jnp.where(has, c, 1.0))
    mp_ref[...] = mode
    ct = jnp.broadcast_to(jnp.cos(mode)[:, :, None], (_CB, _S, 1)).reshape(_CB * _S, 1)
    st = jnp.broadcast_to(jnp.sin(mode)[:, :, None], (_CB, _S, 1)).reshape(_CB * _S, 1)

    centc = jnp.broadcast_to(cent_ref[...][:, None, :], (_CB, _S, 3))
    rel = (flat[:, 0:3] - centc.reshape(_CB * _S, 3)) / jnp.float32(_R)
    r0 = rel[:, 0:1]; r1 = rel[:, 1:2]; r2 = rel[:, 2:3]
    xr = ct * r0 + st * r1
    yr = -st * r0 + ct * r1
    feats = flat[:, 5:5 + _CIN]
    x = jnp.concatenate([xr, yr, r2, feats], axis=1)

    scale = jnp.float32(1.0) / jnp.sqrt(jnp.float32(1.0 + _BN_EPS))

    def layer(h, w_ref, b_ref):
        y = jnp.dot(h, w_ref[...], preferred_element_type=jnp.float32)
        y = (y + b_ref[...]) * scale
        return jnp.maximum(y, 0.0)

    h = layer(x, w0_ref, b0_ref)
    h = layer(h, w1_ref, b1_ref)
    h = layer(h, w2_ref, b2_ref)
    nf_ref[...] = jnp.max(h.reshape(_CB, _S, 64), axis=1)


def _run_mlp(gathered, cnts, cent, w0t, b0, w1t, b1, w2t, b2):
    nc = (_B * _P) // _CB
    return pl.pallas_call(
        _mlp_body,
        grid=(nc,),
        in_specs=[
            pl.BlockSpec((_CB, _S, _D), lambda i: (i, 0, 0)),
            pl.BlockSpec((_CB, 16), lambda i: (i, 0)),
            pl.BlockSpec((_CB, 3), lambda i: (i, 0)),
            pl.BlockSpec((19, 32), lambda i: (0, 0)),
            pl.BlockSpec((1, 32), lambda i: (0, 0)),
            pl.BlockSpec((32, 32), lambda i: (0, 0)),
            pl.BlockSpec((1, 32), lambda i: (0, 0)),
            pl.BlockSpec((32, 64), lambda i: (0, 0)),
            pl.BlockSpec((1, 64), lambda i: (0, 0)),
        ],
        out_specs=[
            pl.BlockSpec((_CB, 64), lambda i: (i, 0)),
            pl.BlockSpec((_CB, 1), lambda i: (i, 0)),
        ],
        out_shape=[jax.ShapeDtypeStruct((_B * _P, 64), jnp.float32),
                   jax.ShapeDtypeStruct((_B * _P, 1), jnp.float32)],
    )(gathered, cnts, cent, w0t, b0, w1t, b1, w2t, b2)


def kernel(xyz, features, point_pose, point_pose_mask, W0, b0, W1, b1, W2, b2):
    inds, new_xyz = _run_fps(xyz)

    xyzT = jnp.transpose(xyz, (0, 2, 1))
    packed = _run_mask(new_xyz, xyzT)

    table = jnp.concatenate(
        [xyz,
         point_pose[..., None],
         point_pose_mask[..., None],
         jnp.transpose(features, (0, 2, 1)),
         jnp.zeros((_B, _N, _D - 5 - _CIN), jnp.float32)], axis=-1)
    table = table.reshape(_B * _N, _D)

    gathered, cnts = _sc_compact_gather(packed.reshape(_B * _P, _W), table,
                                        _make_lutcc())
    cnts = cnts.reshape(_B * _P, 16)

    nf, mp = _run_mlp(gathered, cnts, new_xyz.reshape(_B * _P, 3),
                      jnp.transpose(W0, (1, 0)), b0[None, :],
                      jnp.transpose(W1, (1, 0)), b1[None, :],
                      jnp.transpose(W2, (1, 0)), b2[None, :])

    new_features = jnp.transpose(nf.reshape(_B, _P, 64), (0, 2, 1))
    mode_pose = mp.reshape(_B, _P)
    return (new_xyz, new_features, inds.astype(jnp.int64), mode_pose)

# --- scband reference (transcript-rebuilt; emitter-appended) ---
"""Pipeline reference for scband-pointnet-samodule-votes-38044820308009 (READ-ONLY COPY).

The authoritative reference and input builder live on the scoring server;
editing this copy changes nothing except your own understanding.
"""

import jax, jax.numpy as jnp
import numpy as np

B = 4; N = 8192; NPOINT = 1024; NSAMPLE = 64; RADIUS = 0.2; C_IN = 16
MLP = [C_IN + 3, 32, 32, 64]
BN_EPS = 1e-5
NORMALIZE_XYZ = True


def _fps(xyz, npoint):
    Bb, Nn, _ = xyz.shape
    inds0 = jnp.zeros((Bb, npoint), dtype=jnp.int32)
    mind0 = jnp.full((Bb, Nn), 1e10, dtype=jnp.float32)

    def body(i, carry):
        mind, inds = carry
        last = inds[:, i - 1]
        last_xyz = jnp.take_along_axis(xyz, last[:, None, None], axis=1)
        d = jnp.sum((xyz - last_xyz) ** 2, axis=-1)
        mind = jnp.minimum(mind, d)
        nxt = jnp.argmax(mind, axis=-1).astype(jnp.int32)
        inds = inds.at[:, i].set(nxt)
        return (mind, inds)

    _, inds = jax.lax.fori_loop(1, npoint, body, (mind0, inds0))
    return inds


def _ball_query(xyz, new_xyz, radius, nsample):
    Bb, Nn, _ = xyz.shape
    d2 = (jnp.sum(new_xyz ** 2, -1)[:, :, None]
          + jnp.sum(xyz ** 2, -1)[:, None, :]
          - 2.0 * jnp.einsum('bpd,bnd->bpn', new_xyz, xyz))
    order = jnp.where(d2 <= radius * radius, jnp.arange(Nn)[None, None, :], Nn)
    sidx = jnp.argsort(order, axis=-1)[..., :nsample]
    sval = jnp.take_along_axis(order, sidx, axis=-1)
    valid = sval < Nn
    return jnp.where(valid, sidx, sidx[..., :1]).astype(jnp.int32)


def setup_inputs(seed: int = 0):
    key = jax.random.key(seed)
    ks = jax.random.split(key, 16)
    xyz = jax.random.uniform(ks[0], (B, N, 3), dtype=jnp.float32)
    features = jax.random.normal(ks[1], (B, C_IN, N), dtype=jnp.float32)
    point_pose = jax.random.uniform(ks[2], (B, N), dtype=jnp.float32) * 2.0 * np.pi
    point_pose_mask = jax.random.randint(ks[3], (B, N), 0, 2).astype(jnp.float32)
    inp = dict(xyz=xyz, features=features, point_pose=point_pose,
               point_pose_mask=point_pose_mask)
    for li in range(len(MLP) - 1):
        fan_in = MLP[li]
        bound = 1.0 / np.sqrt(fan_in)
        inp['W%d' % li] = jax.random.uniform(ks[4 + 2 * li], (MLP[li + 1], MLP[li]),
                                             minval=-bound, maxval=bound, dtype=jnp.float32)
        inp['b%d' % li] = jax.random.uniform(ks[5 + 2 * li], (MLP[li + 1],),
                                             minval=-bound, maxval=bound, dtype=jnp.float32)
    return inp


def reference(xyz, features, point_pose, point_pose_mask, W0, b0, W1, b1, W2, b2):
    inds = _fps(xyz, NPOINT)
    new_xyz = jax.vmap(lambda p, i: p[i])(xyz, inds)
    idx = _ball_query(xyz, new_xyz, RADIUS, NSAMPLE)

    grouped_xyz = jax.vmap(lambda p, i: p[i])(xyz, idx)
    grouped_pose = jax.vmap(lambda p, i: p[i])(point_pose, idx)
    grouped_mask = jax.vmap(lambda p, i: p[i])(point_pose_mask, idx)
    grouped_feat = jax.vmap(lambda f, i: f[:, i])(features, idx)

    rel = grouped_xyz - new_xyz[:, :, None, :]
    if NORMALIZE_XYZ:
        rel = rel / RADIUS

    s = jnp.sum(grouped_mask * jnp.sin(grouped_pose), axis=-1)
    c = jnp.sum(grouped_mask * jnp.cos(grouped_pose), axis=-1)
    cnt = jnp.sum(grouped_mask, axis=-1)
    has_fg = cnt > 0
    mode_pose = jnp.arctan2(jnp.where(has_fg, s, 0.0), jnp.where(has_fg, c, 1.0))

    ct = jnp.cos(mode_pose)[:, :, None]
    st = jnp.sin(mode_pose)[:, :, None]
    xr = ct * rel[..., 0] + st * rel[..., 1]
    yr = -st * rel[..., 0] + ct * rel[..., 1]
    rel_rot = jnp.stack([xr, yr, rel[..., 2]], axis=-1)

    g = jnp.concatenate([jnp.transpose(rel_rot, (0, 3, 1, 2)), grouped_feat], axis=1)

    def layer(x, W, b):
        y = jnp.einsum('oc,bcps->bops', W, x) + b[None, :, None, None]
        y = y / jnp.sqrt(1.0 + BN_EPS)
        return jax.nn.relu(y)

    h = layer(g, W0, b0)
    h = layer(h, W1, b1)
    h = layer(h, W2, b2)
    new_features = jnp.max(h, axis=-1)
    return (new_xyz, new_features, inds.astype(jnp.int64), mode_pose)

if __name__ == "__main__":
    import jax
    _d = setup_inputs()
    print(jax.jit(kernel)(*tuple(_d.values())))

</pallas_src>

<mosaic_0001>
#map = affine_map<(d0, d1) -> (0, 0)>
#map1 = affine_map<(d0, d1) -> (0)>
#map2 = affine_map<(d0, d1) -> (0, 0, 0)>
module attributes {stable_mosaic.version = 14 : i64} {
  func.func @k(%arg0: i32, %arg1: i32, %arg2: memref<4096x512xi32, #tpu.memory_space<hbm>>, %arg3: memref<32768x32xf32, #tpu.memory_space<hbm>>, %arg4: memref<4096xi32, #tpu.memory_space<hbm>>, %arg5: memref<4096x64x32xf32, #tpu.memory_space<hbm>>, %arg6: memref<65536xi32, #tpu.memory_space<hbm>>, %arg7: memref<128x512xi32, #tpu.memory_space<vmem>>, %arg8: memref<8224xi32, #tpu.memory_space<vmem>>, %arg9: memref<4096xi32, #tpu.memory_space<vmem>>, %arg10: memref<2048xi32, #tpu.memory_space<vmem>>, %arg11: memref<64x32xf32, #tpu.memory_space<vmem>>, %arg12: memref<!tpu.dma_semaphore, #tpu.memory_space<semaphore_mem>>) attributes {dimension_semantics = [#tpu.dimension_semantics<core_parallel>, #tpu.dimension_semantics<subcore_parallel>], iteration_bounds = array<i64: 2, 16>, scalar_prefetch = 0 : i64, scratch_operands = 6 : i64, tpu.core_type = #tpu.core_type<sc_vector_subcore>, window_params = [{transform_indices = #map}, {transform_indices = #map}, {transform_indices = #map1}, {transform_indices = #map2}, {transform_indices = #map1}]} {
    %mul3A = arith.constant 2 : i32
    %mul3A_0 = arith.muli %arg1, %mul3A : i32
    %add3A = arith.addi %mul3A_0, %arg0 : i32
    %mul3A_1 = arith.constant 128 : i32
    %mul3A_2 = arith.muli %add3A, %mul3A_1 : i32
    %jit3A = arith.constant 1024 : i32
    %div3A = arith.divsi %mul3A_2, %jit3A : i32
    %sign3A = arith.constant 0 : i32
    %sign3A_3 = arith.cmpi sgt, %mul3A_2, %sign3A : i32
    %sign3A_4 = arith.extui %sign3A_3 : i1 to i32
    %sign3A_5 = arith.constant 0 : i32
    %sign3A_6 = arith.cmpi slt, %mul3A_2, %sign3A_5 : i32
    %sign3A_7 = arith.extui %sign3A_6 : i1 to i32
    %sign3A_8 = arith.subi %sign3A_4, %sign3A_7 : i32
    %sign3A_9 = arith.constant 0 : i32
    %sign3A_10 = arith.cmpi sgt, %jit3A, %sign3A_9 : i32
    %sign3A_11 = arith.extui %sign3A_10 : i1 to i32
    %sign3A_12 = arith.constant 0 : i32
    %sign3A_13 = arith.cmpi slt, %jit3A, %sign3A_12 : i32
    %sign3A_14 = arith.extui %sign3A_13 : i1 to i32
    %sign3A_15 = arith.subi %sign3A_11, %sign3A_14 : i32
    %ne3A = arith.cmpi ne, %sign3A_8, %sign3A_15 : i32
    %rem3A = arith.remsi %mul3A_2, %jit3A : i32
    %ne3A_16 = arith.constant 0 : i32
    %ne3A_17 = arith.cmpi ne, %rem3A, %ne3A_16 : i32
    %and3A = arith.andi %ne3A, %ne3A_17 : i1
    %sub3A = arith.constant 1 : i32
    %sub3A_18 = arith.subi %div3A, %sub3A : i32
    %select_n3A = arith.select %and3A, %sub3A_18, %div3A : i32
    %mul3A_19 = arith.constant 8192 : i32
    %mul3A_20 = arith.muli %select_n3A, %mul3A_19 : i32
    "tpu.region"() ({
      %run_scoped3A = tpu.sem_alloc : memref<!tpu.dma_semaphore, #tpu.memory_space<semaphore_mem>>
      %dma_start3A = arith.constant 0 : i32
      %dma_start3A_32 = tpu.memref_slice %arg2[%mul3A_2, %dma_start3A] : memref<4096x512xi32, #tpu.memory_space<hbm>> -> memref<128x512xi32, #tpu.memory_space<hbm>>
      %dma_start3A_33 = arith.constant 0 : i32
      %dma_start3A_34 = tpu.memref_slice %arg2[%mul3A_2, %dma_start3A_33] : memref<4096x512xi32, #tpu.memory_space<hbm>> -> memref<128x512xi32, #tpu.memory_space<hbm>>
      tpu.enqueue_dma source(%dma_start3A_34 : memref<128x512xi32, #tpu.memory_space<hbm>>) target(%arg7 : memref<128x512xi32, #tpu.memory_space<vmem>>) target_semaphore(%run_scoped3A : memref<!tpu.dma_semaphore, #tpu.memory_space<semaphore_mem>>)
      %dma_wait3A = arith.constant 0 : i32
      %dma_wait3A_35 = tpu.memref_slice %arg2[%mul3A_2, %dma_wait3A] : memref<4096x512xi32, #tpu.memory_space<hbm>> -> memref<128x512xi32, #tpu.memory_space<hbm>>
      %dma_wait3A_36 = arith.constant 0 : i32
      %dma_wait3A_37 = tpu.memref_slice %arg2[%mul3A_2, %dma_wait3A_36] : memref<4096x512xi32, #tpu.memory_space<hbm>> -> memref<128x512xi32, #tpu.memory_space<hbm>>
      tpu.wait_dma2 semaphore(%run_scoped3A : memref<!tpu.dma_semaphore, #tpu.memory_space<semaphore_mem>>) src(%dma_wait3A_37 : memref<128x512xi32, #tpu.memory_space<hbm>>) dst(%arg7 : memref<128x512xi32, #tpu.memory_space<vmem>>)
      tpu.yield
    }) : () -> ()
    "tpu.region"() ({
      %run_scoped3A = tpu.sem_alloc : memref<!tpu.dma_semaphore, #tpu.memory_space<semaphore_mem>>
      tpu.enqueue_dma source(%arg4 : memref<4096xi32, #tpu.memory_space<hbm>>) target(%arg9 : memref<4096xi32, #tpu.memory_space<vmem>>) target_semaphore(%run_scoped3A : memref<!tpu.dma_semaphore, #tpu.memory_space<semaphore_mem>>)
      tpu.wait_dma2 semaphore(%run_scoped3A : memref<!tpu.dma_semaphore, #tpu.memory_space<semaphore_mem>>) src(%arg4 : memref<4096xi32, #tpu.memory_space<hbm>>) dst(%arg9 : memref<4096xi32, #tpu.memory_space<vmem>>)
      tpu.yield
    }) : () -> ()
    %iota3A = tpu.iota {dimensions = array<i32: 0>} : vector<16xi32>
    %scan3A = arith.constant 0 : i32
    %scan3A_21 = arith.constant 514 : i32
    %scan3A_22 = arith.addi %scan3A, %scan3A_21 : i32
    %scan3A_23 = arith.constant 1 : i32
    scf.for %scan3A_32 = %scan3A to %scan3A_22 step %scan3A_23  : i32 {
      %mul3A_33 = arith.constant 1 : i32
      %mul3A_34 = arith.muli %scan3A_32, %mul3A_33 : i32
      %add3A_35 = arith.constant 0 : i32
      %add3A_36 = arith.addi %add3A_35, %mul3A_34 : i32
      %add3A_37 = vector.broadcast %mul3A_20 : i32 to vector<16xi32>
      %add3A_38 = arith.addi %iota3A, %add3A_37 : vector<16xi32>
      %mul3A_39 = arith.constant 16 : i32
      %mul3A_40 = arith.muli %add3A_36, %mul3A_39 : i32
      %swap3A = arith.index_cast %mul3A_40 : i32 to index
      %swap3A_41 = tpu.vector_load %arg8[%swap3A] {strides = array<i32>} : memref<8224xi32, #tpu.memory_space<vmem>>, vector<16xi32>,
      %swap3A_42 = vector.shape_cast %swap3A_41 : vector<16xi32> to vector<16xi32>
      %swap3A_43 = vector.shape_cast %add3A_38 : vector<16xi32> to vector<16xi32>
      tpu.vector_store %arg8[%swap3A], %swap3A_43 {strides = array<i32>} : memref<8224xi32, #tpu.memory_space<vmem>>, vector<16xi32>,
    }
    %scan3A_24 = arith.constant 514 : i32
    %scan3A_25 = arith.constant 0 : i32
    %scan3A_26 = arith.constant 128 : i32
    %scan3A_27 = arith.addi %scan3A_25, %scan3A_26 : i32
    %scan3A_28 = arith.constant 1 : i32
    scf.for %scan3A_32 = %scan3A_25 to %scan3A_27 step %scan3A_28  : i32 {
      %mul3A_33 = arith.constant 1 : i32
      %mul3A_34 = arith.muli %scan3A_32, %mul3A_33 : i32
      %add3A_35 = arith.constant 0 : i32
      %add3A_36 = arith.addi %add3A_35, %mul3A_34 : i32
      %scan3A_37 = arith.constant 0 : i32
      %scan3A_38 = arith.constant 0 : i32
      %scan3A_39 = arith.constant 32 : i32
      %scan3A_40 = arith.addi %scan3A_38, %scan3A_39 : i32
      %scan3A_41 = arith.constant 1 : i32
      %scan3A_42 = scf.for %scan3A_60 = %scan3A_38 to %scan3A_40 step %scan3A_41 iter_args(%scan3A_61 = %scan3A_37) -> (i32)  : i32 {
        %mul3A_62 = arith.constant 1 : i32
        %mul3A_63 = arith.muli %scan3A_60, %mul3A_62 : i32
        %add3A_64 = arith.constant 0 : i32
        %add3A_65 = arith.addi %add3A_64, %mul3A_63 : i32
        %mul3A_66 = arith.constant 16 : i32
        %mul3A_67 = arith.muli %add3A_65, %mul3A_66 : i32
        %get3A = arith.index_cast %add3A_36 : i32 to index
        %get3A_68 = arith.index_cast %mul3A_67 : i32 to index
        %get3A_69 = tpu.vector_load %arg7[%get3A, %get3A_68] {strides = array<i32>} : memref<128x512xi32, #tpu.memory_space<vmem>>, vector<1x16xi32>,
        %get3A_70 = vector.shape_cast %get3A_69 : vector<1x16xi32> to vector<16xi32>
        %slice3A = vector.extract_strided_slice %get3A_70 {offsets = [0], sizes = [1], strides = [1]} : vector<16xi32> to vector<1xi32>
        %squeeze3A = vector.extract %slice3A[0] : i32 from vector<1xi32>
        %and3A_71 = arith.constant 255 : i32
        %and3A_72 = arith.andi %squeeze3A, %and3A_71 : i32
        %shift_right_logical3A = arith.constant 8 : i32
        %shift_right_logical3A_73 = arith.shrui %squeeze3A, %shift_right_logical3A : i32
        %and3A_74 = arith.constant 255 : i32
        %and3A_75 = arith.andi %shift_right_logical3A_73, %and3A_74 : i32
        %mul3A_76 = arith.constant 16 : i32
        %mul3A_77 = arith.muli %and3A_72, %mul3A_76 : i32
        %get3A_78 = arith.index_cast %mul3A_77 : i32 to index
        %get3A_79 = tpu.vector_load %arg9[%get3A_78] {strides = array<i32>} : memref<4096xi32, #tpu.memory_space<vmem>>, vector<16xi32>,
        %get3A_80 = vector.shape_cast %get3A_79 : vector<16xi32> to vector<16xi32>
        %mul3A_81 = arith.constant 16 : i32
        %mul3A_82 = arith.muli %and3A_75, %mul3A_81 : i32
        %get3A_83 = arith.index_cast %mul3A_82 : i32 to index
        %get3A_84 = tpu.vector_load %arg9[%get3A_83] {strides = array<i32>} : memref<4096xi32, #tpu.memory_space<vmem>>, vector<16xi32>,
        %get3A_85 = vector.shape_cast %get3A_84 : vector<16xi32> to vector<16xi32>
        %slice3A_86 = vector.extract_strided_slice %get3A_80 {offsets = [8], sizes = [1], strides = [1]} : vector<16xi32> to vector<1xi32>
        %squeeze3A_87 = vector.extract %slice3A_86[0] : i32 from vector<1xi32>
        %add3A_88 = arith.constant 8 : i32
        %add3A_89 = arith.addi %squeeze3A_87, %add3A_88 : i32
        %slice3A_90 = vector.extract_strided_slice %get3A_85 {offsets = [8], sizes = [1], strides = [1]} : vector<16xi32> to vector<1xi32>
        %squeeze3A_91 = vector.extract %slice3A_90[0] : i32 from vector<1xi32>
        %add3A_92 = arith.constant 8 : i32
        %add3A_93 = arith.addi %squeeze3A_91, %add3A_92 : i32
        %mul3A_94 = arith.constant 16 : i32
        %mul3A_95 = arith.muli %add3A_65, %mul3A_94 : i32
        %add3A_96 = arith.constant 0 : i32
        %add3A_97 = arith.addi %mul3A_95, %add3A_96 : i32
        %mul3A_98 = arith.constant 16 : i32
        %mul3A_99 = arith.muli %add3A_97, %mul3A_98 : i32
        %add3A_100 = arith.addi %mul3A_99, %mul3A_20 : i32
        %mul3A_101 = arith.constant 64 : i32
        %mul3A_102 = arith.muli %add3A_36, %mul3A_101 : i32
        %min3A = arith.constant 64 : i32
        %min3A_103 = arith.minsi %scan3A_61, %min3A : i32
        %add3A_104 = arith.addi %mul3A_102, %min3A_103 : i32
        %add3A_105 = vector.broadcast %add3A_100 : i32 to vector<16xi32>
        %add3A_106 = arith.addi %get3A_80, %add3A_105 : vector<16xi32>
        %swap3A_107 = arith.index_cast %add3A_104 : i32 to index
        %swap3A_108 = tpu.vector_load %arg8[%swap3A_107] {strides = array<i32>} : memref<8224xi32, #tpu.memory_space<vmem>>, vector<16xi32>,
        %swap3A_109 = vector.shape_cast %swap3A_108 : vector<16xi32> to vector<16xi32>
        %swap3A_110 = vector.shape_cast %add3A_106 : vector<16xi32> to vector<16xi32>
        tpu.vector_store %arg8[%swap3A_107], %swap3A_110 {strides = array<i32>} : memref<8224xi32, #tpu.memory_space<vmem>>, vector<16xi32>,
        %add3A_111 = arith.constant 8 : i32
        %add3A_112 = arith.addi %add3A_100, %add3A_111 : i32
        %add3A_113 = vector.broadcast %add3A_112 : i32 to vector<16xi32>
        %add3A_114 = arith.addi %get3A_85, %add3A_113 : vector<16xi32>
        %add3A_115 = arith.addi %add3A_104, %add3A_89 : i32
        %swap3A_116 = arith.index_cast %add3A_115 : i32 to index
        %swap3A_117 = tpu.vector_load %arg8[%swap3A_116] {strides = array<i32>} : memref<8224xi32, #tpu.memory_space<vmem>>, vector<16xi32>,
        %swap3A_118 = vector.shape_cast %swap3A_117 : vector<16xi32> to vector<16xi32>
        %swap3A_119 = vector.shape_cast %add3A_114 : vector<16xi32> to vector<16xi32>
        tpu.vector_store %arg8[%swap3A_116], %swap3A_119 {strides = array<i32>} : memref<8224xi32, #tpu.memory_space<vmem>>, vector<16xi32>,
        %add3A_120 = arith.addi %scan3A_61, %add3A_89 : i32
        %add3A_121 = arith.addi %add3A_120, %add3A_93 : i32
        %slice3A_122 = vector.extract_strided_slice %get3A_70 {offsets = [1], sizes = [1], strides = [1]} : vector<16xi32> to vector<1xi32>
        %squeeze3A_123 = vector.extract %slice3A_122[0] : i32 from vector<1xi32>
        %and3A_124 = arith.constant 255 : i32
        %and3A_125 = arith.andi %squeeze3A_123, %and3A_124 : i32
        %shift_right_logical3A_126 = arith.constant 8 : i32
        %shift_right_logical3A_127 = arith.shrui %squeeze3A_123, %shift_right_logical3A_126 : i32
        %and3A_128 = arith.constant 255 : i32
        %and3A_129 = arith.andi %shift_right_logical3A_127, %and3A_128 : i32
        %mul3A_130 = arith.constant 16 : i32
        %mul3A_131 = arith.muli %and3A_125, %mul3A_130 : i32
        %get3A_132 = arith.index_cast %mul3A_131 : i32 to index
        %get3A_133 = tpu.vector_load %arg9[%get3A_132] {strides = array<i32>} : memref<4096xi32, #tpu.memory_space<vmem>>, vector<16xi32>,
        %get3A_134 = vector.shape_cast %get3A_133 : vector<16xi32> to vector<16xi32>
        %mul3A_135 = arith.constant 16 : i32
        %mul3A_136 = arith.muli %and3A_129, %mul3A_135 : i32
        %get3A_137 = arith.index_cast %mul3A_136 : i32 to index
        %get3A_138 = tpu.vector_load %arg9[%get3A_137] {strides = array<i32>} : memref<4096xi32, #tpu.memory_space<vmem>>, vector<16xi32>,
        %get3A_139 = vector.shape_cast %get3A_138 : vector<16xi32> to vector<16xi32>
        %slice3A_140 = vector.extract_strided_slice %get3A_134 {offsets = [8], sizes = [1], strides = [1]} : vector<16xi32> to vector<1xi32>
        %squeeze3A_141 = vector.extract %slice3A_140[0] : i32 from vector<1xi32>
        %add3A_142 = arith.constant 8 : i32
        %add3A_143 = arith.addi %squeeze3A_141, %add3A_142 : i32
        %slice3A_144 = vector.extract_strided_slice %get3A_139 {offsets = [8], sizes = [1], strides = [1]} : vector<16xi32> to vector<1xi32>
        %squeeze3A_145 = vector.extract %slice3A_144[0] : i32 from vector<1xi32>
        %add3A_146 = arith.constant 8 : i32
        %add3A_147 = arith.addi %squeeze3A_145, %add3A_146 : i32
        %mul3A_148 = arith.constant 16 : i32
        %mul3A_149 = arith.muli %add3A_65, %mul3A_148 : i32
        %add3A_150 = arith.constant 1 : i32
        %add3A_151 = arith.addi %mul3A_149, %add3A_150 : i32
        %mul3A_152 = arith.constant 16 : i32
        %mul3A_153 = arith.muli %add3A_151, %mul3A_152 : i32
        %add3A_154 = arith.addi %mul3A_153, %mul3A_20 : i32
        %mul3A_155 = arith.constant 64 : i32
        %mul3A_156 = arith.muli %add3A_36, %mul3A_155 : i32
        %min3A_157 = arith.constant 64 : i32
        %min3A_158 = arith.minsi %add3A_121, %min3A_157 : i32
        %add3A_159 = arith.addi %mul3A_156, %min3A_158 : i32
        %add3A_160 = vector.broadcast %add3A_154 : i32 to vector<16xi32>
        %add3A_161 = arith.addi %get3A_134, %add3A_160 : vector<16xi32>
        %swap3A_162 = arith.index_cast %add3A_159 : i32 to index
        %swap3A_163 = tpu.vector_load %arg8[%swap3A_162] {strides = array<i32>} : memref<8224xi32, #tpu.memory_space<vmem>>, vector<16xi32>,
        %swap3A_164 = vector.shape_cast %swap3A_163 : vector<16xi32> to vector<16xi32>
        %swap3A_165 = vector.shape_cast %add3A_161 : vector<16xi32> to vector<16xi32>
        tpu.vector_store %arg8[%swap3A_162], %swap3A_165 {strides = array<i32>} : memref<8224xi32, #tpu.memory_space<vmem>>, vector<16xi32>,
        %add3A_166 = arith.constant 8 : i32
        %add3A_167 = arith.addi %add3A_154, %add3A_166 : i32
        %add3A_168 = vector.broadcast %add3A_167 : i32 to vector<16xi32>
        %add3A_169 = arith.addi %get3A_139, %add3A_168 : vector<16xi32>
        %add3A_170 = arith.addi %add3A_159, %add3A_143 : i32
        %swap3A_171 = arith.index_cast %add3A_170 : i32 to index
        %swap3A_172 = tpu.vector_load %arg8[%swap3A_171] {strides = array<i32>} : memref<8224xi32, #tpu.memory_space<vmem>>, vector<16xi32>,
        %swap3A_173 = vector.shape_cast %swap3A_172 : vector<16xi32> to vector<16xi32>
        %swap3A_174 = vector.shape_cast %add3A_169 : vector<16xi32> to vector<16xi32>
        tpu.vector_store %arg8[%swap3A_171], %swap3A_174 {strides = array<i32>} : memref<8224xi32, #tpu.memory_space<vmem>>, vector<16xi32>,
        %add3A_175 = arith.addi %add3A_121, %add3A_143 : i32
        %add3A_176 = arith.addi %add3A_175, %add3A_147 : i32
        %slice3A_177 = vector.extract_strided_slice %get3A_70 {offsets = [2], sizes = [1], strides = [1]} : vector<16xi32> to vector<1xi32>
        %squeeze3A_178 = vector.extract %slice3A_177[0] : i32 from vector<1xi32>
        %and3A_179 = arith.constant 255 : i32
        %and3A_180 = arith.andi %squeeze3A_178, %and3A_179 : i32
        %shift_right_logical3A_181 = arith.constant 8 : i32
        %shift_right_logical3A_182 = arith.shrui %squeeze3A_178, %shift_right_logical3A_181 : i32
        %and3A_183 = arith.constant 255 : i32
        %and3A_184 = arith.andi %shift_right_logical3A_182, %and3A_183 : i32
        %mul3A_185 = arith.constant 16 : i32
        %mul3A_186 = arith.muli %and3A_180, %mul3A_185 : i32
        %get3A_187 = arith.index_cast %mul3A_186 : i32 to index
        %get3A_188 = tpu.vector_load %arg9[%get3A_187] {strides = array<i32>} : memref<4096xi32, #tpu.memory_space<vmem>>, vector<16xi32>,
        %get3A_189 = vector.shape_cast %get3A_188 : vector<16xi32> to vector<16xi32>
        %mul3A_190 = arith.constant 16 : i32
        %mul3A_191 = arith.muli %and3A_184, %mul3A_190 : i32
        %get3A_192 = arith.index_cast %mul3A_191 : i32 to index
        %get3A_193 = tpu.vector_load %arg9[%get3A_192] {strides = array<i32>} : memref<4096xi32, #tpu.memory_space<vmem>>, vector<16xi32>,
        %get3A_194 = vector.shape_cast %get3A_193 : vector<16xi32> to vector<16xi32>
        %slice3A_195 = vector.extract_strided_slice %get3A_189 {offsets = [8], sizes = [1], strides = [1]} : vector<16xi32> to vector<1xi32>
        %squeeze3A_196 = vector.extract %slice3A_195[0] : i32 from vector<1xi32>
        %add3A_197 = arith.constant 8 : i32
        %add3A_198 = arith.addi %squeeze3A_196, %add3A_197 : i32
        %slice3A_199 = vector.extract_strided_slice %get3A_194 {offsets = [8], sizes = [1], strides = [1]} : vector<16xi32> to vector<1xi32>
        %squeeze3A_200 = vector.extract %slice3A_199[0] : i32 from vector<1xi32>
        %add3A_201 = arith.constant 8 : i32
        %add3A_202 = arith.addi %squeeze3A_200, %add3A_201 : i32
        %mul3A_203 = arith.constant 16 : i32
        %mul3A_204 = arith.muli %add3A_65, %mul3A_203 : i32
        %add3A_205 = arith.constant 2 : i32
        %add3A_206 = arith.addi %mul3A_204, %add3A_205 : i32
        %mul3A_207 = arith.constant 16 : i32
        %mul3A_208 = arith.muli %add3A_206, %mul3A_207 : i32
        %add3A_209 = arith.addi %mul3A_208, %mul3A_20 : i32
        %mul3A_210 = arith.constant 64 : i32
        %mul3A_211 = arith.muli %add3A_36, %mul3A_210 : i32
        %min3A_212 = arith.constant 64 : i32
        %min3A_213 = arith.minsi %add3A_176, %min3A_212 : i32
        %add3A_214 = arith.addi %mul3A_211, %min3A_213 : i32
        %add3A_215 = vector.broadcast %add3A_209 : i32 to vector<16xi32>
        %add3A_216 = arith.addi %get3A_189, %add3A_215 : vector<16xi32>
        %swap3A_217 = arith.index_cast %add3A_214 : i32 to index
        %swap3A_218 = tpu.vector_load %arg8[%swap3A_217] {strides = array<i32>} : memref<8224xi32, #tpu.memory_space<vmem>>, vector<16xi32>,
        %swap3A_219 = vector.shape_cast %swap3A_218 : vector<16xi32> to vector<16xi32>
        %swap3A_220 = vector.shape_cast %add3A_216 : vector<16xi32> to vector<16xi32>
        tpu.vector_store %arg8[%swap3A_217], %swap3A_220 {strides = array<i32>} : memref<8224xi32, #tpu.memory_space<vmem>>, vector<16xi32>,
        %add3A_221 = arith.constant 8 : i32
        %add3A_222 = arith.addi %add3A_209, %add3A_221 : i32
        %add3A_223 = vector.broadcast %add3A_222 : i32 to vector<16xi32>
        %add3A_224 = arith.addi %get3A_194, %add3A_223 : vector<16xi32>
        %add3A_225 = arith.addi %add3A_214, %add3A_198 : i32
        %swap3A_226 = arith.index_cast %add3A_225 : i32 to index
        %swap3A_227 = tpu.vector_load %arg8[%swap3A_226] {strides = array<i32>} : memref<8224xi32, #tpu.memory_space<vmem>>, vector<16xi32>,
        %swap3A_228 = vector.shape_cast %swap3A_227 : vector<16xi32> to vector<16xi32>
        %swap3A_229 = vector.shape_cast %add3A_224 : vector<16xi32> to vector<16xi32>
        tpu.vector_store %arg8[%swap3A_226], %swap3A_229 {strides = array<i32>} : memref<8224xi32, #tpu.memory_space<vmem>>, vector<16xi32>,
        %add3A_230 = arith.addi %add3A_176, %add3A_198 : i32
        %add3A_231 = arith.addi %add3A_230, %add3A_202 : i32
        %slice3A_232 = vector.extract_strided_slice %get3A_70 {offsets = [3], sizes = [1], strides = [1]} : vector<16xi32> to vector<1xi32>
        %squeeze3A_233 = vector.extract %slice3A_232[0] : i32 from vector<1xi32>
        %and3A_234 = arith.constant 255 : i32
        %and3A_235 = arith.andi %squeeze3A_233, %and3A_234 : i32
        %shift_right_logical3A_236 = arith.constant 8 : i32
        %shift_right_logical3A_237 = arith.shrui %squeeze3A_233, %shift_right_logical3A_236 : i32
        %and3A_238 = arith.constant 255 : i32
        %and3A_239 = arith.andi %shift_right_logical3A_237, %and3A_238 : i32
        %mul3A_240 = arith.constant 16 : i32
        %mul3A_241 = arith.muli %and3A_235, %mul3A_240 : i32
        %get3A_242 = arith.index_cast %mul3A_241 : i32 to index
        %get3A_243 = tpu.vector_load %arg9[%get3A_242] {strides = array<i32>} : memref<4096xi32, #tpu.memory_space<vmem>>, vector<16xi32>,
        %get3A_244 = vector.shape_cast %get3A_243 : vector<16xi32> to vector<16xi32>
        %mul3A_245 = arith.constant 16 : i32
        %mul3A_246 = arith.muli %and3A_239, %mul3A_245 : i32
        %get3A_247 = arith.index_cast %mul3A_246 : i32 to index
        %get3A_248 = tpu.vector_load %arg9[%get3A_247] {strides = array<i32>} : memref<4096xi32, #tpu.memory_space<vmem>>, vector<16xi32>,
        %get3A_249 = vector.shape_cast %get3A_248 : vector<16xi32> to vector<16xi32>
        %slice3A_250 = vector.extract_strided_slice %get3A_244 {offsets = [8], sizes = [1], strides = [1]} : vector<16xi32> to vector<1xi32>
        %squeeze3A_251 = vector.extract %slice3A_250[0] : i32 from vector<1xi32>
        %add3A_252 = arith.constant 8 : i32
        %add3A_253 = arith.addi %squeeze3A_251, %add3A_252 : i32
        %slice3A_254 = vector.extract_strided_slice %get3A_249 {offsets = [8], sizes = [1], strides = [1]} : vector<16xi32> to vector<1xi32>
        %squeeze3A_255 = vector.extract %slice3A_254[0] : i32 from vector<1xi32>
        %add3A_256 = arith.constant 8 : i32
        %add3A_257 = arith.addi %squeeze3A_255, %add3A_256 : i32
        %mul3A_258 = arith.constant 16 : i32
        %mul3A_259 = arith.muli %add3A_65, %mul3A_258 : i32
        %add3A_260 = arith.constant 3 : i32
        %add3A_261 = arith.addi %mul3A_259, %add3A_260 : i32
        %mul3A_262 = arith.constant 16 : i32
        %mul3A_263 = arith.muli %add3A_261, %mul3A_262 : i32
        %add3A_264 = arith.addi %mul3A_263, %mul3A_20 : i32
        %mul3A_265 = arith.constant 64 : i32
        %mul3A_266 = arith.muli %add3A_36, %mul3A_265 : i32
        %min3A_267 = arith.constant 64 : i32
        %min3A_268 = arith.minsi %add3A_231, %min3A_267 : i32
        %add3A_269 = arith.addi %mul3A_266, %min3A_268 : i32
        %add3A_270 = vector.broadcast %add3A_264 : i32 to vector<16xi32>
        %add3A_271 = arith.addi %get3A_244, %add3A_270 : vector<16xi32>
        %swap3A_272 = arith.index_cast %add3A_269 : i32 to index
        %swap3A_273 = tpu.vector_load %arg8[%swap3A_272] {strides = array<i32>} : memref<8224xi32, #tpu.memory_space<vmem>>, vector<16xi32>,
        %swap3A_274 = vector.shape_cast %swap3A_273 : vector<16xi32> to vector<16xi32>
        %swap3A_275 = vector.shape_cast %add3A_271 : vector<16xi32> to vector<16xi32>
        tpu.vector_store %arg8[%swap3A_272], %swap3A_275 {strides = array<i32>} : memref<8224xi32, #tpu.memory_space<vmem>>, vector<16xi32>,
        %add3A_276 = arith.constant 8 : i32
        %add3A_277 = arith.addi %add3A_264, %add3A_276 : i32
        %add3A_278 = vector.broadcast %add3A_277 : i32 to vector<16xi32>
        %add3A_279 = arith.addi %get3A_249, %add3A_278 : vector<16xi32>
        %add3A_280 = arith.addi %add3A_269, %add3A_253 : i32
        %swap3A_281 = arith.index_cast %add3A_280 : i32 to index
        %swap3A_282 = tpu.vector_load %arg8[%swap3A_281] {strides = array<i32>} : memref<8224xi32, #tpu.memory_space<vmem>>, vector<16xi32>,
        %swap3A_283 = vector.shape_cast %swap3A_282 : vector<16xi32> to vector<16xi32>
        %swap3A_284 = vector.shape_cast %add3A_279 : vector<16xi32> to vector<16xi32>
        tpu.vector_store %arg8[%swap3A_281], %swap3A_284 {strides = array<i32>} : memref<8224xi32, #tpu.memory_space<vmem>>, vector<16xi32>,
        %add3A_285 = arith.addi %add3A_231, %add3A_253 : i32
        %add3A_286 = arith.addi %add3A_285, %add3A_257 : i32
        %slice3A_287 = vector.extract_strided_slice %get3A_70 {offsets = [4], sizes = [1], strides = [1]} : vector<16xi32> to vector<1xi32>
        %squeeze3A_288 = vector.extract %slice3A_287[0] : i32 from vector<1xi32>
        %and3A_289 = arith.constant 255 : i32
        %and3A_290 = arith.andi %squeeze3A_288, %and3A_289 : i32
        %shift_right_logical3A_291 = arith.constant 8 : i32
        %shift_right_logical3A_292 = arith.shrui %squeeze3A_288, %shift_right_logical3A_291 : i32
        %and3A_293 = arith.constant 255 : i32
        %and3A_294 = arith.andi %shift_right_logical3A_292, %and3A_293 : i32
        %mul3A_295 = arith.constant 16 : i32
        %mul3A_296 = arith.muli %and3A_290, %mul3A_295 : i32
        %get3A_297 = arith.index_cast %mul3A_296 : i32 to index
        %get3A_298 = tpu.vector_load %arg9[%get3A_297] {strides = array<i32>} : memref<4096xi32, #tpu.memory_space<vmem>>, vector<16xi32>,
        %get3A_299 = vector.shape_cast %get3A_298 : vector<16xi32> to vector<16xi32>
        %mul3A_300 = arith.constant 16 : i32
        %mul3A_301 = arith.muli %and3A_294, %mul3A_300 : i32
        %get3A_302 = arith.index_cast %mul3A_301 : i32 to index
        %get3A_303 = tpu.vector_load %arg9[%get3A_302] {strides = array<i32>} : memref<4096xi32, #tpu.memory_space<vmem>>, vector<16xi32>,
        %get3A_304 = vector.shape_cast %get3A_303 : vector<16xi32> to vector<16xi32>
        %slice3A_305 = vector.extract_strided_slice %get3A_299 {offsets = [8], sizes = [1], strides = [1]} : vector<16xi32> to vector<1xi32>
        %squeeze3A_306 = vector.extract %slice3A_305[0] : i32 from vector<1xi32>
        %add3A_307 = arith.constant 8 : i32
        %add3A_308 = arith.addi %squeeze3A_306, %add3A_307 : i32
        %slice3A_309 = vector.extract_strided_slice %get3A_304 {offsets = [8], sizes = [1], strides = [1]} : vector<16xi32> to vector<1xi32>
        %squeeze3A_310 = vector.extract %slice3A_309[0] : i32 from vector<1xi32>
        %add3A_311 = arith.constant 8 : i32
        %add3A_312 = arith.addi %squeeze3A_310, %add3A_311 : i32
        %mul3A_313 = arith.constant 16 : i32
        %mul3A_314 = arith.muli %add3A_65, %mul3A_313 : i32
        %add3A_315 = arith.constant 4 : i32
        %add3A_316 = arith.addi %mul3A_314, %add3A_315 : i32
        %mul3A_317 = arith.constant 16 : i32
        %mul3A_318 = arith.muli %add3A_316, %mul3A_317 : i32
        %add3A_319 = arith.addi %mul3A_318, %mul3A_20 : i32
        %mul3A_320 = arith.constant 64 : i32
        %mul3A_321 = arith.muli %add3A_36, %mul3A_320 : i32
        %min3A_322 = arith.constant 64 : i32
        %min3A_323 = arith.minsi %add3A_286, %min3A_322 : i32
        %add3A_324 = arith.addi %mul3A_321, %min3A_323 : i32
        %add3A_325 = vector.broadcast %add3A_319 : i32 to vector<16xi32>
        %add3A_326 = arith.addi %get3A_299, %add3A_325 : vector<16xi32>
        %swap3A_327 = arith.index_cast %add3A_324 : i32 to index
        %swap3A_328 = tpu.vector_load %arg8[%swap3A_327] {strides = array<i32>} : memref<8224xi32, #tpu.memory_space<vmem>>, vector<16xi32>,
        %swap3A_329 = vector.shape_cast %swap3A_328 : vector<16xi32> to vector<16xi32>
        %swap3A_330 = vector.shape_cast %add3A_326 : vector<16xi32> to vector<16xi32>
        tpu.vector_store %arg8[%swap3A_327], %swap3A_330 {strides = array<i32>} : memref<8224xi32, #tpu.memory_space<vmem>>, vector<16xi32>,
        %add3A_331 = arith.constant 8 : i32
        %add3A_332 = arith.addi %add3A_319, %add3A_331 : i32
        %add3A_333 = vector.broadcast %add3A_332 : i32 to vector<16xi32>
        %add3A_334 = arith.addi %get3A_304, %add3A_333 : vector<16xi32>
        %add3A_335 = arith.addi %add3A_324, %add3A_308 : i32
        %swap3A_336 = arith.index_cast %add3A_335 : i32 to index
        %swap3A_337 = tpu.vector_load %arg8[%swap3A_336] {strides = array<i32>} : memref<8224xi32, #tpu.memory_space<vmem>>, vector<16xi32>,
        %swap3A_338 = vector.shape_cast %swap3A_337 : vector<16xi32> to vector<16xi32>
        %swap3A_339 = vector.shape_cast %add3A_334 : vector<16xi32> to vector<16xi32>
        tpu.vector_store %arg8[%swap3A_336], %swap3A_339 {strides = array<i32>} : memref<8224xi32, #tpu.memory_space<vmem>>, vector<16xi32>,
        %add3A_340 = arith.addi %add3A_286, %add3A_308 : i32
        %add3A_341 = arith.addi %add3A_340, %add3A_312 : i32
        %slice3A_342 = vector.extract_strided_slice %get3A_70 {offsets = [5], sizes = [1], strides = [1]} : vector<16xi32> to vector<1xi32>
        %squeeze3A_343 = vector.extract %slice3A_342[0] : i32 from vector<1xi32>
        %and3A_344 = arith.constant 255 : i32
        %and3A_345 = arith.andi %squeeze3A_343, %and3A_344 : i32
        %shift_right_logical3A_346 = arith.constant 8 : i32
        %shift_right_logical3A_347 = arith.shrui %squeeze3A_343, %shift_right_logical3A_346 : i32
        %and3A_348 = arith.constant 255 : i32
        %and3A_349 = arith.andi %shift_right_logical3A_347, %and3A_348 : i32
        %mul3A_350 = arith.constant 16 : i32
        %mul3A_351 = arith.muli %and3A_345, %mul3A_350 : i32
        %get3A_352 = arith.index_cast %mul3A_351 : i32 to index
        %get3A_353 = tpu.vector_load %arg9[%get3A_352] {strides = array<i32>} : memref<4096xi32, #tpu.memory_space<vmem>>, vector<16xi32>,
        %get3A_354 = vector.shape_cast %get3A_353 : vector<16xi32> to vector<16xi32>
        %mul3A_355 = arith.constant 16 : i32
        %mul3A_356 = arith.muli %and3A_349, %mul3A_355 : i32
        %get3A_357 = arith.index_cast %mul3A_356 : i32 to index
        %get3A_358 = tpu.vector_load %arg9[%get3A_357] {strides = array<i32>} : memref<4096xi32, #tpu.memory_space<vmem>>, vector<16xi32>,
        %get3A_359 = vector.shape_cast %get3A_358 : vector<16xi32> to vector<16xi32>
        %slice3A_360 = vector.extract_strided_slice %get3A_354 {offsets = [8], sizes = [1], strides = [1]} : vector<16xi32> to vector<1xi32>
        %squeeze3A_361 = vector.extract %slice3A_360[0] : i32 from vector<1xi32>
        %add3A_362 = arith.constant 8 : i32
        %add3A_363 = arith.addi %squeeze3A_361, %add3A_362 : i32
        %slice3A_364 = vector.extract_strided_slice %get3A_359 {offsets = [8], sizes = [1], strides = [1]} : vector<16xi32> to vector<1xi32>
        %squeeze3A_365 = vector.extract %slice3A_364[0] : i32 from vector<1xi32>
        %add3A_366 = arith.constant 8 : i32
        %add3A_367 = arith.addi %squeeze3A_365, %add3A_366 : i32
        %mul3A_368 = arith.constant 16 : i32
        %mul3A_369 = arith.muli %add3A_65, %mul3A_368 : i32
        %add3A_370 = arith.constant 5 : i32
        %add3A_371 = arith.addi %mul3A_369, %add3A_370 : i32
        %mul3A_372 = arith.constant 16 : i32
        %mul3A_373 = arith.muli %add3A_371, %mul3A_372 : i32
        %add3A_374 = arith.addi %mul3A_373, %mul3A_20 : i32
        %mul3A_375 = arith.constant 64 : i32
        %mul3A_376 = arith.muli %add3A_36, %mul3A_375 : i32
        %min3A_377 = arith.constant 64 : i32
        %min3A_378 = arith.minsi %add3A_341, %min3A_377 : i32
        %add3A_379 = arith.addi %mul3A_376, %min3A_378 : i32
        %add3A_380 = vector.broadcast %add3A_374 : i32 to vector<16xi32>
        %add3A_381 = arith.addi %get3A_354, %add3A_380 : vector<16xi32>
        %swap3A_382 = arith.index_cast %add3A_379 : i32 to index
        %swap3A_383 = tpu.vector_load %arg8[%swap3A_382] {strides = array<i32>} : memref<8224xi32, #tpu.memory_space<vmem>>, vector<16xi32>,
        %swap3A_384 = vector.shape_cast %swap3A_383 : vector<16xi32> to vector<16xi32>
        %swap3A_385 = vector.shape_cast %add3A_381 : vector<16xi32> to vector<16xi32>
        tpu.vector_store %arg8[%swap3A_382], %swap3A_385 {strides = array<i32>} : memref<8224xi32, #tpu.memory_space<vmem>>, vector<16xi32>,
        %add3A_386 = arith.constant 8 : i32
        %add3A_387 = arith.addi %add3A_374, %add3A_386 : i32
        %add3A_388 = vector.broadcast %add3A_387 : i32 to vector<16xi32>
        %add3A_389 = arith.addi %get3A_359, %add3A_388 : vector<16xi32>
        %add3A_390 = arith.addi %add3A_379, %add3A_363 : i32
        %swap3A_391 = arith.index_cast %add3A_390 : i32 to index
        %swap3A_392 = tpu.vector_load %arg8[%swap3A_391] {strides = array<i32>} : memref<8224xi32, #tpu.memory_space<vmem>>, vector<16xi32>,
        %swap3A_393 = vector.shape_cast %swap3A_392 : vector<16xi32> to vector<16xi32>
        %swap3A_394 = vector.shape_cast %add3A_389 : vector<16xi32> to vector<16xi32>
        tpu.vector_store %arg8[%swap3A_391], %swap3A_394 {strides = array<i32>} : memref<8224xi32, #tpu.memory_space<vmem>>, vector<16xi32>,
        %add3A_395 = arith.addi %add3A_341, %add3A_363 : i32
        %add3A_396 = arith.addi %add3A_395, %add3A_367 : i32
        %slice3A_397 = vector.extract_strided_slice %get3A_70 {offsets = [6], sizes = [1], strides = [1]} : vector<16xi32> to vector<1xi32>
        %squeeze3A_398 = vector.extract %slice3A_397[0] : i32 from vector<1xi32>
        %and3A_399 = arith.constant 255 : i32
        %and3A_400 = arith.andi %squeeze3A_398, %and3A_399 : i32
        %shift_right_logical3A_401 = arith.constant 8 : i32
        %shift_right_logical3A_402 = arith.shrui %squeeze3A_398, %shift_right_logical3A_401 : i32
        %and3A_403 = arith.constant 255 : i32
        %and3A_404 = arith.andi %shift_right_logical3A_402, %and3A_403 : i32
        %mul3A_405 = arith.constant 16 : i32
        %mul3A_406 = arith.muli %and3A_400, %mul3A_405 : i32
        %get3A_407 = arith.index_cast %mul3A_406 : i32 to index
        %get3A_408 = tpu.vector_load %arg9[%get3A_407] {strides = array<i32>} : memref<4096xi32, #tpu.memory_space<vmem>>, vector<16xi32>,
        %get3A_409 = vector.shape_cast %get3A_408 : vector<16xi32> to vector<16xi32>
        %mul3A_410 = arith.constant 16 : i32
        %mul3A_411 = arith.muli %and3A_404, %mul3A_410 : i32
        %get3A_412 = arith.index_cast %mul3A_411 : i32 to index
        %get3A_413 = tpu.vector_load %arg9[%get3A_412] {strides = array<i32>} : memref<4096xi32, #tpu.memory_space<vmem>>, vector<16xi32>,
        %get3A_414 = vector.shape_cast %get3A_413 : vector<16xi32> to vector<16xi32>
        %slice3A_415 = vector.extract_strided_slice %get3A_409 {offsets = [8], sizes = [1], strides = [1]} : vector<16xi32> to vector<1xi32>
        %squeeze3A_416 = vector.extract %slice3A_415[0] : i32 from vector<1xi32>
        %add3A_417 = arith.constant 8 : i32
        %add3A_418 = arith.addi %squeeze3A_416, %add3A_417 : i32
        %slice3A_419 = vector.extract_strided_slice %get3A_414 {offsets = [8], sizes = [1], strides = [1]} : vector<16xi32> to vector<1xi32>
        %squeeze3A_420 = vector.extract %slice3A_419[0] : i32 from vector<1xi32>
        %add3A_421 = arith.constant 8 : i32
        %add3A_422 = arith.addi %squeeze3A_420, %add3A_421 : i32
        %mul3A_423 = arith.constant 16 : i32
        %mul3A_424 = arith.muli %add3A_65, %mul3A_423 : i32
        %add3A_425 = arith.constant 6 : i32
        %add3A_426 = arith.addi %mul3A_424, %add3A_425 : i32
        %mul3A_427 = arith.constant 16 : i32
        %mul3A_428 = arith.muli %add3A_426, %mul3A_427 : i32
        %add3A_429 = arith.addi %mul3A_428, %mul3A_20 : i32
        %mul3A_430 = arith.constant 64 : i32
        %mul3A_431 = arith.muli %add3A_36, %mul3A_430 : i32
        %min3A_432 = arith.constant 64 : i32
        %min3A_433 = arith.minsi %add3A_396, %min3A_432 : i32
        %add3A_434 = arith.addi %mul3A_431, %min3A_433 : i32
        %add3A_435 = vector.broadcast %add3A_429 : i32 to vector<16xi32>
        %add3A_436 = arith.addi %get3A_409, %add3A_435 : vector<16xi32>
        %swap3A_437 = arith.index_cast %add3A_434 : i32 to index
        %swap3A_438 = tpu.vector_load %arg8[%swap3A_437] {strides = array<i32>} : memref<8224xi32, #tpu.memory_space<vmem>>, vector<16xi32>,
        %swap3A_439 = vector.shape_cast %swap3A_438 : vector<16xi32> to vector<16xi32>
        %swap3A_440 = vector.shape_cast %add3A_436 : vector<16xi32> to vector<16xi32>
        tpu.vector_store %arg8[%swap3A_437], %swap3A_440 {strides = array<i32>} : memref<8224xi32, #tpu.memory_space<vmem>>, vector<16xi32>,
        %add3A_441 = arith.constant 8 : i32
        %add3A_442 = arith.addi %add3A_429, %add3A_441 : i32
        %add3A_443 = vector.broadcast %add3A_442 : i32 to vector<16xi32>
        %add3A_444 = arith.addi %get3A_414, %add3A_443 : vector<16xi32>
        %add3A_445 = arith.addi %add3A_434, %add3A_418 : i32
        %swap3A_446 = arith.index_cast %add3A_445 : i32 to index
        %swap3A_447 = tpu.vector_load %arg8[%swap3A_446] {strides = array<i32>} : memref<8224xi32, #tpu.memory_space<vmem>>, vector<16xi32>,
        %swap3A_448 = vector.shape_cast %swap3A_447 : vector<16xi32> to vector<16xi32>
        %swap3A_449 = vector.shape_cast %add3A_444 : vector<16xi32> to vector<16xi32>
        tpu.vector_store %arg8[%swap3A_446], %swap3A_449 {strides = array<i32>} : memref<8224xi32, #tpu.memory_space<vmem>>, vector<16xi32>,
        %add3A_450 = arith.addi %add3A_396, %add3A_418 : i32
        %add3A_451 = arith.addi %add3A_450, %add3A_422 : i32
        %slice3A_452 = vector.extract_strided_slice %get3A_70 {offsets = [7], sizes = [1], strides = [1]} : vector<16xi32> to vector<1xi32>
        %squeeze3A_453 = vector.extract %slice3A_452[0] : i32 from vector<1xi32>
        %and3A_454 = arith.constant 255 : i32
        %and3A_455 = arith.andi %squeeze3A_453, %and3A_454 : i32
        %shift_right_logical3A_456 = arith.constant 8 : i32
        %shift_right_logical3A_457 = arith.shrui %squeeze3A_453, %shift_right_logical3A_456 : i32
        %and3A_458 = arith.constant 255 : i32
        %and3A_459 = arith.andi %shift_right_logical3A_457, %and3A_458 : i32
        %mul3A_460 = arith.constant 16 : i32
        %mul3A_461 = arith.muli %and3A_455, %mul3A_460 : i32
        %get3A_462 = arith.index_cast %mul3A_461 : i32 to index
        %get3A_463 = tpu.vector_load %arg9[%get3A_462] {strides = array<i32>} : memref<4096xi32, #tpu.memory_space<vmem>>, vector<16xi32>,
        %get3A_464 = vector.shape_cast %get3A_463 : vector<16xi32> to vector<16xi32>
        %mul3A_465 = arith.constant 16 : i32
        %mul3A_466 = arith.muli %and3A_459, %mul3A_465 : i32
        %get3A_467 = arith.index_cast %mul3A_466 : i32 to index
        %get3A_468 = tpu.vector_load %arg9[%get3A_467] {strides = array<i32>} : memref<4096xi32, #tpu.memory_space<vmem>>, vector<16xi32>,
        %get3A_469 = vector.shape_cast %get3A_468 : vector<16xi32> to vector<16xi32>
        %slice3A_470 = vector.extract_strided_slice %get3A_464 {offsets = [8], sizes = [1], strides = [1]} : vector<16xi32> to vector<1xi32>
        %squeeze3A_471 = vector.extract %slice3A_470[0] : i32 from vector<1xi32>
        %add3A_472 = arith.constant 8 : i32
        %add3A_473 = arith.addi %squeeze3A_471, %add3A_472 : i32
        %slice3A_474 = vector.extract_strided_slice %get3A_469 {offsets = [8], sizes = [1], strides = [1]} : vector<16xi32> to vector<1xi32>
        %squeeze3A_475 = vector.extract %slice3A_474[0] : i32 from vector<1xi32>
        %add3A_476 = arith.constant 8 : i32
        %add3A_477 = arith.addi %squeeze3A_475, %add3A_476 : i32
        %mul3A_478 = arith.constant 16 : i32
        %mul3A_479 = arith.muli %add3A_65, %mul3A_478 : i32
        %add3A_480 = arith.constant 7 : i32
        %add3A_481 = arith.addi %mul3A_479, %add3A_480 : i32
        %mul3A_482 = arith.constant 16 : i32
        %mul3A_483 = arith.muli %add3A_481, %mul3A_482 : i32
        %add3A_484 = arith.addi %mul3A_483, %mul3A_20 : i32
        %mul3A_485 = arith.constant 64 : i32
        %mul3A_486 = arith.muli %add3A_36, %mul3A_485 : i32
        %min3A_487 = arith.constant 64 : i32
        %min3A_488 = arith.minsi %add3A_451, %min3A_487 : i32
        %add3A_489 = arith.addi %mul3A_486, %min3A_488 : i32
        %add3A_490 = vector.broadcast %add3A_484 : i32 to vector<16xi32>
        %add3A_491 = arith.addi %get3A_464, %add3A_490 : vector<16xi32>
        %swap3A_492 = arith.index_cast %add3A_489 : i32 to index
        %swap3A_493 = tpu.vector_load %arg8[%swap3A_492] {strides = array<i32>} : memref<8224xi32, #tpu.memory_space<vmem>>, vector<16xi32>,
        %swap3A_494 = vector.shape_cast %swap3A_493 : vector<16xi32> to vector<16xi32>
        %swap3A_495 = vector.shape_cast %add3A_491 : vector<16xi32> to vector<16xi32>
        tpu.vector_store %arg8[%swap3A_492], %swap3A_495 {strides = array<i32>} : memref<8224xi32, #tpu.memory_space<vmem>>, vector<16xi32>,
        %add3A_496 = arith.constant 8 : i32
        %add3A_497 = arith.addi %add3A_484, %add3A_496 : i32
        %add3A_498 = vector.broadcast %add3A_497 : i32 to vector<16xi32>
        %add3A_499 = arith.addi %get3A_469, %add3A_498 : vector<16xi32>
        %add3A_500 = arith.addi %add3A_489, %add3A_473 : i32
        %swap3A_501 = arith.index_cast %add3A_500 : i32 to index
        %swap3A_502 = tpu.vector_load %arg8[%swap3A_501] {strides = array<i32>} : memref<8224xi32, #tpu.memory_space<vmem>>, vector<16xi32>,
        %swap3A_503 = vector.shape_cast %swap3A_502 : vector<16xi32> to vector<16xi32>
        %swap3A_504 = vector.shape_cast %add3A_499 : vector<16xi32> to vector<16xi32>
        tpu.vector_store %arg8[%swap3A_501], %swap3A_504 {strides = array<i32>} : memref<8224xi32, #tpu.memory_space<vmem>>, vector<16xi32>,
        %add3A_505 = arith.addi %add3A_451, %add3A_473 : i32
        %add3A_506 = arith.addi %add3A_505, %add3A_477 : i32
        %slice3A_507 = vector.extract_strided_slice %get3A_70 {offsets = [8], sizes = [1], strides = [1]} : vector<16xi32> to vector<1xi32>
        %squeeze3A_508 = vector.extract %slice3A_507[0] : i32 from vector<1xi32>
        %and3A_509 = arith.constant 255 : i32
        %and3A_510 = arith.andi %squeeze3A_508, %and3A_509 : i32
        %shift_right_logical3A_511 = arith.constant 8 : i32
        %shift_right_logical3A_512 = arith.shrui %squeeze3A_508, %shift_right_logical3A_511 : i32
        %and3A_513 = arith.constant 255 : i32
        %and3A_514 = arith.andi %shift_right_logical3A_512, %and3A_513 : i32
        %mul3A_515 = arith.constant 16 : i32
        %mul3A_516 = arith.muli %and3A_510, %mul3A_515 : i32
        %get3A_517 = arith.index_cast %mul3A_516 : i32 to index
        %get3A_518 = tpu.vector_load %arg9[%get3A_517] {strides = array<i32>} : memref<4096xi32, #tpu.memory_space<vmem>>, vector<16xi32>,
        %get3A_519 = vector.shape_cast %get3A_518 : vector<16xi32> to vector<16xi32>
        %mul3A_520 = arith.constant 16 : i32
        %mul3A_521 = arith.muli %and3A_514, %mul3A_520 : i32
        %get3A_522 = arith.index_cast %mul3A_521 : i32 to index
        %get3A_523 = tpu.vector_load %arg9[%get3A_522] {strides = array<i32>} : memref<4096xi32, #tpu.memory_space<vmem>>, vector<16xi32>,
        %get3A_524 = vector.shape_cast %get3A_523 : vector<16xi32> to vector<16xi32>
        %slice3A_525 = vector.extract_strided_slice %get3A_519 {offsets = [8], sizes = [1], strides = [1]} : vector<16xi32> to vector<1xi32>
        %squeeze3A_526 = vector.extract %slice3A_525[0] : i32 from vector<1xi32>
        %add3A_527 = arith.constant 8 : i32
        %add3A_528 = arith.addi %squeeze3A_526, %add3A_527 : i32
        %slice3A_529 = vector.extract_strided_slice %get3A_524 {offsets = [8], sizes = [1], strides = [1]} : vector<16xi32> to vector<1xi32>
        %squeeze3A_530 = vector.extract %slice3A_529[0] : i32 from vector<1xi32>
        %add3A_531 = arith.constant 8 : i32
        %add3A_532 = arith.addi %squeeze3A_530, %add3A_531 : i32
        %mul3A_533 = arith.constant 16 : i32
        %mul3A_534 = arith.muli %add3A_65, %mul3A_533 : i32
        %add3A_535 = arith.constant 8 : i32
        %add3A_536 = arith.addi %mul3A_534, %add3A_535 : i32
        %mul3A_537 = arith.constant 16 : i32
        %mul3A_538 = arith.muli %add3A_536, %mul3A_537 : i32
        %add3A_539 = arith.addi %mul3A_538, %mul3A_20 : i32
        %mul3A_540 = arith.constant 64 : i32
        %mul3A_541 = arith.muli %add3A_36, %mul3A_540 : i32
        %min3A_542 = arith.constant 64 : i32
        %min3A_543 = arith.minsi %add3A_506, %min3A_542 : i32
        %add3A_544 = arith.addi %mul3A_541, %min3A_543 : i32
        %add3A_545 = vector.broadcast %add3A_539 : i32 to vector<16xi32>
        %add3A_546 = arith.addi %get3A_519, %add3A_545 : vector<16xi32>
        %swap3A_547 = arith.index_cast %add3A_544 : i32 to index
        %swap3A_548 = tpu.vector_load %arg8[%swap3A_547] {strides = array<i32>} : memref<8224xi32, #tpu.memory_space<vmem>>, vector<16xi32>,
        %swap3A_549 = vector.shape_cast %swap3A_548 : vector<16xi32> to vector<16xi32>
        %swap3A_550 = vector.shape_cast %add3A_546 : vector<16xi32> to vector<16xi32>
        tpu.vector_store %arg8[%swap3A_547], %swap3A_550 {strides = array<i32>} : memref<8224xi32, #tpu.memory_space<vmem>>, vector<16xi32>,
        %add3A_551 = arith.constant 8 : i32
        %add3A_552 = arith.addi %add3A_539, %add3A_551 : i32
        %add3A_553 = vector.broadcast %add3A_552 : i32 to vector<16xi32>
        %add3A_554 = arith.addi %get3A_524, %add3A_553 : vector<16xi32>
        %add3A_555 = arith.addi %add3A_544, %add3A_528 : i32
        %swap3A_556 = arith.index_cast %add3A_555 : i32 to index
        %swap3A_557 = tpu.vector_load %arg8[%swap3A_556] {strides = array<i32>} : memref<8224xi32, #tpu.memory_space<vmem>>, vector<16xi32>,
        %swap3A_558 = vector.shape_cast %swap3A_557 : vector<16xi32> to vector<16xi32>
        %swap3A_559 = vector.shape_cast %add3A_554 : vector<16xi32> to vector<16xi32>
        tpu.vector_store %arg8[%swap3A_556], %swap3A_559 {strides = array<i32>} : memref<8224xi32, #tpu.memory_space<vmem>>, vector<16xi32>,
        %add3A_560 = arith.addi %add3A_506, %add3A_528 : i32
        %add3A_561 = arith.addi %add3A_560, %add3A_532 : i32
        %slice3A_562 = vector.extract_strided_slice %get3A_70 {offsets = [9], sizes = [1], strides = [1]} : vector<16xi32> to vector<1xi32>
        %squeeze3A_563 = vector.extract %slice3A_562[0] : i32 from vector<1xi32>
        %and3A_564 = arith.constant 255 : i32
        %and3A_565 = arith.andi %squeeze3A_563, %and3A_564 : i32
        %shift_right_logical3A_566 = arith.constant 8 : i32
        %shift_right_logical3A_567 = arith.shrui %squeeze3A_563, %shift_right_logical3A_566 : i32
        %and3A_568 = arith.constant 255 : i32
        %and3A_569 = arith.andi %shift_right_logical3A_567, %and3A_568 : i32
        %mul3A_570 = arith.constant 16 : i32
        %mul3A_571 = arith.muli %and3A_565, %mul3A_570 : i32
        %get3A_572 = arith.index_cast %mul3A_571 : i32 to index
        %get3A_573 = tpu.vector_load %arg9[%get3A_572] {strides = array<i32>} : memref<4096xi32, #tpu.memory_space<vmem>>, vector<16xi32>,
        %get3A_574 = vector.shape_cast %get3A_573 : vector<16xi32> to vector<16xi32>
        %mul3A_575 = arith.constant 16 : i32
        %mul3A_576 = arith.muli %and3A_569, %mul3A_575 : i32
        %get3A_577 = arith.index_cast %mul3A_576 : i32 to index
        %get3A_578 = tpu.vector_load %arg9[%get3A_577] {strides = array<i32>} : memref<4096xi32, #tpu.memory_space<vmem>>, vector<16xi32>,
        %get3A_579 = vector.shape_cast %get3A_578 : vector<16xi32> to vector<16xi32>
        %slice3A_580 = vector.extract_strided_slice %get3A_574 {offsets = [8], sizes = [1], strides = [1]} : vector<16xi32> to vector<1xi32>
        %squeeze3A_581 = vector.extract %slice3A_580[0] : i32 from vector<1xi32>
        %add3A_582 = arith.constant 8 : i32
        %add3A_583 = arith.addi %squeeze3A_581, %add3A_582 : i32
        %slice3A_584 = vector.extract_strided_slice %get3A_579 {offsets = [8], sizes = [1], strides = [1]} : vector<16xi32> to vector<1xi32>
        %squeeze3A_585 = vector.extract %slice3A_584[0] : i32 from vector<1xi32>
        %add3A_586 = arith.constant 8 : i32
        %add3A_587 = arith.addi %squeeze3A_585, %add3A_586 : i32
        %mul3A_588 = arith.constant 16 : i32
        %mul3A_589 = arith.muli %add3A_65, %mul3A_588 : i32
        %add3A_590 = arith.constant 9 : i32
        %add3A_591 = arith.addi %mul3A_589, %add3A_590 : i32
        %mul3A_592 = arith.constant 16 : i32
        %mul3A_593 = arith.muli %add3A_591, %mul3A_592 : i32
        %add3A_594 = arith.addi %mul3A_593, %mul3A_20 : i32
        %mul3A_595 = arith.constant 64 : i32
        %mul3A_596 = arith.muli %add3A_36, %mul3A_595 : i32
        %min3A_597 = arith.constant 64 : i32
        %min3A_598 = arith.minsi %add3A_561, %min3A_597 : i32
        %add3A_599 = arith.addi %mul3A_596, %min3A_598 : i32
        %add3A_600 = vector.broadcast %add3A_594 : i32 to vector<16xi32>
        %add3A_601 = arith.addi %get3A_574, %add3A_600 : vector<16xi32>
        %swap3A_602 = arith.index_cast %add3A_599 : i32 to index
        %swap3A_603 = tpu.vector_load %arg8[%swap3A_602] {strides = array<i32>} : memref<8224xi32, #tpu.memory_space<vmem>>, vector<16xi32>,
        %swap3A_604 = vector.shape_cast %swap3A_603 : vector<16xi32> to vector<16xi32>
        %swap3A_605 = vector.shape_cast %add3A_601 : vector<16xi32> to vector<16xi32>
        tpu.vector_store %arg8[%swap3A_602], %swap3A_605 {strides = array<i32>} : memref<8224xi32, #tpu.memory_space<vmem>>, vector<16xi32>,
        %add3A_606 = arith.constant 8 : i32
        %add3A_607 = arith.addi %add3A_594, %add3A_606 : i32
        %add3A_608 = vector.broadcast %add3A_607 : i32 to vector<16xi32>
        %add3A_609 = arith.addi %get3A_579, %add3A_608 : vector<16xi32>
        %add3A_610 = arith.addi %add3A_599, %add3A_583 : i32
        %swap3A_611 = arith.index_cast %add3A_610 : i32 to index
        %swap3A_612 = tpu.vector_load %arg8[%swap3A_611] {strides = array<i32>} : memref<8224xi32, #tpu.memory_space<vmem>>, vector<16xi32>,
        %swap3A_613 = vector.shape_cast %swap3A_612 : vector<16xi32> to vector<16xi32>
        %swap3A_614 = vector.shape_cast %add3A_609 : vector<16xi32> to vector<16xi32>
        tpu.vector_store %arg8[%swap3A_611], %swap3A_614 {strides = array<i32>} : memref<8224xi32, #tpu.memory_space<vmem>>, vector<16xi32>,
        %add3A_615 = arith.addi %add3A_561, %add3A_583 : i32
        %add3A_616 = arith.addi %add3A_615, %add3A_587 : i32
        %slice3A_617 = vector.extract_strided_slice %get3A_70 {offsets = [10], sizes = [1], strides = [1]} : vector<16xi32> to vector<1xi32>
        %squeeze3A_618 = vector.extract %slice3A_617[0] : i32 from vector<1xi32>
        %and3A_619 = arith.constant 255 : i32
        %and3A_620 = arith.andi %squeeze3A_618, %and3A_619 : i32
        %shift_right_logical3A_621 = arith.constant 8 : i32
        %shift_right_logical3A_622 = arith.shrui %squeeze3A_618, %shift_right_logical3A_621 : i32
        %and3A_623 = arith.constant 255 : i32
        %and3A_624 = arith.andi %shift_right_logical3A_622, %and3A_623 : i32
        %mul3A_625 = arith.constant 16 : i32
        %mul3A_626 = arith.muli %and3A_620, %mul3A_625 : i32
        %get3A_627 = arith.index_cast %mul3A_626 : i32 to index
        %get3A_628 = tpu.vector_load %arg9[%get3A_627] {strides = array<i32>} : memref<4096xi32, #tpu.memory_space<vmem>>, vector<16xi32>,
        %get3A_629 = vector.shape_cast %get3A_628 : vector<16xi32> to vector<16xi32>
        %mul3A_630 = arith.constant 16 : i32
        %mul3A_631 = arith.muli %and3A_624, %mul3A_630 : i32
        %get3A_632 = arith.index_cast %mul3A_631 : i32 to index
        %get3A_633 = tpu.vector_load %arg9[%get3A_632] {strides = array<i32>} : memref<4096xi32, #tpu.memory_space<vmem>>, vector<16xi32>,
        %get3A_634 = vector.shape_cast %get3A_633 : vector<16xi32> to vector<16xi32>
        %slice3A_635 = vector.extract_strided_slice %get3A_629 {offsets = [8], sizes = [1], strides = [1]} : vector<16xi32> to vector<1xi32>
        %squeeze3A_636 = vector.extract %slice3A_635[0] : i32 from vector<1xi32>
        %add3A_637 = arith.constant 8 : i32
        %add3A_638 = arith.addi %squeeze3A_636, %add3A_637 : i32
        %slice3A_639 = vector.extract_strided_slice %get3A_634 {offsets = [8], sizes = [1], strides = [1]} : vector<16xi32> to vector<1xi32>
        %squeeze3A_640 = vector.extract %slice3A_639[0] : i32 from vector<1xi32>
        %add3A_641 = arith.constant 8 : i32
        %add3A_642 = arith.addi %squeeze3A_640, %add3A_641 : i32
        %mul3A_643 = arith.constant 16 : i32
        %mul3A_644 = arith.muli %add3A_65, %mul3A_643 : i32
        %add3A_645 = arith.constant 10 : i32
        %add3A_646 = arith.addi %mul3A_644, %add3A_645 : i32
        %mul3A_647 = arith.constant 16 : i32
        %mul3A_648 = arith.muli %add3A_646, %mul3A_647 : i32
        %add3A_649 = arith.addi %mul3A_648, %mul3A_20 : i32
        %mul3A_650 = arith.constant 64 : i32
        %mul3A_651 = arith.muli %add3A_36, %mul3A_650 : i32
        %min3A_652 = arith.constant 64 : i32
        %min3A_653 = arith.minsi %add3A_616, %min3A_652 : i32
        %add3A_654 = arith.addi %mul3A_651, %min3A_653 : i32
        %add3A_655 = vector.broadcast %add3A_649 : i32 to vector<16xi32>
        %add3A_656 = arith.addi %get3A_629, %add3A_655 : vector<16xi32>
        %swap3A_657 = arith.index_cast %add3A_654 : i32 to index
        %swap3A_658 = tpu.vector_load %arg8[%swap3A_657] {strides = array<i32>} : memref<8224xi32, #tpu.memory_space<vmem>>, vector<16xi32>,
        %swap3A_659 = vector.shape_cast %swap3A_658 : vector<16xi32> to vector<16xi32>
        %swap3A_660 = vector.shape_cast %add3A_656 : vector<16xi32> to vector<16xi32>
        tpu.vector_store %arg8[%swap3A_657], %swap3A_660 {strides = array<i32>} : memref<8224xi32, #tpu.memory_space<vmem>>, vector<16xi32>,
        %add3A_661 = arith.constant 8 : i32
        %add3A_662 = arith.addi %add3A_649, %add3A_661 : i32
        %add3A_663 = vector.broadcast %add3A_662 : i32 to vector<16xi32>
        %add3A_664 = arith.addi %get3A_634, %add3A_663 : vector<16xi32>
        %add3A_665 = arith.addi %add3A_654, %add3A_638 : i32
        %swap3A_666 = arith.index_cast %add3A_665 : i32 to index
        %swap3A_667 = tpu.vector_load %arg8[%swap3A_666] {strides = array<i32>} : memref<8224xi32, #tpu.memory_space<vmem>>, vector<16xi32>,
        %swap3A_668 = vector.shape_cast %swap3A_667 : vector<16xi32> to vector<16xi32>
        %swap3A_669 = vector.shape_cast %add3A_664 : vector<16xi32> to vector<16xi32>
        tpu.vector_store %arg8[%swap3A_666], %swap3A_669 {strides = array<i32>} : memref<8224xi32, #tpu.memory_space<vmem>>, vector<16xi32>,
        %add3A_670 = arith.addi %add3A_616, %add3A_638 : i32
        %add3A_671 = arith.addi %add3A_670, %add3A_642 : i32
        %slice3A_672 = vector.extract_strided_slice %get3A_70 {offsets = [11], sizes = [1], strides = [1]} : vector<16xi32> to vector<1xi32>
        %squeeze3A_673 = vector.extract %slice3A_672[0] : i32 from vector<1xi32>
        %and3A_674 = arith.constant 255 : i32
        %and3A_675 = arith.andi %squeeze3A_673, %and3A_674 : i32
        %shift_right_logical3A_676 = arith.constant 8 : i32
        %shift_right_logical3A_677 = arith.shrui %squeeze3A_673, %shift_right_logical3A_676 : i32
        %and3A_678 = arith.constant 255 : i32
        %and3A_679 = arith.andi %shift_right_logical3A_677, %and3A_678 : i32
        %mul3A_680 = arith.constant 16 : i32
        %mul3A_681 = arith.muli %and3A_675, %mul3A_680 : i32
        %get3A_682 = arith.index_cast %mul3A_681 : i32 to index
        %get3A_683 = tpu.vector_load %arg9[%get3A_682] {strides = array<i32>} : memref<4096xi32, #tpu.memory_space<vmem>>, vector<16xi32>,
        %get3A_684 = vector.shape_cast %get3A_683 : vector<16xi32> to vector<16xi32>
        %mul3A_685 = arith.constant 16 : i32
        %mul3A_686 = arith.muli %and3A_679, %mul3A_685 : i32
        %get3A_687 = arith.index_cast %mul3A_686 : i32 to index
        %get3A_688 = tpu.vector_load %arg9[%get3A_687] {strides = array<i32>} : memref<4096xi32, #tpu.memory_space<vmem>>, vector<16xi32>,
        %get3A_689 = vector.shape_cast %get3A_688 : vector<16xi32> to vector<16xi32>
        %slice3A_690 = vector.extract_strided_slice %get3A_684 {offsets = [8], sizes = [1], strides = [1]} : vector<16xi32> to vector<1xi32>
        %squeeze3A_691 = vector.extract %slice3A_690[0] : i32 from vector<1xi32>
        %add3A_692 = arith.constant 8 : i32
        %add3A_693 = arith.addi %squeeze3A_691, %add3A_692 : i32
        %slice3A_694 = vector.extract_strided_slice %get3A_689 {offsets = [8], sizes = [1], strides = [1]} : vector<16xi32> to vector<1xi32>
        %squeeze3A_695 = vector.extract %slice3A_694[0] : i32 from vector<1xi32>
        %add3A_696 = arith.constant 8 : i32
        %add3A_697 = arith.addi %squeeze3A_695, %add3A_696 : i32
        %mul3A_698 = arith.constant 16 : i32
        %mul3A_699 = arith.muli %add3A_65, %mul3A_698 : i32
        %add3A_700 = arith.constant 11 : i32
        %add3A_701 = arith.addi %mul3A_699, %add3A_700 : i32
        %mul3A_702 = arith.constant 16 : i32
        %mul3A_703 = arith.muli %add3A_701, %mul3A_702 : i32
        %add3A_704 = arith.addi %mul3A_703, %mul3A_20 : i32
        %mul3A_705 = arith.constant 64 : i32
        %mul3A_706 = arith.muli %add3A_36, %mul3A_705 : i32
        %min3A_707 = arith.constant 64 : i32
        %min3A_708 = arith.minsi %add3A_671, %min3A_707 : i32
        %add3A_709 = arith.addi %mul3A_706, %min3A_708 : i32
        %add3A_710 = vector.broadcast %add3A_704 : i32 to vector<16xi32>
        %add3A_711 = arith.addi %get3A_684, %add3A_710 : vector<16xi32>
        %swap3A_712 = arith.index_cast %add3A_709 : i32 to index
        %swap3A_713 = tpu.vector_load %arg8[%swap3A_712] {strides = array<i32>} : memref<8224xi32, #tpu.memory_space<vmem>>, vector<16xi32>,
        %swap3A_714 = vector.shape_cast %swap3A_713 : vector<16xi32> to vector<16xi32>
        %swap3A_715 = vector.shape_cast %add3A_711 : vector<16xi32> to vector<16xi32>
        tpu.vector_store %arg8[%swap3A_712], %swap3A_715 {strides = array<i32>} : memref<8224xi32, #tpu.memory_space<vmem>>, vector<16xi32>,
        %add3A_716 = arith.constant 8 : i32
        %add3A_717 = arith.addi %add3A_704, %add3A_716 : i32
        %add3A_718 = vector.broadcast %add3A_717 : i32 to vector<16xi32>
        %add3A_719 = arith.addi %get3A_689, %add3A_718 : vector<16xi32>
        %add3A_720 = arith.addi %add3A_709, %add3A_693 : i32
        %swap3A_721 = arith.index_cast %add3A_720 : i32 to index
        %swap3A_722 = tpu.vector_load %arg8[%swap3A_721] {strides = array<i32>} : memref<8224xi32, #tpu.memory_space<vmem>>, vector<16xi32>,
        %swap3A_723 = vector.shape_cast %swap3A_722 : vector<16xi32> to vector<16xi32>
        %swap3A_724 = vector.shape_cast %add3A_719 : vector<16xi32> to vector<16xi32>
        tpu.vector_store %arg8[%swap3A_721], %swap3A_724 {strides = array<i32>} : memref<8224xi32, #tpu.memory_space<vmem>>, vector<16xi32>,
        %add3A_725 = arith.addi %add3A_671, %add3A_693 : i32
        %add3A_726 = arith.addi %add3A_725, %add3A_697 : i32
        %slice3A_727 = vector.extract_strided_slice %get3A_70 {offsets = [12], sizes = [1], strides = [1]} : vector<16xi32> to vector<1xi32>
        %squeeze3A_728 = vector.extract %slice3A_727[0] : i32 from vector<1xi32>
        %and3A_729 = arith.constant 255 : i32
        %and3A_730 = arith.andi %squeeze3A_728, %and3A_729 : i32
        %shift_right_logical3A_731 = arith.constant 8 : i32
        %shift_right_logical3A_732 = arith.shrui %squeeze3A_728, %shift_right_logical3A_731 : i32
        %and3A_733 = arith.constant 255 : i32
        %and3A_734 = arith.andi %shift_right_logical3A_732, %and3A_733 : i32
        %mul3A_735 = arith.constant 16 : i32
        %mul3A_736 = arith.muli %and3A_730, %mul3A_735 : i32
        %get3A_737 = arith.index_cast %mul3A_736 : i32 to index
        %get3A_738 = tpu.vector_load %arg9[%get3A_737] {strides = array<i32>} : memref<4096xi32, #tpu.memory_space<vmem>>, vector<16xi32>,
        %get3A_739 = vector.shape_cast %get3A_738 : vector<16xi32> to vector<16xi32>
        %mul3A_740 = arith.constant 16 : i32
        %mul3A_741 = arith.muli %and3A_734, %mul3A_740 : i32
        %get3A_742 = arith.index_cast %mul3A_741 : i32 to index
        %get3A_743 = tpu.vector_load %arg9[%get3A_742] {strides = array<i32>} : memref<4096xi32, #tpu.memory_space<vmem>>, vector<16xi32>,
        %get3A_744 = vector.shape_cast %get3A_743 : vector<16xi32> to vector<16xi32>
        %slice3A_745 = vector.extract_strided_slice %get3A_739 {offsets = [8], sizes = [1], strides = [1]} : vector<16xi32> to vector<1xi32>
        %squeeze3A_746 = vector.extract %slice3A_745[0] : i32 from vector<1xi32>
        %add3A_747 = arith.constant 8 : i32
        %add3A_748 = arith.addi %squeeze3A_746, %add3A_747 : i32
        %slice3A_749 = vector.extract_strided_slice %get3A_744 {offsets = [8], sizes = [1], strides = [1]} : vector<16xi32> to vector<1xi32>
        %squeeze3A_750 = vector.extract %slice3A_749[0] : i32 from vector<1xi32>
        %add3A_751 = arith.constant 8 : i32
        %add3A_752 = arith.addi %squeeze3A_750, %add3A_751 : i32
        %mul3A_753 = arith.constant 16 : i32
        %mul3A_754 = arith.muli %add3A_65, %mul3A_753 : i32
        %add3A_755 = arith.constant 12 : i32
        %add3A_756 = arith.addi %mul3A_754, %add3A_755 : i32
        %mul3A_757 = arith.constant 16 : i32
        %mul3A_758 = arith.muli %add3A_756, %mul3A_757 : i32
        %add3A_759 = arith.addi %mul3A_758, %mul3A_20 : i32
        %mul3A_760 = arith.constant 64 : i32
        %mul3A_761 = arith.muli %add3A_36, %mul3A_760 : i32
        %min3A_762 = arith.constant 64 : i32
        %min3A_763 = arith.minsi %add3A_726, %min3A_762 : i32
        %add3A_764 = arith.addi %mul3A_761, %min3A_763 : i32
        %add3A_765 = vector.broadcast %add3A_759 : i32 to vector<16xi32>
        %add3A_766 = arith.addi %get3A_739, %add3A_765 : vector<16xi32>
        %swap3A_767 = arith.index_cast %add3A_764 : i32 to index
        %swap3A_768 = tpu.vector_load %arg8[%swap3A_767] {strides = array<i32>} : memref<8224xi32, #tpu.memory_space<vmem>>, vector<16xi32>,
        %swap3A_769 = vector.shape_cast %swap3A_768 : vector<16xi32> to vector<16xi32>
        %swap3A_770 = vector.shape_cast %add3A_766 : vector<16xi32> to vector<16xi32>
        tpu.vector_store %arg8[%swap3A_767], %swap3A_770 {strides = array<i32>} : memref<8224xi32, #tpu.memory_space<vmem>>, vector<16xi32>,
        %add3A_771 = arith.constant 8 : i32
        %add3A_772 = arith.addi %add3A_759, %add3A_771 : i32
        %add3A_773 = vector.broadcast %add3A_772 : i32 to vector<16xi32>
        %add3A_774 = arith.addi %get3A_744, %add3A_773 : vector<16xi32>
        %add3A_775 = arith.addi %add3A_764, %add3A_748 : i32
        %swap3A_776 = arith.index_cast %add3A_775 : i32 to index
        %swap3A_777 = tpu.vector_load %arg8[%swap3A_776] {strides = array<i32>} : memref<8224xi32, #tpu.memory_space<vmem>>, vector<16xi32>,
        %swap3A_778 = vector.shape_cast %swap3A_777 : vector<16xi32> to vector<16xi32>
        %swap3A_779 = vector.shape_cast %add3A_774 : vector<16xi32> to vector<16xi32>
        tpu.vector_store %arg8[%swap3A_776], %swap3A_779 {strides = array<i32>} : memref<8224xi32, #tpu.memory_space<vmem>>, vector<16xi32>,
        %add3A_780 = arith.addi %add3A_726, %add3A_748 : i32
        %add3A_781 = arith.addi %add3A_780, %add3A_752 : i32
        %slice3A_782 = vector.extract_strided_slice %get3A_70 {offsets = [13], sizes = [1], strides = [1]} : vector<16xi32> to vector<1xi32>
        %squeeze3A_783 = vector.extract %slice3A_782[0] : i32 from vector<1xi32>
        %and3A_784 = arith.constant 255 : i32
        %and3A_785 = arith.andi %squeeze3A_783, %and3A_784 : i32
        %shift_right_logical3A_786 = arith.constant 8 : i32
        %shift_right_logical3A_787 = arith.shrui %squeeze3A_783, %shift_right_logical3A_786 : i32
        %and3A_788 = arith.constant 255 : i32
        %and3A_789 = arith.andi %shift_right_logical3A_787, %and3A_788 : i32
        %mul3A_790 = arith.constant 16 : i32
        %mul3A_791 = arith.muli %and3A_785, %mul3A_790 : i32
        %get3A_792 = arith.index_cast %mul3A_791 : i32 to index
        %get3A_793 = tpu.vector_load %arg9[%get3A_792] {strides = array<i32>} : memref<4096xi32, #tpu.memory_space<vmem>>, vector<16xi32>,
        %get3A_794 = vector.shape_cast %get3A_793 : vector<16xi32> to vector<16xi32>
        %mul3A_795 = arith.constant 16 : i32
        %mul3A_796 = arith.muli %and3A_789, %mul3A_795 : i32
        %get3A_797 = arith.index_cast %mul3A_796 : i32 to index
        %get3A_798 = tpu.vector_load %arg9[%get3A_797] {strides = array<i32>} : memref<4096xi32, #tpu.memory_space<vmem>>, vector<16xi32>,
        %get3A_799 = vector.shape_cast %get3A_798 : vector<16xi32> to vector<16xi32>
        %slice3A_800 = vector.extract_strided_slice %get3A_794 {offsets = [8], sizes = [1], strides = [1]} : vector<16xi32> to vector<1xi32>
        %squeeze3A_801 = vector.extract %slice3A_800[0] : i32 from vector<1xi32>
        %add3A_802 = arith.constant 8 : i32
        %add3A_803 = arith.addi %squeeze3A_801, %add3A_802 : i32
        %slice3A_804 = vector.extract_strided_slice %get3A_799 {offsets = [8], sizes = [1], strides = [1]} : vector<16xi32> to vector<1xi32>
        %squeeze3A_805 = vector.extract %slice3A_804[0] : i32 from vector<1xi32>
        %add3A_806 = arith.constant 8 : i32
        %add3A_807 = arith.addi %squeeze3A_805, %add3A_806 : i32
        %mul3A_808 = arith.constant 16 : i32
        %mul3A_809 = arith.muli %add3A_65, %mul3A_808 : i32
        %add3A_810 = arith.constant 13 : i32
        %add3A_811 = arith.addi %mul3A_809, %add3A_810 : i32
        %mul3A_812 = arith.constant 16 : i32
        %mul3A_813 = arith.muli %add3A_811, %mul3A_812 : i32
        %add3A_814 = arith.addi %mul3A_813, %mul3A_20 : i32
        %mul3A_815 = arith.constant 64 : i32
        %mul3A_816 = arith.muli %add3A_36, %mul3A_815 : i32
        %min3A_817 = arith.constant 64 : i32
        %min3A_818 = arith.minsi %add3A_781, %min3A_817 : i32
        %add3A_819 = arith.addi %mul3A_816, %min3A_818 : i32
        %add3A_820 = vector.broadcast %add3A_814 : i32 to vector<16xi32>
        %add3A_821 = arith.addi %get3A_794, %add3A_820 : vector<16xi32>
        %swap3A_822 = arith.index_cast %add3A_819 : i32 to index
        %swap3A_823 = tpu.vector_load %arg8[%swap3A_822] {strides = array<i32>} : memref<8224xi32, #tpu.memory_space<vmem>>, vector<16xi32>,
        %swap3A_824 = vector.shape_cast %swap3A_823 : vector<16xi32> to vector<16xi32>
        %swap3A_825 = vector.shape_cast %add3A_821 : vector<16xi32> to vector<16xi32>
        tpu.vector_store %arg8[%swap3A_822], %swap3A_825 {strides = array<i32>} : memref<8224xi32, #tpu.memory_space<vmem>>, vector<16xi32>,
        %add3A_826 = arith.constant 8 : i32
        %add3A_827 = arith.addi %add3A_814, %add3A_826 : i32
        %add3A_828 = vector.broadcast %add3A_827 : i32 to vector<16xi32>
        %add3A_829 = arith.addi %get3A_799, %add3A_828 : vector<16xi32>
        %add3A_830 = arith.addi %add3A_819, %add3A_803 : i32
        %swap3A_831 = arith.index_cast %add3A_830 : i32 to index
        %swap3A_832 = tpu.vector_load %arg8[%swap3A_831] {strides = array<i32>} : memref<8224xi32, #tpu.memory_space<vmem>>, vector<16xi32>,
        %swap3A_833 = vector.shape_cast %swap3A_832 : vector<16xi32> to vector<16xi32>
        %swap3A_834 = vector.shape_cast %add3A_829 : vector<16xi32> to vector<16xi32>
        tpu.vector_store %arg8[%swap3A_831], %swap3A_834 {strides = array<i32>} : memref<8224xi32, #tpu.memory_space<vmem>>, vector<16xi32>,
        %add3A_835 = arith.addi %add3A_781, %add3A_803 : i32
        %add3A_836 = arith.addi %add3A_835, %add3A_807 : i32
        %slice3A_837 = vector.extract_strided_slice %get3A_70 {offsets = [14], sizes = [1], strides = [1]} : vector<16xi32> to vector<1xi32>
        %squeeze3A_838 = vector.extract %slice3A_837[0] : i32 from vector<1xi32>
        %and3A_839 = arith.constant 255 : i32
        %and3A_840 = arith.andi %squeeze3A_838, %and3A_839 : i32
        %shift_right_logical3A_841 = arith.constant 8 : i32
        %shift_right_logical3A_842 = arith.shrui %squeeze3A_838, %shift_right_logical3A_841 : i32
        %and3A_843 = arith.constant 255 : i32
        %and3A_844 = arith.andi %shift_right_logical3A_842, %and3A_843 : i32
        %mul3A_845 = arith.constant 16 : i32
        %mul3A_846 = arith.muli %and3A_840, %mul3A_845 : i32
        %get3A_847 = arith.index_cast %mul3A_846 : i32 to index
        %get3A_848 = tpu.vector_load %arg9[%get3A_847] {strides = array<i32>} : memref<4096xi32, #tpu.memory_space<vmem>>, vector<16xi32>,
        %get3A_849 = vector.shape_cast %get3A_848 : vector<16xi32> to vector<16xi32>
        %mul3A_850 = arith.constant 16 : i32
        %mul3A_851 = arith.muli %and3A_844, %mul3A_850 : i32
        %get3A_852 = arith.index_cast %mul3A_851 : i32 to index
        %get3A_853 = tpu.vector_load %arg9[%get3A_852] {strides = array<i32>} : memref<4096xi32, #tpu.memory_space<vmem>>, vector<16xi32>,
        %get3A_854 = vector.shape_cast %get3A_853 : vector<16xi32> to vector<16xi32>
        %slice3A_855 = vector.extract_strided_slice %get3A_849 {offsets = [8], sizes = [1], strides = [1]} : vector<16xi32> to vector<1xi32>
        %squeeze3A_856 = vector.extract %slice3A_855[0] : i32 from vector<1xi32>
        %add3A_857 = arith.constant 8 : i32
        %add3A_858 = arith.addi %squeeze3A_856, %add3A_857 : i32
        %slice3A_859 = vector.extract_strided_slice %get3A_854 {offsets = [8], sizes = [1], strides = [1]} : vector<16xi32> to vector<1xi32>
        %squeeze3A_860 = vector.extract %slice3A_859[0] : i32 from vector<1xi32>
        %add3A_861 = arith.constant 8 : i32
        %add3A_862 = arith.addi %squeeze3A_860, %add3A_861 : i32
        %mul3A_863 = arith.constant 16 : i32
        %mul3A_864 = arith.muli %add3A_65, %mul3A_863 : i32
        %add3A_865 = arith.constant 14 : i32
        %add3A_866 = arith.addi %mul3A_864, %add3A_865 : i32
        %mul3A_867 = arith.constant 16 : i32
        %mul3A_868 = arith.muli %add3A_866, %mul3A_867 : i32
        %add3A_869 = arith.addi %mul3A_868, %mul3A_20 : i32
        %mul3A_870 = arith.constant 64 : i32
        %mul3A_871 = arith.muli %add3A_36, %mul3A_870 : i32
        %min3A_872 = arith.constant 64 : i32
        %min3A_873 = arith.minsi %add3A_836, %min3A_872 : i32
        %add3A_874 = arith.addi %mul3A_871, %min3A_873 : i32
        %add3A_875 = vector.broadcast %add3A_869 : i32 to vector<16xi32>
        %add3A_876 = arith.addi %get3A_849, %add3A_875 : vector<16xi32>
        %swap3A_877 = arith.index_cast %add3A_874 : i32 to index
        %swap3A_878 = tpu.vector_load %arg8[%swap3A_877] {strides = array<i32>} : memref<8224xi32, #tpu.memory_space<vmem>>, vector<16xi32>,
        %swap3A_879 = vector.shape_cast %swap3A_878 : vector<16xi32> to vector<16xi32>
        %swap3A_880 = vector.shape_cast %add3A_876 : vector<16xi32> to vector<16xi32>
        tpu.vector_store %arg8[%swap3A_877], %swap3A_880 {strides = array<i32>} : memref<8224xi32, #tpu.memory_space<vmem>>, vector<16xi32>,
        %add3A_881 = arith.constant 8 : i32
        %add3A_882 = arith.addi %add3A_869, %add3A_881 : i32
        %add3A_883 = vector.broadcast %add3A_882 : i32 to vector<16xi32>
        %add3A_884 = arith.addi %get3A_854, %add3A_883 : vector<16xi32>
        %add3A_885 = arith.addi %add3A_874, %add3A_858 : i32
        %swap3A_886 = arith.index_cast %add3A_885 : i32 to index
        %swap3A_887 = tpu.vector_load %arg8[%swap3A_886] {strides = array<i32>} : memref<8224xi32, #tpu.memory_space<vmem>>, vector<16xi32>,
        %swap3A_888 = vector.shape_cast %swap3A_887 : vector<16xi32> to vector<16xi32>
        %swap3A_889 = vector.shape_cast %add3A_884 : vector<16xi32> to vector<16xi32>
        tpu.vector_store %arg8[%swap3A_886], %swap3A_889 {strides = array<i32>} : memref<8224xi32, #tpu.memory_space<vmem>>, vector<16xi32>,
        %add3A_890 = arith.addi %add3A_836, %add3A_858 : i32
        %add3A_891 = arith.addi %add3A_890, %add3A_862 : i32
        %slice3A_892 = vector.extract_strided_slice %get3A_70 {offsets = [15], sizes = [1], strides = [1]} : vector<16xi32> to vector<1xi32>
        %squeeze3A_893 = vector.extract %slice3A_892[0] : i32 from vector<1xi32>
        %and3A_894 = arith.constant 255 : i32
        %and3A_895 = arith.andi %squeeze3A_893, %and3A_894 : i32
        %shift_right_logical3A_896 = arith.constant 8 : i32
        %shift_right_logical3A_897 = arith.shrui %squeeze3A_893, %shift_right_logical3A_896 : i32
        %and3A_898 = arith.constant 255 : i32
        %and3A_899 = arith.andi %shift_right_logical3A_897, %and3A_898 : i32
        %mul3A_900 = arith.constant 16 : i32
        %mul3A_901 = arith.muli %and3A_895, %mul3A_900 : i32
        %get3A_902 = arith.index_cast %mul3A_901 : i32 to index
        %get3A_903 = tpu.vector_load %arg9[%get3A_902] {strides = array<i32>} : memref<4096xi32, #tpu.memory_space<vmem>>, vector<16xi32>,
        %get3A_904 = vector.shape_cast %get3A_903 : vector<16xi32> to vector<16xi32>
        %mul3A_905 = arith.constant 16 : i32
        %mul3A_906 = arith.muli %and3A_899, %mul3A_905 : i32
        %get3A_907 = arith.index_cast %mul3A_906 : i32 to index
        %get3A_908 = tpu.vector_load %arg9[%get3A_907] {strides = array<i32>} : memref<4096xi32, #tpu.memory_space<vmem>>, vector<16xi32>,
        %get3A_909 = vector.shape_cast %get3A_908 : vector<16xi32> to vector<16xi32>
        %slice3A_910 = vector.extract_strided_slice %get3A_904 {offsets = [8], sizes = [1], strides = [1]} : vector<16xi32> to vector<1xi32>
        %squeeze3A_911 = vector.extract %slice3A_910[0] : i32 from vector<1xi32>
        %add3A_912 = arith.constant 8 : i32
        %add3A_913 = arith.addi %squeeze3A_911, %add3A_912 : i32
        %slice3A_914 = vector.extract_strided_slice %get3A_909 {offsets = [8], sizes = [1], strides = [1]} : vector<16xi32> to vector<1xi32>
        %squeeze3A_915 = vector.extract %slice3A_914[0] : i32 from vector<1xi32>
        %add3A_916 = arith.constant 8 : i32
        %add3A_917 = arith.addi %squeeze3A_915, %add3A_916 : i32
        %mul3A_918 = arith.constant 16 : i32
        %mul3A_919 = arith.muli %add3A_65, %mul3A_918 : i32
        %add3A_920 = arith.constant 15 : i32
        %add3A_921 = arith.addi %mul3A_919, %add3A_920 : i32
        %mul3A_922 = arith.constant 16 : i32
        %mul3A_923 = arith.muli %add3A_921, %mul3A_922 : i32
        %add3A_924 = arith.addi %mul3A_923, %mul3A_20 : i32
        %mul3A_925 = arith.constant 64 : i32
        %mul3A_926 = arith.muli %add3A_36, %mul3A_925 : i32
        %min3A_927 = arith.constant 64 : i32
        %min3A_928 = arith.minsi %add3A_891, %min3A_927 : i32
        %add3A_929 = arith.addi %mul3A_926, %min3A_928 : i32
        %add3A_930 = vector.broadcast %add3A_924 : i32 to vector<16xi32>
        %add3A_931 = arith.addi %get3A_904, %add3A_930 : vector<16xi32>
        %swap3A_932 = arith.index_cast %add3A_929 : i32 to index
        %swap3A_933 = tpu.vector_load %arg8[%swap3A_932] {strides = array<i32>} : memref<8224xi32, #tpu.memory_space<vmem>>, vector<16xi32>,
        %swap3A_934 = vector.shape_cast %swap3A_933 : vector<16xi32> to vector<16xi32>
        %swap3A_935 = vector.shape_cast %add3A_931 : vector<16xi32> to vector<16xi32>
        tpu.vector_store %arg8[%swap3A_932], %swap3A_935 {strides = array<i32>} : memref<8224xi32, #tpu.memory_space<vmem>>, vector<16xi32>,
        %add3A_936 = arith.constant 8 : i32
        %add3A_937 = arith.addi %add3A_924, %add3A_936 : i32
        %add3A_938 = vector.broadcast %add3A_937 : i32 to vector<16xi32>
        %add3A_939 = arith.addi %get3A_909, %add3A_938 : vector<16xi32>
        %add3A_940 = arith.addi %add3A_929, %add3A_913 : i32
        %swap3A_941 = arith.index_cast %add3A_940 : i32 to index
        %swap3A_942 = tpu.vector_load %arg8[%swap3A_941] {strides = array<i32>} : memref<8224xi32, #tpu.memory_space<vmem>>, vector<16xi32>,
        %swap3A_943 = vector.shape_cast %swap3A_942 : vector<16xi32> to vector<16xi32>
        %swap3A_944 = vector.shape_cast %add3A_939 : vector<16xi32> to vector<16xi32>
        tpu.vector_store %arg8[%swap3A_941], %swap3A_944 {strides = array<i32>} : memref<8224xi32, #tpu.memory_space<vmem>>, vector<16xi32>,
        %add3A_945 = arith.addi %add3A_891, %add3A_913 : i32
        %add3A_946 = arith.addi %add3A_945, %add3A_917 : i32
        scf.yield %add3A_946 : i32
      }
      %scan3A_43 = arith.constant 32 : i32
      %add3A_44 = vector.broadcast %scan3A_42 : i32 to vector<16xi32>
      %add3A_45 = arith.addi %add3A_44, %iota3A : vector<16xi32>
      %mul3A_46 = arith.constant 16 : i32
      %mul3A_47 = arith.muli %add3A_36, %mul3A_46 : i32
      %swap3A = arith.index_cast %mul3A_47 : i32 to index
      %swap3A_48 = tpu.vector_load %arg10[%swap3A] {strides = array<i32>} : memref<2048xi32, #tpu.memory_space<vmem>>, vector<16xi32>,
      %swap3A_49 = vector.shape_cast %swap3A_48 : vector<16xi32> to vector<16xi32>
      %swap3A_50 = vector.shape_cast %add3A_45 : vector<16xi32> to vector<16xi32>
      tpu.vector_store %arg10[%swap3A], %swap3A_50 {strides = array<i32>} : memref<2048xi32, #tpu.memory_space<vmem>>, vector<16xi32>,
      %mul3A_51 = arith.constant 64 : i32
      %mul3A_52 = arith.muli %add3A_36, %mul3A_51 : i32
      %dma_start3A = tpu.memref_slice %arg8[%mul3A_52] : memref<8224xi32, #tpu.memory_space<vmem>> -> memref<64xi32, #tpu.memory_space<vmem>>
      %dma_start3A_53 = arith.constant 0 : i32
      %dma_start3A_54 = arith.constant 0 : i32
      %dma_start3A_55 = tpu.memref_slice %arg3[%dma_start3A_53, %dma_start3A_54] : memref<32768x32xf32, #tpu.memory_space<hbm>> -> memref<32768x32xf32, #tpu.memory_space<hbm>>
      tpu.enqueue_indirect_dma source(%dma_start3A_55 : memref<32768x32xf32, #tpu.memory_space<hbm>>) target(%arg11 : memref<64x32xf32, #tpu.memory_space<vmem>>) offsets(%dma_start3A : memref<64xi32, #tpu.memory_space<vmem>>) semaphore(%arg12 : memref<!tpu.dma_semaphore, #tpu.memory_space<semaphore_mem>>)
      %dma_wait3A = tpu.memref_slice %arg8[%mul3A_52] : memref<8224xi32, #tpu.memory_space<vmem>> -> memref<64xi32, #tpu.memory_space<vmem>>
      %dma_wait3A_56 = arith.constant 0 : i32
      %dma_wait3A_57 = arith.constant 0 : i32
      %dma_wait3A_58 = tpu.memref_slice %arg3[%dma_wait3A_56, %dma_wait3A_57] : memref<32768x32xf32, #tpu.memory_space<hbm>> -> memref<32768x32xf32, #tpu.memory_space<hbm>>
      tpu.wait_indirect_dma semaphore(%arg12 : memref<!tpu.dma_semaphore, #tpu.memory_space<semaphore_mem>>) src(%dma_wait3A_58 : memref<32768x32xf32, #tpu.memory_space<hbm>>) dst(%arg11 : memref<64x32xf32, #tpu.memory_space<vmem>>)
      %add3A_59 = arith.addi %mul3A_2, %add3A_36 : i32
      "tpu.region"() ({
        %run_scoped3A = tpu.sem_alloc : memref<!tpu.dma_semaphore, #tpu.memory_space<semaphore_mem>>
        %dma_start3A_60 = arith.constant 0 : i32
        %dma_start3A_61 = arith.constant 0 : i32
        %dma_start3A_62 = tpu.memref_slice %arg5[%add3A_59, %dma_start3A_60, %dma_start3A_61] : memref<4096x64x32xf32, #tpu.memory_space<hbm>> -> memref<1x64x32xf32, #tpu.memory_space<hbm>>
        %dma_start3A_63 = tpu.memref_squeeze %dma_start3A_62 : memref<1x64x32xf32, #tpu.memory_space<hbm>> -> memref<64x32xf32, #tpu.memory_space<hbm>>
        %dma_start3A_64 = arith.constant 0 : i32
        %dma_start3A_65 = arith.constant 0 : i32
        %dma_start3A_66 = tpu.memref_slice %arg5[%add3A_59, %dma_start3A_64, %dma_start3A_65] : memref<4096x64x32xf32, #tpu.memory_space<hbm>> -> memref<1x64x32xf32, #tpu.memory_space<hbm>>
        %dma_start3A_67 = tpu.memref_squeeze %dma_start3A_66 : memref<1x64x32xf32, #tpu.memory_space<hbm>> -> memref<64x32xf32, #tpu.memory_space<hbm>>
        tpu.enqueue_dma source(%arg11 : memref<64x32xf32, #tpu.memory_space<vmem>>) target(%dma_start3A_67 : memref<64x32xf32, #tpu.memory_space<hbm>>) target_semaphore(%run_scoped3A : memref<!tpu.dma_semaphore, #tpu.memory_space<semaphore_mem>>)
        %dma_wait3A_68 = arith.constant 0 : i32
        %dma_wait3A_69 = arith.constant 0 : i32
        %dma_wait3A_70 = tpu.memref_slice %arg5[%add3A_59, %dma_wait3A_68, %dma_wait3A_69] : memref<4096x64x32xf32, #tpu.memory_space<hbm>> -> memref<1x64x32xf32, #tpu.memory_space<hbm>>
        %dma_wait3A_71 = tpu.memref_squeeze %dma_wait3A_70 : memref<1x64x32xf32, #tpu.memory_space<hbm>> -> memref<64x32xf32, #tpu.memory_space<hbm>>
        %dma_wait3A_72 = arith.constant 0 : i32
        %dma_wait3A_73 = arith.constant 0 : i32
        %dma_wait3A_74 = tpu.memref_slice %arg5[%add3A_59, %dma_wait3A_72, %dma_wait3A_73] : memref<4096x64x32xf32, #tpu.memory_space<hbm>> -> memref<1x64x32xf32, #tpu.memory_space<hbm>>
        %dma_wait3A_75 = tpu.memref_squeeze %dma_wait3A_74 : memref<1x64x32xf32, #tpu.memory_space<hbm>> -> memref<64x32xf32, #tpu.memory_space<hbm>>
        tpu.wait_dma2 semaphore(%run_scoped3A : memref<!tpu.dma_semaphore, #tpu.memory_space<semaphore_mem>>) src(%arg11 : memref<64x32xf32, #tpu.memory_space<vmem>>) dst(%dma_wait3A_75 : memref<64x32xf32, #tpu.memory_space<hbm>>)
        tpu.yield
      }) : () -> ()
    }
    %scan3A_29 = arith.constant 128 : i32
    %mul3A_30 = arith.constant 16 : i32
    %mul3A_31 = arith.muli %mul3A_2, %mul3A_30 : i32
    "tpu.region"() ({
      %run_scoped3A = tpu.sem_alloc : memref<!tpu.dma_semaphore, #tpu.memory_space<semaphore_mem>>
      %dma_start3A = tpu.memref_slice %arg6[%mul3A_31] : memref<65536xi32, #tpu.memory_space<hbm>> -> memref<2048xi32, #tpu.memory_space<hbm>>
      %dma_start3A_32 = tpu.memref_slice %arg6[%mul3A_31] : memref<65536xi32, #tpu.memory_space<hbm>> -> memref<2048xi32, #tpu.memory_space<hbm>>
      tpu.enqueue_dma source(%arg10 : memref<2048xi32, #tpu.memory_space<vmem>>) target(%dma_start3A_32 : memref<2048xi32, #tpu.memory_space<hbm>>) target_semaphore(%run_scoped3A : memref<!tpu.dma_semaphore, #tpu.memory_space<semaphore_mem>>)
      %dma_wait3A = tpu.memref_slice %arg6[%mul3A_31] : memref<65536xi32, #tpu.memory_space<hbm>> -> memref<2048xi32, #tpu.memory_space<hbm>>
      %dma_wait3A_33 = tpu.memref_slice %arg6[%mul3A_31] : memref<65536xi32, #tpu.memory_space<hbm>> -> memref<2048xi32, #tpu.memory_space<hbm>>
      tpu.wait_dma2 semaphore(%run_scoped3A : memref<!tpu.dma_semaphore, #tpu.memory_space<semaphore_mem>>) src(%arg10 : memref<2048xi32, #tpu.memory_space<vmem>>) dst(%dma_wait3A_33 : memref<2048xi32, #tpu.memory_space<hbm>>)
      tpu.yield
    }) : () -> ()
    return
  }
}

module attributes {stable_mosaic.version = 14 : i64} {
  func.func @_fps_body(%arg0: memref<4x3x64x128xf32, #tpu.memory_space<vmem>>, %arg1: memref<1024x128xi32, #tpu.memory_space<vmem>>, %arg2: memref<3x1024x128xf32, #tpu.memory_space<vmem>>, %arg3: memref<4x64x128xf32, #tpu.memory_space<vmem>>) attributes {dimension_semantics = [], scalar_prefetch = 0 : i64, scratch_operands = 1 : i64, tpu.core_type = #tpu.core_type<tc>} {
    %broadcast_in_dim3A = arith.constant 1.000000e+10 : f32
    %broadcast_in_dim3A_0 = vector.broadcast %broadcast_in_dim3A : f32 to vector<4x64x128xf32>
    %swap3A = arith.constant 0 : index
    %swap3A_1 = arith.constant 0 : index
    %swap3A_2 = arith.constant 0 : index
    %swap3A_3 = vector.load %arg3[%swap3A, %swap3A_1, %swap3A_2] : memref<4x64x128xf32, #tpu.memory_space<vmem>>, vector<4x64x128xf32>
    tpu.vector_store %arg3[%swap3A, %swap3A_1, %swap3A_2], %broadcast_in_dim3A_0 {strides = array<i32>} : memref<4x64x128xf32, #tpu.memory_space<vmem>>, vector<4x64x128xf32>,
    %iota3A = tpu.iota {dimensions = array<i32: 0>} : vector<64x128xi32>
    %mul3A = arith.constant 128 : i32
    %mul3A_4 = vector.broadcast %mul3A : i32 to vector<64x128xi32>
    %mul3A_5 = arith.muli %iota3A, %mul3A_4 : vector<64x128xi32>
    %iota3A_6 = tpu.iota {dimensions = array<i32: 1>} : vector<64x128xi32>
    %add3A = arith.addi %mul3A_5, %iota3A_6 : vector<64x128xi32>
    %iota3A_7 = tpu.iota {dimensions = array<i32: 1>} : vector<1x128xi32>
    %broadcast_in_dim3A_8 = arith.constant 0 : i32
    %broadcast_in_dim3A_9 = vector.broadcast %broadcast_in_dim3A_8 : i32 to vector<1x128xi32>
    %swap3A_10 = arith.constant 0 : index
    %swap3A_11 = arith.constant 0 : index
    %swap3A_12 = vector.load %arg1[%swap3A_10, %swap3A_11] : memref<1024x128xi32, #tpu.memory_space<vmem>>, vector<1x128xi32>
    tpu.vector_store %arg1[%swap3A_10, %swap3A_11], %broadcast_in_dim3A_9 {strides = array<i32>} : memref<1024x128xi32, #tpu.memory_space<vmem>>, vector<1x128xi32>,
    %eq3A = arith.constant 0 : i32
    %eq3A_13 = vector.broadcast %eq3A : i32 to vector<64x128xi32>
    %eq3A_14 = arith.cmpi eq, %add3A, %eq3A_13 : vector<64x128xi32>
    %get3A = arith.constant 0 : index
    %get3A_15 = arith.constant 0 : index
    %get3A_16 = arith.constant 0 : index
    %get3A_17 = arith.constant 0 : index
    %get3A_18 = vector.load %arg0[%get3A, %get3A_15, %get3A_16, %get3A_17] : memref<4x3x64x128xf32, #tpu.memory_space<vmem>>, vector<1x1x64x128xf32>
    %get3A_19 = vector.shape_cast %get3A_18 : vector<1x1x64x128xf32> to vector<64x128xf32>
    %jit3A = arith.constant 0.000000e+00 : f32
    %broadcast_in_dim3A_20 = vector.broadcast %jit3A : f32 to vector<64x128xf32>
    %select_n3A = arith.select %eq3A_14, %get3A_19, %broadcast_in_dim3A_20 : vector<64x128xi1>, vector<64x128xf32>
    %reduce_sum3A = vector.shape_cast %select_n3A : vector<64x128xf32> to vector<1x64x128xf32>
    %reduce_sum3A_21 = arith.constant dense<0.000000e+00> : vector<1xf32>
    %reduce_sum3A_22 = vector.multi_reduction <add>, %reduce_sum3A, %reduce_sum3A_21 [1, 2] : vector<1x64x128xf32> to vector<1xf32>
    %reduce_sum3A_23 = vector.shape_cast %reduce_sum3A_22 : vector<1xf32> to vector<1x1x1xf32>
    %reduce_sum3A_24 = vector.extract %reduce_sum3A_23[0, 0, 0] : f32 from vector<1x1x1xf32>
    %get3A_25 = arith.constant 0 : index
    %get3A_26 = arith.constant 1 : index
    %get3A_27 = arith.constant 0 : index
    %get3A_28 = arith.constant 0 : index
    %get3A_29 = vector.load %arg0[%get3A_25, %get3A_26, %get3A_27, %get3A_28] : memref<4x3x64x128xf32, #tpu.memory_space<vmem>>, vector<1x1x64x128xf32>
    %get3A_30 = vector.shape_cast %get3A_29 : vector<1x1x64x128xf32> to vector<64x128xf32>
    %jit3A_31 = arith.constant 0.000000e+00 : f32
    %broadcast_in_dim3A_32 = vector.broadcast %jit3A_31 : f32 to vector<64x128xf32>
    %select_n3A_33 = arith.select %eq3A_14, %get3A_30, %broadcast_in_dim3A_32 : vector<64x128xi1>, vector<64x128xf32>
    %reduce_sum3A_34 = vector.shape_cast %select_n3A_33 : vector<64x128xf32> to vector<1x64x128xf32>
    %reduce_sum3A_35 = arith.constant dense<0.000000e+00> : vector<1xf32>
    %reduce_sum3A_36 = vector.multi_reduction <add>, %reduce_sum3A_34, %reduce_sum3A_35 [1, 2] : vector<1x64x128xf32> to vector<1xf32>
    %reduce_sum3A_37 = vector.shape_cast %reduce_sum3A_36 : vector<1xf32> to vector<1x1x1xf32>
    %reduce_sum3A_38 = vector.extract %reduce_sum3A_37[0, 0, 0] : f32 from vector<1x1x1xf32>
    %get3A_39 = arith.constant 0 : index
    %get3A_40 = arith.constant 2 : index
    %get3A_41 = arith.constant 0 : index
    %get3A_42 = arith.constant 0 : index
    %get3A_43 = vector.load %arg0[%get3A_39, %get3A_40, %get3A_41, %get3A_42] : memref<4x3x64x128xf32, #tpu.memory_space<vmem>>, vector<1x1x64x128xf32>
    %get3A_44 = vector.shape_cast %get3A_43 : vector<1x1x64x128xf32> to vector<64x128xf32>
    %jit3A_45 = arith.constant 0.000000e+00 : f32
    %broadcast_in_dim3A_46 = vector.broadcast %jit3A_45 : f32 to vector<64x128xf32>
    %select_n3A_47 = arith.select %eq3A_14, %get3A_44, %broadcast_in_dim3A_46 : vector<64x128xi1>, vector<64x128xf32>
    %reduce_sum3A_48 = vector.shape_cast %select_n3A_47 : vector<64x128xf32> to vector<1x64x128xf32>
    %reduce_sum3A_49 = arith.constant dense<0.000000e+00> : vector<1xf32>
    %reduce_sum3A_50 = vector.multi_reduction <add>, %reduce_sum3A_48, %reduce_sum3A_49 [1, 2] : vector<1x64x128xf32> to vector<1xf32>
    %reduce_sum3A_51 = vector.shape_cast %reduce_sum3A_50 : vector<1xf32> to vector<1x1x1xf32>
    %reduce_sum3A_52 = vector.extract %reduce_sum3A_51[0, 0, 0] : f32 from vector<1x1x1xf32>
    %get3A_53 = arith.constant 1 : index
    %get3A_54 = arith.constant 0 : index
    %get3A_55 = arith.constant 0 : index
    %get3A_56 = arith.constant 0 : index
    %get3A_57 = vector.load %arg0[%get3A_53, %get3A_54, %get3A_55, %get3A_56] : memref<4x3x64x128xf32, #tpu.memory_space<vmem>>, vector<1x1x64x128xf32>
    %get3A_58 = vector.shape_cast %get3A_57 : vector<1x1x64x128xf32> to vector<64x128xf32>
    %jit3A_59 = arith.constant 0.000000e+00 : f32
    %broadcast_in_dim3A_60 = vector.broadcast %jit3A_59 : f32 to vector<64x128xf32>
    %select_n3A_61 = arith.select %eq3A_14, %get3A_58, %broadcast_in_dim3A_60 : vector<64x128xi1>, vector<64x128xf32>
    %reduce_sum3A_62 = vector.shape_cast %select_n3A_61 : vector<64x128xf32> to vector<1x64x128xf32>
    %reduce_sum3A_63 = arith.constant dense<0.000000e+00> : vector<1xf32>
    %reduce_sum3A_64 = vector.multi_reduction <add>, %reduce_sum3A_62, %reduce_sum3A_63 [1, 2] : vector<1x64x128xf32> to vector<1xf32>
    %reduce_sum3A_65 = vector.shape_cast %reduce_sum3A_64 : vector<1xf32> to vector<1x1x1xf32>
    %reduce_sum3A_66 = vector.extract %reduce_sum3A_65[0, 0, 0] : f32 from vector<1x1x1xf32>
    %get3A_67 = arith.constant 1 : index
    %get3A_68 = arith.constant 1 : index
    %get3A_69 = arith.constant 0 : index
    %get3A_70 = arith.constant 0 : index
    %get3A_71 = vector.load %arg0[%get3A_67, %get3A_68, %get3A_69, %get3A_70] : memref<4x3x64x128xf32, #tpu.memory_space<vmem>>, vector<1x1x64x128xf32>
    %get3A_72 = vector.shape_cast %get3A_71 : vector<1x1x64x128xf32> to vector<64x128xf32>
    %jit3A_73 = arith.constant 0.000000e+00 : f32
    %broadcast_in_dim3A_74 = vector.broadcast %jit3A_73 : f32 to vector<64x128xf32>
    %select_n3A_75 = arith.select %eq3A_14, %get3A_72, %broadcast_in_dim3A_74 : vector<64x128xi1>, vector<64x128xf32>
    %reduce_sum3A_76 = vector.shape_cast %select_n3A_75 : vector<64x128xf32> to vector<1x64x128xf32>
    %reduce_sum3A_77 = arith.constant dense<0.000000e+00> : vector<1xf32>
    %reduce_sum3A_78 = vector.multi_reduction <add>, %reduce_sum3A_76, %reduce_sum3A_77 [1, 2] : vector<1x64x128xf32> to vector<1xf32>
    %reduce_sum3A_79 = vector.shape_cast %reduce_sum3A_78 : vector<1xf32> to vector<1x1x1xf32>
    %reduce_sum3A_80 = vector.extract %reduce_sum3A_79[0, 0, 0] : f32 from vector<1x1x1xf32>
    %get3A_81 = arith.constant 1 : index
    %get3A_82 = arith.constant 2 : index
    %get3A_83 = arith.constant 0 : index
    %get3A_84 = arith.constant 0 : index
    %get3A_85 = vector.load %arg0[%get3A_81, %get3A_82, %get3A_83, %get3A_84] : memref<4x3x64x128xf32, #tpu.memory_space<vmem>>, vector<1x1x64x128xf32>
    %get3A_86 = vector.shape_cast %get3A_85 : vector<1x1x64x128xf32> to vector<64x128xf32>
    %jit3A_87 = arith.constant 0.000000e+00 : f32
    %broadcast_in_dim3A_88 = vector.broadcast %jit3A_87 : f32 to vector<64x128xf32>
    %select_n3A_89 = arith.select %eq3A_14, %get3A_86, %broadcast_in_dim3A_88 : vector<64x128xi1>, vector<64x128xf32>
    %reduce_sum3A_90 = vector.shape_cast %select_n3A_89 : vector<64x128xf32> to vector<1x64x128xf32>
    %reduce_sum3A_91 = arith.constant dense<0.000000e+00> : vector<1xf32>
    %reduce_sum3A_92 = vector.multi_reduction <add>, %reduce_sum3A_90, %reduce_sum3A_91 [1, 2] : vector<1x64x128xf32> to vector<1xf32>
    %reduce_sum3A_93 = vector.shape_cast %reduce_sum3A_92 : vector<1xf32> to vector<1x1x1xf32>
    %reduce_sum3A_94 = vector.extract %reduce_sum3A_93[0, 0, 0] : f32 from vector<1x1x1xf32>
    %get3A_95 = arith.constant 2 : index
    %get3A_96 = arith.constant 0 : index
    %get3A_97 = arith.constant 0 : index
    %get3A_98 = arith.constant 0 : index
    %get3A_99 = vector.load %arg0[%get3A_95, %get3A_96, %get3A_97, %get3A_98] : memref<4x3x64x128xf32, #tpu.memory_space<vmem>>, vector<1x1x64x128xf32>
    %get3A_100 = vector.shape_cast %get3A_99 : vector<1x1x64x128xf32> to vector<64x128xf32>
    %jit3A_101 = arith.constant 0.000000e+00 : f32
    %broadcast_in_dim3A_102 = vector.broadcast %jit3A_101 : f32 to vector<64x128xf32>
    %select_n3A_103 = arith.select %eq3A_14, %get3A_100, %broadcast_in_dim3A_102 : vector<64x128xi1>, vector<64x128xf32>
    %reduce_sum3A_104 = vector.shape_cast %select_n3A_103 : vector<64x128xf32> to vector<1x64x128xf32>
    %reduce_sum3A_105 = arith.constant dense<0.000000e+00> : vector<1xf32>
    %reduce_sum3A_106 = vector.multi_reduction <add>, %reduce_sum3A_104, %reduce_sum3A_105 [1, 2] : vector<1x64x128xf32> to vector<1xf32>
    %reduce_sum3A_107 = vector.shape_cast %reduce_sum3A_106 : vector<1xf32> to vector<1x1x1xf32>
    %reduce_sum3A_108 = vector.extract %reduce_sum3A_107[0, 0, 0] : f32 from vector<1x1x1xf32>
    %get3A_109 = arith.constant 2 : index
    %get3A_110 = arith.constant 1 : index
    %get3A_111 = arith.constant 0 : index
    %get3A_112 = arith.constant 0 : index
    %get3A_113 = vector.load %arg0[%get3A_109, %get3A_110, %get3A_111, %get3A_112] : memref<4x3x64x128xf32, #tpu.memory_space<vmem>>, vector<1x1x64x128xf32>
    %get3A_114 = vector.shape_cast %get3A_113 : vector<1x1x64x128xf32> to vector<64x128xf32>
    %jit3A_115 = arith.constant 0.000000e+00 : f32
    %broadcast_in_dim3A_116 = vector.broadcast %jit3A_115 : f32 to vector<64x128xf32>
    %select_n3A_117 = arith.select %eq3A_14, %get3A_114, %broadcast_in_dim3A_116 : vector<64x128xi1>, vector<64x128xf32>
    %reduce_sum3A_118 = vector.shape_cast %select_n3A_117 : vector<64x128xf32> to vector<1x64x128xf32>
    %reduce_sum3A_119 = arith.constant dense<0.000000e+00> : vector<1xf32>
    %reduce_sum3A_120 = vector.multi_reduction <add>, %reduce_sum3A_118, %reduce_sum3A_119 [1, 2] : vector<1x64x128xf32> to vector<1xf32>
    %reduce_sum3A_121 = vector.shape_cast %reduce_sum3A_120 : vector<1xf32> to vector<1x1x1xf32>
    %reduce_sum3A_122 = vector.extract %reduce_sum3A_121[0, 0, 0] : f32 from vector<1x1x1xf32>
    %get3A_123 = arith.constant 2 : index
    %get3A_124 = arith.constant 2 : index
    %get3A_125 = arith.constant 0 : index
    %get3A_126 = arith.constant 0 : index
    %get3A_127 = vector.load %arg0[%get3A_123, %get3A_124, %get3A_125, %get3A_126] : memref<4x3x64x128xf32, #tpu.memory_space<vmem>>, vector<1x1x64x128xf32>
    %get3A_128 = vector.shape_cast %get3A_127 : vector<1x1x64x128xf32> to vector<64x128xf32>
    %jit3A_129 = arith.constant 0.000000e+00 : f32
    %broadcast_in_dim3A_130 = vector.broadcast %jit3A_129 : f32 to vector<64x128xf32>
    %select_n3A_131 = arith.select %eq3A_14, %get3A_128, %broadcast_in_dim3A_130 : vector<64x128xi1>, vector<64x128xf32>
    %reduce_sum3A_132 = vector.shape_cast %select_n3A_131 : vector<64x128xf32> to vector<1x64x128xf32>
    %reduce_sum3A_133 = arith.constant dense<0.000000e+00> : vector<1xf32>
    %reduce_sum3A_134 = vector.multi_reduction <add>, %reduce_sum3A_132, %reduce_sum3A_133 [1, 2] : vector<1x64x128xf32> to vector<1xf32>
    %reduce_sum3A_135 = vector.shape_cast %reduce_sum3A_134 : vector<1xf32> to vector<1x1x1xf32>
    %reduce_sum3A_136 = vector.extract %reduce_sum3A_135[0, 0, 0] : f32 from vector<1x1x1xf32>
    %get3A_137 = arith.constant 3 : index
    %get3A_138 = arith.constant 0 : index
    %get3A_139 = arith.constant 0 : index
    %get3A_140 = arith.constant 0 : index
    %get3A_141 = vector.load %arg0[%get3A_137, %get3A_138, %get3A_139, %get3A_140] : memref<4x3x64x128xf32, #tpu.memory_space<vmem>>, vector<1x1x64x128xf32>
    %get3A_142 = vector.shape_cast %get3A_141 : vector<1x1x64x128xf32> to vector<64x128xf32>
    %jit3A_143 = arith.constant 0.000000e+00 : f32
    %broadcast_in_dim3A_144 = vector.broadcast %jit3A_143 : f32 to vector<64x128xf32>
    %select_n3A_145 = arith.select %eq3A_14, %get3A_142, %broadcast_in_dim3A_144 : vector<64x128xi1>, vector<64x128xf32>
    %reduce_sum3A_146 = vector.shape_cast %select_n3A_145 : vector<64x128xf32> to vector<1x64x128xf32>
    %reduce_sum3A_147 = arith.constant dense<0.000000e+00> : vector<1xf32>
    %reduce_sum3A_148 = vector.multi_reduction <add>, %reduce_sum3A_146, %reduce_sum3A_147 [1, 2] : vector<1x64x128xf32> to vector<1xf32>
    %reduce_sum3A_149 = vector.shape_cast %reduce_sum3A_148 : vector<1xf32> to vector<1x1x1xf32>
    %reduce_sum3A_150 = vector.extract %reduce_sum3A_149[0, 0, 0] : f32 from vector<1x1x1xf32>
    %get3A_151 = arith.constant 3 : index
    %get3A_152 = arith.constant 1 : index
    %get3A_153 = arith.constant 0 : index
    %get3A_154 = arith.constant 0 : index
    %get3A_155 = vector.load %arg0[%get3A_151, %get3A_152, %get3A_153, %get3A_154] : memref<4x3x64x128xf32, #tpu.memory_space<vmem>>, vector<1x1x64x128xf32>
    %get3A_156 = vector.shape_cast %get3A_155 : vector<1x1x64x128xf32> to vector<64x128xf32>
    %jit3A_157 = arith.constant 0.000000e+00 : f32
    %broadcast_in_dim3A_158 = vector.broadcast %jit3A_157 : f32 to vector<64x128xf32>
    %select_n3A_159 = arith.select %eq3A_14, %get3A_156, %broadcast_in_dim3A_158 : vector<64x128xi1>, vector<64x128xf32>
    %reduce_sum3A_160 = vector.shape_cast %select_n3A_159 : vector<64x128xf32> to vector<1x64x128xf32>
    %reduce_sum3A_161 = arith.constant dense<0.000000e+00> : vector<1xf32>
    %reduce_sum3A_162 = vector.multi_reduction <add>, %reduce_sum3A_160, %reduce_sum3A_161 [1, 2] : vector<1x64x128xf32> to vector<1xf32>
    %reduce_sum3A_163 = vector.shape_cast %reduce_sum3A_162 : vector<1xf32> to vector<1x1x1xf32>
    %reduce_sum3A_164 = vector.extract %reduce_sum3A_163[0, 0, 0] : f32 from vector<1x1x1xf32>
    %get3A_165 = arith.constant 3 : index
    %get3A_166 = arith.constant 2 : index
    %get3A_167 = arith.constant 0 : index
    %get3A_168 = arith.constant 0 : index
    %get3A_169 = vector.load %arg0[%get3A_165, %get3A_166, %get3A_167, %get3A_168] : memref<4x3x64x128xf32, #tpu.memory_space<vmem>>, vector<1x1x64x128xf32>
    %get3A_170 = vector.shape_cast %get3A_169 : vector<1x1x64x128xf32> to vector<64x128xf32>
    %jit3A_171 = arith.constant 0.000000e+00 : f32
    %broadcast_in_dim3A_172 = vector.broadcast %jit3A_171 : f32 to vector<64x128xf32>
    %select_n3A_173 = arith.select %eq3A_14, %get3A_170, %broadcast_in_dim3A_172 : vector<64x128xi1>, vector<64x128xf32>
    %reduce_sum3A_174 = vector.shape_cast %select_n3A_173 : vector<64x128xf32> to vector<1x64x128xf32>
    %reduce_sum3A_175 = arith.constant dense<0.000000e+00> : vector<1xf32>
    %reduce_sum3A_176 = vector.multi_reduction <add>, %reduce_sum3A_174, %reduce_sum3A_175 [1, 2] : vector<1x64x128xf32> to vector<1xf32>
    %reduce_sum3A_177 = vector.shape_cast %reduce_sum3A_176 : vector<1xf32> to vector<1x1x1xf32>
    %reduce_sum3A_178 = vector.extract %reduce_sum3A_177[0, 0, 0] : f32 from vector<1x1x1xf32>
    %broadcast_in_dim3A_179 = arith.constant 0.000000e+00 : f32
    %broadcast_in_dim3A_180 = vector.broadcast %broadcast_in_dim3A_179 : f32 to vector<1x128xf32>
    %eq3A_181 = arith.constant 0 : i32
    %eq3A_182 = vector.broadcast %eq3A_181 : i32 to vector<1x128xi32>
    %eq3A_183 = arith.cmpi eq, %iota3A_7, %eq3A_182 : vector<1x128xi32>
    %broadcast_in_dim3A_184 = vector.broadcast %reduce_sum3A_24 : f32 to vector<1x128xf32>
    %select_n3A_185 = arith.select %eq3A_183, %broadcast_in_dim3A_184, %broadcast_in_dim3A_180 : vector<1x128xi1>, vector<1x128xf32>
    %eq3A_186 = arith.constant 1 : i32
    %eq3A_187 = vector.broadcast %eq3A_186 : i32 to vector<1x128xi32>
    %eq3A_188 = arith.cmpi eq, %iota3A_7, %eq3A_187 : vector<1x128xi32>
    %broadcast_in_dim3A_189 = vector.broadcast %reduce_sum3A_66 : f32 to vector<1x128xf32>
    %select_n3A_190 = arith.select %eq3A_188, %broadcast_in_dim3A_189, %select_n3A_185 : vector<1x128xi1>, vector<1x128xf32>
    %eq3A_191 = arith.constant 2 : i32
    %eq3A_192 = vector.broadcast %eq3A_191 : i32 to vector<1x128xi32>
    %eq3A_193 = arith.cmpi eq, %iota3A_7, %eq3A_192 : vector<1x128xi32>
    %broadcast_in_dim3A_194 = vector.broadcast %reduce_sum3A_108 : f32 to vector<1x128xf32>
    %select_n3A_195 = arith.select %eq3A_193, %broadcast_in_dim3A_194, %select_n3A_190 : vector<1x128xi1>, vector<1x128xf32>
    %eq3A_196 = arith.constant 3 : i32
    %eq3A_197 = vector.broadcast %eq3A_196 : i32 to vector<1x128xi32>
    %eq3A_198 = arith.cmpi eq, %iota3A_7, %eq3A_197 : vector<1x128xi32>
    %broadcast_in_dim3A_199 = vector.broadcast %reduce_sum3A_150 : f32 to vector<1x128xf32>
    %select_n3A_200 = arith.select %eq3A_198, %broadcast_in_dim3A_199, %select_n3A_195 : vector<1x128xi1>, vector<1x128xf32>
    %swap3A_201 = arith.constant 0 : index
    %swap3A_202 = arith.constant 0 : index
    %swap3A_203 = arith.constant 0 : index
    %swap3A_204 = vector.load %arg2[%swap3A_201, %swap3A_202, %swap3A_203] : memref<3x1024x128xf32, #tpu.memory_space<vmem>>, vector<1x1x128xf32>
    %swap3A_205 = vector.shape_cast %swap3A_204 : vector<1x1x128xf32> to vector<1x128xf32>
    %swap3A_206 = vector.shape_cast %select_n3A_200 : vector<1x128xf32> to vector<1x1x128xf32>
    tpu.vector_store %arg2[%swap3A_201, %swap3A_202, %swap3A_203], %swap3A_206 {strides = array<i32>} : memref<3x1024x128xf32, #tpu.memory_space<vmem>>, vector<1x1x128xf32>,
    %broadcast_in_dim3A_207 = arith.constant 0.000000e+00 : f32
    %broadcast_in_dim3A_208 = vector.broadcast %broadcast_in_dim3A_207 : f32 to vector<1x128xf32>
    %eq3A_209 = arith.constant 0 : i32
    %eq3A_210 = vector.broadcast %eq3A_209 : i32 to vector<1x128xi32>
    %eq3A_211 = arith.cmpi eq, %iota3A_7, %eq3A_210 : vector<1x128xi32>
    %broadcast_in_dim3A_212 = vector.broadcast %reduce_sum3A_38 : f32 to vector<1x128xf32>
    %select_n3A_213 = arith.select %eq3A_211, %broadcast_in_dim3A_212, %broadcast_in_dim3A_208 : vector<1x128xi1>, vector<1x128xf32>
    %eq3A_214 = arith.constant 1 : i32
    %eq3A_215 = vector.broadcast %eq3A_214 : i32 to vector<1x128xi32>
    %eq3A_216 = arith.cmpi eq, %iota3A_7, %eq3A_215 : vector<1x128xi32>
    %broadcast_in_dim3A_217 = vector.broadcast %reduce_sum3A_80 : f32 to vector<1x128xf32>
    %select_n3A_218 = arith.select %eq3A_216, %broadcast_in_dim3A_217, %select_n3A_213 : vector<1x128xi1>, vector<1x128xf32>
    %eq3A_219 = arith.constant 2 : i32
    %eq3A_220 = vector.broadcast %eq3A_219 : i32 to vector<1x128xi32>
    %eq3A_221 = arith.cmpi eq, %iota3A_7, %eq3A_220 : vector<1x128xi32>
    %broadcast_in_dim3A_222 = vector.broadcast %reduce_sum3A_122 : f32 to vector<1x128xf32>
    %select_n3A_223 = arith.select %eq3A_221, %broadcast_in_dim3A_222, %select_n3A_218 : vector<1x128xi1>, vector<1x128xf32>
    %eq3A_224 = arith.constant 3 : i32
    %eq3A_225 = vector.broadcast %eq3A_224 : i32 to vector<1x128xi32>
    %eq3A_226 = arith.cmpi eq, %iota3A_7, %eq3A_225 : vector<1x128xi32>
    %broadcast_in_dim3A_227 = vector.broadcast %reduce_sum3A_164 : f32 to vector<1x128xf32>
    %select_n3A_228 = arith.select %eq3A_226, %broadcast_in_dim3A_227, %select_n3A_223 : vector<1x128xi1>, vector<1x128xf32>
    %swap3A_229 = arith.constant 1 : index
    %swap3A_230 = arith.constant 0 : index
    %swap3A_231 = arith.constant 0 : index
    %swap3A_232 = vector.load %arg2[%swap3A_229, %swap3A_230, %swap3A_231] : memref<3x1024x128xf32, #tpu.memory_space<vmem>>, vector<1x1x128xf32>
    %swap3A_233 = vector.shape_cast %swap3A_232 : vector<1x1x128xf32> to vector<1x128xf32>
    %swap3A_234 = vector.shape_cast %select_n3A_228 : vector<1x128xf32> to vector<1x1x128xf32>
    tpu.vector_store %arg2[%swap3A_229, %swap3A_230, %swap3A_231], %swap3A_234 {strides = array<i32>} : memref<3x1024x128xf32, #tpu.memory_space<vmem>>, vector<1x1x128xf32>,
    %broadcast_in_dim3A_235 = arith.constant 0.000000e+00 : f32
    %broadcast_in_dim3A_236 = vector.broadcast %broadcast_in_dim3A_235 : f32 to vector<1x128xf32>
    %eq3A_237 = arith.constant 0 : i32
    %eq3A_238 = vector.broadcast %eq3A_237 : i32 to vector<1x128xi32>
    %eq3A_239 = arith.cmpi eq, %iota3A_7, %eq3A_238 : vector<1x128xi32>
    %broadcast_in_dim3A_240 = vector.broadcast %reduce_sum3A_52 : f32 to vector<1x128xf32>
    %select_n3A_241 = arith.select %eq3A_239, %broadcast_in_dim3A_240, %broadcast_in_dim3A_236 : vector<1x128xi1>, vector<1x128xf32>
    %eq3A_242 = arith.constant 1 : i32
    %eq3A_243 = vector.broadcast %eq3A_242 : i32 to vector<1x128xi32>
    %eq3A_244 = arith.cmpi eq, %iota3A_7, %eq3A_243 : vector<1x128xi32>
    %broadcast_in_dim3A_245 = vector.broadcast %reduce_sum3A_94 : f32 to vector<1x128xf32>
    %select_n3A_246 = arith.select %eq3A_244, %broadcast_in_dim3A_245, %select_n3A_241 : vector<1x128xi1>, vector<1x128xf32>
    %eq3A_247 = arith.constant 2 : i32
    %eq3A_248 = vector.broadcast %eq3A_247 : i32 to vector<1x128xi32>
    %eq3A_249 = arith.cmpi eq, %iota3A_7, %eq3A_248 : vector<1x128xi32>
    %broadcast_in_dim3A_250 = vector.broadcast %reduce_sum3A_136 : f32 to vector<1x128xf32>
    %select_n3A_251 = arith.select %eq3A_249, %broadcast_in_dim3A_250, %select_n3A_246 : vector<1x128xi1>, vector<1x128xf32>
    %eq3A_252 = arith.constant 3 : i32
    %eq3A_253 = vector.broadcast %eq3A_252 : i32 to vector<1x128xi32>
    %eq3A_254 = arith.cmpi eq, %iota3A_7, %eq3A_253 : vector<1x128xi32>
    %broadcast_in_dim3A_255 = vector.broadcast %reduce_sum3A_178 : f32 to vector<1x128xf32>
    %select_n3A_256 = arith.select %eq3A_254, %broadcast_in_dim3A_255, %select_n3A_251 : vector<1x128xi1>, vector<1x128xf32>
    %swap3A_257 = arith.constant 2 : index
    %swap3A_258 = arith.constant 0 : index
    %swap3A_259 = arith.constant 0 : index
    %swap3A_260 = vector.load %arg2[%swap3A_257, %swap3A_258, %swap3A_259] : memref<3x1024x128xf32, #tpu.memory_space<vmem>>, vector<1x1x128xf32>
    %swap3A_261 = vector.shape_cast %swap3A_260 : vector<1x1x128xf32> to vector<1x128xf32>
    %swap3A_262 = vector.shape_cast %select_n3A_256 : vector<1x128xf32> to vector<1x1x128xf32>
    tpu.vector_store %arg2[%swap3A_257, %swap3A_258, %swap3A_259], %swap3A_262 {strides = array<i32>} : memref<3x1024x128xf32, #tpu.memory_space<vmem>>, vector<1x1x128xf32>,
    %scan3A = arith.constant 1 : i32
    %scan3A_263 = arith.constant 1023 : i32
    %scan3A_264 = arith.addi %scan3A, %scan3A_263 : i32
    %scan3A_265 = arith.constant 1 : i32
    %scan3A_266:12 = scf.for %scan3A_268 = %scan3A to %scan3A_264 step %scan3A_265 iter_args(%scan3A_269 = %reduce_sum3A_24, %scan3A_270 = %reduce_sum3A_38, %scan3A_271 = %reduce_sum3A_52, %scan3A_272 = %reduce_sum3A_66, %scan3A_273 = %reduce_sum3A_80, %scan3A_274 = %reduce_sum3A_94, %scan3A_275 = %reduce_sum3A_108, %scan3A_276 = %reduce_sum3A_122, %scan3A_277 = %reduce_sum3A_136, %scan3A_278 = %reduce_sum3A_150, %scan3A_279 = %reduce_sum3A_164, %scan3A_280 = %reduce_sum3A_178) -> (f32, f32, f32, f32, f32, f32, f32, f32, f32, f32, f32, f32)  : i32 {
      %get3A_281 = arith.constant 0 : index
      %get3A_282 = arith.constant 0 : index
      %get3A_283 = arith.constant 0 : index
      %get3A_284 = arith.constant 0 : index
      %get3A_285 = vector.load %arg0[%get3A_281, %get3A_282, %get3A_283, %get3A_284] : memref<4x3x64x128xf32, #tpu.memory_space<vmem>>, vector<1x1x64x128xf32>
      %get3A_286 = vector.shape_cast %get3A_285 : vector<1x1x64x128xf32> to vector<64x128xf32>
      %get3A_287 = arith.constant 0 : index
      %get3A_288 = arith.constant 1 : index
      %get3A_289 = arith.constant 0 : index
      %get3A_290 = arith.constant 0 : index
      %get3A_291 = vector.load %arg0[%get3A_287, %get3A_288, %get3A_289, %get3A_290] : memref<4x3x64x128xf32, #tpu.memory_space<vmem>>, vector<1x1x64x128xf32>
      %get3A_292 = vector.shape_cast %get3A_291 : vector<1x1x64x128xf32> to vector<64x128xf32>
      %get3A_293 = arith.constant 0 : index
      %get3A_294 = arith.constant 2 : index
      %get3A_295 = arith.constant 0 : index
      %get3A_296 = arith.constant 0 : index
      %get3A_297 = vector.load %arg0[%get3A_293, %get3A_294, %get3A_295, %get3A_296] : memref<4x3x64x128xf32, #tpu.memory_space<vmem>>, vector<1x1x64x128xf32>
      %get3A_298 = vector.shape_cast %get3A_297 : vector<1x1x64x128xf32> to vector<64x128xf32>
      %sub3A = vector.broadcast %scan3A_269 : f32 to vector<64x128xf32>
      %sub3A_299 = arith.subf %get3A_286, %sub3A : vector<64x128xf32>
      %sub3A_300 = vector.broadcast %scan3A_270 : f32 to vector<64x128xf32>
      %sub3A_301 = arith.subf %get3A_292, %sub3A_300 : vector<64x128xf32>
      %sub3A_302 = vector.broadcast %scan3A_271 : f32 to vector<64x128xf32>
      %sub3A_303 = arith.subf %get3A_298, %sub3A_302 : vector<64x128xf32>
      %mul3A_304 = arith.mulf %sub3A_299, %sub3A_299 : vector<64x128xf32>
      %mul3A_305 = arith.mulf %sub3A_301, %sub3A_301 : vector<64x128xf32>
      %add3A_306 = arith.addf %mul3A_304, %mul3A_305 : vector<64x128xf32>
      %mul3A_307 = arith.mulf %sub3A_303, %sub3A_303 : vector<64x128xf32>
      %add3A_308 = arith.addf %add3A_306, %mul3A_307 : vector<64x128xf32>
      %get3A_309 = arith.constant 0 : index
      %get3A_310 = arith.constant 0 : index
      %get3A_311 = arith.constant 0 : index
      %get3A_312 = vector.load %arg3[%get3A_309, %get3A_310, %get3A_311] : memref<4x64x128xf32, #tpu.memory_space<vmem>>, vector<1x64x128xf32>
      %get3A_313 = vector.shape_cast %get3A_312 : vector<1x64x128xf32> to vector<64x128xf32>
      %min3A = arith.minimumf %get3A_313, %add3A_308 : vector<64x128xf32>
      %swap3A_314 = arith.constant 0 : index
      %swap3A_315 = arith.constant 0 : index
      %swap3A_316 = arith.constant 0 : index
      %swap3A_317 = vector.load %arg3[%swap3A_314, %swap3A_315, %swap3A_316] : memref<4x64x128xf32, #tpu.memory_space<vmem>>, vector<1x64x128xf32>
      %swap3A_318 = vector.shape_cast %swap3A_317 : vector<1x64x128xf32> to vector<64x128xf32>
      %swap3A_319 = vector.shape_cast %min3A : vector<64x128xf32> to vector<1x64x128xf32>
      tpu.vector_store %arg3[%swap3A_314, %swap3A_315, %swap3A_316], %swap3A_319 {strides = array<i32>} : memref<4x64x128xf32, #tpu.memory_space<vmem>>, vector<1x64x128xf32>,
      %reduce_max3A = vector.shape_cast %min3A : vector<64x128xf32> to vector<1x64x128xf32>
      %reduce_max3A_320 = arith.constant dense<0xFF800000> : vector<1xf32>
      %reduce_max3A_321 = vector.multi_reduction <maximumf>, %reduce_max3A, %reduce_max3A_320 [1, 2] : vector<1x64x128xf32> to vector<1xf32>
      %reduce_max3A_322 = vector.shape_cast %reduce_max3A_321 : vector<1xf32> to vector<1x1x1xf32>
      %reduce_max3A_323 = vector.extract %reduce_max3A_322[0, 0, 0] : f32 from vector<1x1x1xf32>
      %eq3A_324 = vector.broadcast %reduce_max3A_323 : f32 to vector<64x128xf32>
      %eq3A_325 = arith.cmpf oeq, %min3A, %eq3A_324 : vector<64x128xf32>
      %jit3A_326 = arith.constant 8192 : i32
      %broadcast_in_dim3A_327 = vector.broadcast %jit3A_326 : i32 to vector<64x128xi32>
      %select_n3A_328 = arith.select %eq3A_325, %add3A, %broadcast_in_dim3A_327 : vector<64x128xi1>, vector<64x128xi32>
      %reduce_min3A = vector.shape_cast %select_n3A_328 : vector<64x128xi32> to vector<1x64x128xi32>
      %reduce_min3A_329 = arith.constant dense<2147483647> : vector<1xi32>
      %reduce_min3A_330 = vector.multi_reduction <minsi>, %reduce_min3A, %reduce_min3A_329 [1, 2] : vector<1x64x128xi32> to vector<1xi32>
      %reduce_min3A_331 = vector.shape_cast %reduce_min3A_330 : vector<1xi32> to vector<1x1x1xi32>
      %reduce_min3A_332 = vector.extract %reduce_min3A_331[0, 0, 0] : i32 from vector<1x1x1xi32>
      %get3A_333 = arith.constant 1 : index
      %get3A_334 = arith.constant 0 : index
      %get3A_335 = arith.constant 0 : index
      %get3A_336 = arith.constant 0 : index
      %get3A_337 = vector.load %arg0[%get3A_333, %get3A_334, %get3A_335, %get3A_336] : memref<4x3x64x128xf32, #tpu.memory_space<vmem>>, vector<1x1x64x128xf32>
      %get3A_338 = vector.shape_cast %get3A_337 : vector<1x1x64x128xf32> to vector<64x128xf32>
      %get3A_339 = arith.constant 1 : index
      %get3A_340 = arith.constant 1 : index
      %get3A_341 = arith.constant 0 : index
      %get3A_342 = arith.constant 0 : index
      %get3A_343 = vector.load %arg0[%get3A_339, %get3A_340, %get3A_341, %get3A_342] : memref<4x3x64x128xf32, #tpu.memory_space<vmem>>, vector<1x1x64x128xf32>
      %get3A_344 = vector.shape_cast %get3A_343 : vector<1x1x64x128xf32> to vector<64x128xf32>
      %get3A_345 = arith.constant 1 : index
      %get3A_346 = arith.constant 2 : index
      %get3A_347 = arith.constant 0 : index
      %get3A_348 = arith.constant 0 : index
      %get3A_349 = vector.load %arg0[%get3A_345, %get3A_346, %get3A_347, %get3A_348] : memref<4x3x64x128xf32, #tpu.memory_space<vmem>>, vector<1x1x64x128xf32>
      %get3A_350 = vector.shape_cast %get3A_349 : vector<1x1x64x128xf32> to vector<64x128xf32>
      %sub3A_351 = vector.broadcast %scan3A_272 : f32 to vector<64x128xf32>
      %sub3A_352 = arith.subf %get3A_338, %sub3A_351 : vector<64x128xf32>
      %sub3A_353 = vector.broadcast %scan3A_273 : f32 to vector<64x128xf32>
      %sub3A_354 = arith.subf %get3A_344, %sub3A_353 : vector<64x128xf32>
      %sub3A_355 = vector.broadcast %scan3A_274 : f32 to vector<64x128xf32>
      %sub3A_356 = arith.subf %get3A_350, %sub3A_355 : vector<64x128xf32>
      %mul3A_357 = arith.mulf %sub3A_352, %sub3A_352 : vector<64x128xf32>
      %mul3A_358 = arith.mulf %sub3A_354, %sub3A_354 : vector<64x128xf32>
      %add3A_359 = arith.addf %mul3A_357, %mul3A_358 : vector<64x128xf32>
      %mul3A_360 = arith.mulf %sub3A_356, %sub3A_356 : vector<64x128xf32>
      %add3A_361 = arith.addf %add3A_359, %mul3A_360 : vector<64x128xf32>
      %get3A_362 = arith.constant 1 : index
      %get3A_363 = arith.constant 0 : index
      %get3A_364 = arith.constant 0 : index
      %get3A_365 = vector.load %arg3[%get3A_362, %get3A_363, %get3A_364] : memref<4x64x128xf32, #tpu.memory_space<vmem>>, vector<1x64x128xf32>
      %get3A_366 = vector.shape_cast %get3A_365 : vector<1x64x128xf32> to vector<64x128xf32>
      %min3A_367 = arith.minimumf %get3A_366, %add3A_361 : vector<64x128xf32>
      %swap3A_368 = arith.constant 1 : index
      %swap3A_369 = arith.constant 0 : index
      %swap3A_370 = arith.constant 0 : index
      %swap3A_371 = vector.load %arg3[%swap3A_368, %swap3A_369, %swap3A_370] : memref<4x64x128xf32, #tpu.memory_space<vmem>>, vector<1x64x128xf32>
      %swap3A_372 = vector.shape_cast %swap3A_371 : vector<1x64x128xf32> to vector<64x128xf32>
      %swap3A_373 = vector.shape_cast %min3A_367 : vector<64x128xf32> to vector<1x64x128xf32>
      tpu.vector_store %arg3[%swap3A_368, %swap3A_369, %swap3A_370], %swap3A_373 {strides = array<i32>} : memref<4x64x128xf32, #tpu.memory_space<vmem>>, vector<1x64x128xf32>,
      %reduce_max3A_374 = vector.shape_cast %min3A_367 : vector<64x128xf32> to vector<1x64x128xf32>
      %reduce_max3A_375 = arith.constant dense<0xFF800000> : vector<1xf32>
      %reduce_max3A_376 = vector.multi_reduction <maximumf>, %reduce_max3A_374, %reduce_max3A_375 [1, 2] : vector<1x64x128xf32> to vector<1xf32>
      %reduce_max3A_377 = vector.shape_cast %reduce_max3A_376 : vector<1xf32> to vector<1x1x1xf32>
      %reduce_max3A_378 = vector.extract %reduce_max3A_377[0, 0, 0] : f32 from vector<1x1x1xf32>
      %eq3A_379 = vector.broadcast %reduce_max3A_378 : f32 to vector<64x128xf32>
      %eq3A_380 = arith.cmpf oeq, %min3A_367, %eq3A_379 : vector<64x128xf32>
      %jit3A_381 = arith.constant 8192 : i32
      %broadcast_in_dim3A_382 = vector.broadcast %jit3A_381 : i32 to vector<64x128xi32>
      %select_n3A_383 = arith.select %eq3A_380, %add3A, %broadcast_in_dim3A_382 : vector<64x128xi1>, vector<64x128xi32>
      %reduce_min3A_384 = vector.shape_cast %select_n3A_383 : vector<64x128xi32> to vector<1x64x128xi32>
      %reduce_min3A_385 = arith.constant dense<2147483647> : vector<1xi32>
      %reduce_min3A_386 = vector.multi_reduction <minsi>, %reduce_min3A_384, %reduce_min3A_385 [1, 2] : vector<1x64x128xi32> to vector<1xi32>
      %reduce_min3A_387 = vector.shape_cast %reduce_min3A_386 : vector<1xi32> to vector<1x1x1xi32>
      %reduce_min3A_388 = vector.extract %reduce_min3A_387[0, 0, 0] : i32 from vector<1x1x1xi32>
      %get3A_389 = arith.constant 2 : index
      %get3A_390 = arith.constant 0 : index
      %get3A_391 = arith.constant 0 : index
      %get3A_392 = arith.constant 0 : index
      %get3A_393 = vector.load %arg0[%get3A_389, %get3A_390, %get3A_391, %get3A_392] : memref<4x3x64x128xf32, #tpu.memory_space<vmem>>, vector<1x1x64x128xf32>
      %get3A_394 = vector.shape_cast %get3A_393 : vector<1x1x64x128xf32> to vector<64x128xf32>
      %get3A_395 = arith.constant 2 : index
      %get3A_396 = arith.constant 1 : index
      %get3A_397 = arith.constant 0 : index
      %get3A_398 = arith.constant 0 : index
      %get3A_399 = vector.load %arg0[%get3A_395, %get3A_396, %get3A_397, %get3A_398] : memref<4x3x64x128xf32, #tpu.memory_space<vmem>>, vector<1x1x64x128xf32>
      %get3A_400 = vector.shape_cast %get3A_399 : vector<1x1x64x128xf32> to vector<64x128xf32>
      %get3A_401 = arith.constant 2 : index
      %get3A_402 = arith.constant 2 : index
      %get3A_403 = arith.constant 0 : index
      %get3A_404 = arith.constant 0 : index
      %get3A_405 = vector.load %arg0[%get3A_401, %get3A_402, %get3A_403, %get3A_404] : memref<4x3x64x128xf32, #tpu.memory_space<vmem>>, vector<1x1x64x128xf32>
      %get3A_406 = vector.shape_cast %get3A_405 : vector<1x1x64x128xf32> to vector<64x128xf32>
      %sub3A_407 = vector.broadcast %scan3A_275 : f32 to vector<64x128xf32>
      %sub3A_408 = arith.subf %get3A_394, %sub3A_407 : vector<64x128xf32>
      %sub3A_409 = vector.broadcast %scan3A_276 : f32 to vector<64x128xf32>
      %sub3A_410 = arith.subf %get3A_400, %sub3A_409 : vector<64x128xf32>
      %sub3A_411 = vector.broadcast %scan3A_277 : f32 to vector<64x128xf32>
      %sub3A_412 = arith.subf %get3A_406, %sub3A_411 : vector<64x128xf32>
      %mul3A_413 = arith.mulf %sub3A_408, %sub3A_408 : vector<64x128xf32>
      %mul3A_414 = arith.mulf %sub3A_410, %sub3A_410 : vector<64x128xf32>
      %add3A_415 = arith.addf %mul3A_413, %mul3A_414 : vector<64x128xf32>
      %mul3A_416 = arith.mulf %sub3A_412, %sub3A_412 : vector<64x128xf32>
      %add3A_417 = arith.addf %add3A_415, %mul3A_416 : vector<64x128xf32>
      %get3A_418 = arith.constant 2 : index
      %get3A_419 = arith.constant 0 : index
      %get3A_420 = arith.constant 0 : index
      %get3A_421 = vector.load %arg3[%get3A_418, %get3A_419, %get3A_420] : memref<4x64x128xf32, #tpu.memory_space<vmem>>, vector<1x64x128xf32>
      %get3A_422 = vector.shape_cast %get3A_421 : vector<1x64x128xf32> to vector<64x128xf32>
      %min3A_423 = arith.minimumf %get3A_422, %add3A_417 : vector<64x128xf32>
      %swap3A_424 = arith.constant 2 : index
      %swap3A_425 = arith.constant 0 : index
      %swap3A_426 = arith.constant 0 : index
      %swap3A_427 = vector.load %arg3[%swap3A_424, %swap3A_425, %swap3A_426] : memref<4x64x128xf32, #tpu.memory_space<vmem>>, vector<1x64x128xf32>
      %swap3A_428 = vector.shape_cast %swap3A_427 : vector<1x64x128xf32> to vector<64x128xf32>
      %swap3A_429 = vector.shape_cast %min3A_423 : vector<64x128xf32> to vector<1x64x128xf32>
      tpu.vector_store %arg3[%swap3A_424, %swap3A_425, %swap3A_426], %swap3A_429 {strides = array<i32>} : memref<4x64x128xf32, #tpu.memory_space<vmem>>, vector<1x64x128xf32>,
      %reduce_max3A_430 = vector.shape_cast %min3A_423 : vector<64x128xf32> to vector<1x64x128xf32>
      %reduce_max3A_431 = arith.constant dense<0xFF800000> : vector<1xf32>
      %reduce_max3A_432 = vector.multi_reduction <maximumf>, %reduce_max3A_430, %reduce_max3A_431 [1, 2] : vector<1x64x128xf32> to vector<1xf32>
      %reduce_max3A_433 = vector.shape_cast %reduce_max3A_432 : vector<1xf32> to vector<1x1x1xf32>
      %reduce_max3A_434 = vector.extract %reduce_max3A_433[0, 0, 0] : f32 from vector<1x1x1xf32>
      %eq3A_435 = vector.broadcast %reduce_max3A_434 : f32 to vector<64x128xf32>
      %eq3A_436 = arith.cmpf oeq, %min3A_423, %eq3A_435 : vector<64x128xf32>
      %jit3A_437 = arith.constant 8192 : i32
      %broadcast_in_dim3A_438 = vector.broadcast %jit3A_437 : i32 to vector<64x128xi32>
      %select_n3A_439 = arith.select %eq3A_436, %add3A, %broadcast_in_dim3A_438 : vector<64x128xi1>, vector<64x128xi32>
      %reduce_min3A_440 = vector.shape_cast %select_n3A_439 : vector<64x128xi32> to vector<1x64x128xi32>
      %reduce_min3A_441 = arith.constant dense<2147483647> : vector<1xi32>
      %reduce_min3A_442 = vector.multi_reduction <minsi>, %reduce_min3A_440, %reduce_min3A_441 [1, 2] : vector<1x64x128xi32> to vector<1xi32>
      %reduce_min3A_443 = vector.shape_cast %reduce_min3A_442 : vector<1xi32> to vector<1x1x1xi32>
      %reduce_min3A_444 = vector.extract %reduce_min3A_443[0, 0, 0] : i32 from vector<1x1x1xi32>
      %get3A_445 = arith.constant 3 : index
      %get3A_446 = arith.constant 0 : index
      %get3A_447 = arith.constant 0 : index
      %get3A_448 = arith.constant 0 : index
      %get3A_449 = vector.load %arg0[%get3A_445, %get3A_446, %get3A_447, %get3A_448] : memref<4x3x64x128xf32, #tpu.memory_space<vmem>>, vector<1x1x64x128xf32>
      %get3A_450 = vector.shape_cast %get3A_449 : vector<1x1x64x128xf32> to vector<64x128xf32>
      %get3A_451 = arith.constant 3 : index
      %get3A_452 = arith.constant 1 : index
      %get3A_453 = arith.constant 0 : index
      %get3A_454 = arith.constant 0 : index
      %get3A_455 = vector.load %arg0[%get3A_451, %get3A_452, %get3A_453, %get3A_454] : memref<4x3x64x128xf32, #tpu.memory_space<vmem>>, vector<1x1x64x128xf32>
      %get3A_456 = vector.shape_cast %get3A_455 : vector<1x1x64x128xf32> to vector<64x128xf32>
      %get3A_457 = arith.constant 3 : index
      %get3A_458 = arith.constant 2 : index
      %get3A_459 = arith.constant 0 : index
      %get3A_460 = arith.constant 0 : index
      %get3A_461 = vector.load %arg0[%get3A_457, %get3A_458, %get3A_459, %get3A_460] : memref<4x3x64x128xf32, #tpu.memory_space<vmem>>, vector<1x1x64x128xf32>
      %get3A_462 = vector.shape_cast %get3A_461 : vector<1x1x64x128xf32> to vector<64x128xf32>
      %sub3A_463 = vector.broadcast %scan3A_278 : f32 to vector<64x128xf32>
      %sub3A_464 = arith.subf %get3A_450, %sub3A_463 : vector<64x128xf32>
      %sub3A_465 = vector.broadcast %scan3A_279 : f32 to vector<64x128xf32>
      %sub3A_466 = arith.subf %get3A_456, %sub3A_465 : vector<64x128xf32>
      %sub3A_467 = vector.broadcast %scan3A_280 : f32 to vector<64x128xf32>
      %sub3A_468 = arith.subf %get3A_462, %sub3A_467 : vector<64x128xf32>
      %mul3A_469 = arith.mulf %sub3A_464, %sub3A_464 : vector<64x128xf32>
      %mul3A_470 = arith.mulf %sub3A_466, %sub3A_466 : vector<64x128xf32>
      %add3A_471 = arith.addf %mul3A_469, %mul3A_470 : vector<64x128xf32>
      %mul3A_472 = arith.mulf %sub3A_468, %sub3A_468 : vector<64x128xf32>
      %add3A_473 = arith.addf %add3A_471, %mul3A_472 : vector<64x128xf32>
      %get3A_474 = arith.constant 3 : index
      %get3A_475 = arith.constant 0 : index
      %get3A_476 = arith.constant 0 : index
      %get3A_477 = vector.load %arg3[%get3A_474, %get3A_475, %get3A_476] : memref<4x64x128xf32, #tpu.memory_space<vmem>>, vector<1x64x128xf32>
      %get3A_478 = vector.shape_cast %get3A_477 : vector<1x64x128xf32> to vector<64x128xf32>
      %min3A_479 = arith.minimumf %get3A_478, %add3A_473 : vector<64x128xf32>
      %swap3A_480 = arith.constant 3 : index
      %swap3A_481 = arith.constant 0 : index
      %swap3A_482 = arith.constant 0 : index
      %swap3A_483 = vector.load %arg3[%swap3A_480, %swap3A_481, %swap3A_482] : memref<4x64x128xf32, #tpu.memory_space<vmem>>, vector<1x64x128xf32>
      %swap3A_484 = vector.shape_cast %swap3A_483 : vector<1x64x128xf32> to vector<64x128xf32>
      %swap3A_485 = vector.shape_cast %min3A_479 : vector<64x128xf32> to vector<1x64x128xf32>
      tpu.vector_store %arg3[%swap3A_480, %swap3A_481, %swap3A_482], %swap3A_485 {strides = array<i32>} : memref<4x64x128xf32, #tpu.memory_space<vmem>>, vector<1x64x128xf32>,
      %reduce_max3A_486 = vector.shape_cast %min3A_479 : vector<64x128xf32> to vector<1x64x128xf32>
      %reduce_max3A_487 = arith.constant dense<0xFF800000> : vector<1xf32>
      %reduce_max3A_488 = vector.multi_reduction <maximumf>, %reduce_max3A_486, %reduce_max3A_487 [1, 2] : vector<1x64x128xf32> to vector<1xf32>
      %reduce_max3A_489 = vector.shape_cast %reduce_max3A_488 : vector<1xf32> to vector<1x1x1xf32>
      %reduce_max3A_490 = vector.extract %reduce_max3A_489[0, 0, 0] : f32 from vector<1x1x1xf32>
      %eq3A_491 = vector.broadcast %reduce_max3A_490 : f32 to vector<64x128xf32>
      %eq3A_492 = arith.cmpf oeq, %min3A_479, %eq3A_491 : vector<64x128xf32>
      %jit3A_493 = arith.constant 8192 : i32
      %broadcast_in_dim3A_494 = vector.broadcast %jit3A_493 : i32 to vector<64x128xi32>
      %select_n3A_495 = arith.select %eq3A_492, %add3A, %broadcast_in_dim3A_494 : vector<64x128xi1>, vector<64x128xi32>
      %reduce_min3A_496 = vector.shape_cast %select_n3A_495 : vector<64x128xi32> to vector<1x64x128xi32>
      %reduce_min3A_497 = arith.constant dense<2147483647> : vector<1xi32>
      %reduce_min3A_498 = vector.multi_reduction <minsi>, %reduce_min3A_496, %reduce_min3A_497 [1, 2] : vector<1x64x128xi32> to vector<1xi32>
      %reduce_min3A_499 = vector.shape_cast %reduce_min3A_498 : vector<1xi32> to vector<1x1x1xi32>
      %reduce_min3A_500 = vector.extract %reduce_min3A_499[0, 0, 0] : i32 from vector<1x1x1xi32>
      %eq3A_501 = vector.broadcast %reduce_min3A_332 : i32 to vector<64x128xi32>
      %eq3A_502 = arith.cmpi eq, %add3A, %eq3A_501 : vector<64x128xi32>
      %get3A_503 = arith.constant 0 : index
      %get3A_504 = arith.constant 0 : index
      %get3A_505 = arith.constant 0 : index
      %get3A_506 = arith.constant 0 : index
      %get3A_507 = vector.load %arg0[%get3A_503, %get3A_504, %get3A_505, %get3A_506] : memref<4x3x64x128xf32, #tpu.memory_space<vmem>>, vector<1x1x64x128xf32>
      %get3A_508 = vector.shape_cast %get3A_507 : vector<1x1x64x128xf32> to vector<64x128xf32>
      %jit3A_509 = arith.constant 0.000000e+00 : f32
      %broadcast_in_dim3A_510 = vector.broadcast %jit3A_509 : f32 to vector<64x128xf32>
      %select_n3A_511 = arith.select %eq3A_502, %get3A_508, %broadcast_in_dim3A_510 : vector<64x128xi1>, vector<64x128xf32>
      %reduce_sum3A_512 = vector.shape_cast %select_n3A_511 : vector<64x128xf32> to vector<1x64x128xf32>
      %reduce_sum3A_513 = arith.constant dense<0.000000e+00> : vector<1xf32>
      %reduce_sum3A_514 = vector.multi_reduction <add>, %reduce_sum3A_512, %reduce_sum3A_513 [1, 2] : vector<1x64x128xf32> to vector<1xf32>
      %reduce_sum3A_515 = vector.shape_cast %reduce_sum3A_514 : vector<1xf32> to vector<1x1x1xf32>
      %reduce_sum3A_516 = vector.extract %reduce_sum3A_515[0, 0, 0] : f32 from vector<1x1x1xf32>
      %get3A_517 = arith.constant 0 : index
      %get3A_518 = arith.constant 1 : index
      %get3A_519 = arith.constant 0 : index
      %get3A_520 = arith.constant 0 : index
      %get3A_521 = vector.load %arg0[%get3A_517, %get3A_518, %get3A_519, %get3A_520] : memref<4x3x64x128xf32, #tpu.memory_space<vmem>>, vector<1x1x64x128xf32>
      %get3A_522 = vector.shape_cast %get3A_521 : vector<1x1x64x128xf32> to vector<64x128xf32>
      %jit3A_523 = arith.constant 0.000000e+00 : f32
      %broadcast_in_dim3A_524 = vector.broadcast %jit3A_523 : f32 to vector<64x128xf32>
      %select_n3A_525 = arith.select %eq3A_502, %get3A_522, %broadcast_in_dim3A_524 : vector<64x128xi1>, vector<64x128xf32>
      %reduce_sum3A_526 = vector.shape_cast %select_n3A_525 : vector<64x128xf32> to vector<1x64x128xf32>
      %reduce_sum3A_527 = arith.constant dense<0.000000e+00> : vector<1xf32>
      %reduce_sum3A_528 = vector.multi_reduction <add>, %reduce_sum3A_526, %reduce_sum3A_527 [1, 2] : vector<1x64x128xf32> to vector<1xf32>
      %reduce_sum3A_529 = vector.shape_cast %reduce_sum3A_528 : vector<1xf32> to vector<1x1x1xf32>
      %reduce_sum3A_530 = vector.extract %reduce_sum3A_529[0, 0, 0] : f32 from vector<1x1x1xf32>
      %get3A_531 = arith.constant 0 : index
      %get3A_532 = arith.constant 2 : index
      %get3A_533 = arith.constant 0 : index
      %get3A_534 = arith.constant 0 : index
      %get3A_535 = vector.load %arg0[%get3A_531, %get3A_532, %get3A_533, %get3A_534] : memref<4x3x64x128xf32, #tpu.memory_space<vmem>>, vector<1x1x64x128xf32>
      %get3A_536 = vector.shape_cast %get3A_535 : vector<1x1x64x128xf32> to vector<64x128xf32>
      %jit3A_537 = arith.constant 0.000000e+00 : f32
      %broadcast_in_dim3A_538 = vector.broadcast %jit3A_537 : f32 to vector<64x128xf32>
      %select_n3A_539 = arith.select %eq3A_502, %get3A_536, %broadcast_in_dim3A_538 : vector<64x128xi1>, vector<64x128xf32>
      %reduce_sum3A_540 = vector.shape_cast %select_n3A_539 : vector<64x128xf32> to vector<1x64x128xf32>
      %reduce_sum3A_541 = arith.constant dense<0.000000e+00> : vector<1xf32>
      %reduce_sum3A_542 = vector.multi_reduction <add>, %reduce_sum3A_540, %reduce_sum3A_541 [1, 2] : vector<1x64x128xf32> to vector<1xf32>
      %reduce_sum3A_543 = vector.shape_cast %reduce_sum3A_542 : vector<1xf32> to vector<1x1x1xf32>
      %reduce_sum3A_544 = vector.extract %reduce_sum3A_543[0, 0, 0] : f32 from vector<1x1x1xf32>
      %eq3A_545 = vector.broadcast %reduce_min3A_388 : i32 to vector<64x128xi32>
      %eq3A_546 = arith.cmpi eq, %add3A, %eq3A_545 : vector<64x128xi32>
      %get3A_547 = arith.constant 1 : index
      %get3A_548 = arith.constant 0 : index
      %get3A_549 = arith.constant 0 : index
      %get3A_550 = arith.constant 0 : index
      %get3A_551 = vector.load %arg0[%get3A_547, %get3A_548, %get3A_549, %get3A_550] : memref<4x3x64x128xf32, #tpu.memory_space<vmem>>, vector<1x1x64x128xf32>
      %get3A_552 = vector.shape_cast %get3A_551 : vector<1x1x64x128xf32> to vector<64x128xf32>
      %jit3A_553 = arith.constant 0.000000e+00 : f32
      %broadcast_in_dim3A_554 = vector.broadcast %jit3A_553 : f32 to vector<64x128xf32>
      %select_n3A_555 = arith.select %eq3A_546, %get3A_552, %broadcast_in_dim3A_554 : vector<64x128xi1>, vector<64x128xf32>
      %reduce_sum3A_556 = vector.shape_cast %select_n3A_555 : vector<64x128xf32> to vector<1x64x128xf32>
      %reduce_sum3A_557 = arith.constant dense<0.000000e+00> : vector<1xf32>
      %reduce_sum3A_558 = vector.multi_reduction <add>, %reduce_sum3A_556, %reduce_sum3A_557 [1, 2] : vector<1x64x128xf32> to vector<1xf32>
      %reduce_sum3A_559 = vector.shape_cast %reduce_sum3A_558 : vector<1xf32> to vector<1x1x1xf32>
      %reduce_sum3A_560 = vector.extract %reduce_sum3A_559[0, 0, 0] : f32 from vector<1x1x1xf32>
      %get3A_561 = arith.constant 1 : index
      %get3A_562 = arith.constant 1 : index
      %get3A_563 = arith.constant 0 : index
      %get3A_564 = arith.constant 0 : index
      %get3A_565 = vector.load %arg0[%get3A_561, %get3A_562, %get3A_563, %get3A_564] : memref<4x3x64x128xf32, #tpu.memory_space<vmem>>, vector<1x1x64x128xf32>
      %get3A_566 = vector.shape_cast %get3A_565 : vector<1x1x64x128xf32> to vector<64x128xf32>
      %jit3A_567 = arith.constant 0.000000e+00 : f32
      %broadcast_in_dim3A_568 = vector.broadcast %jit3A_567 : f32 to vector<64x128xf32>
      %select_n3A_569 = arith.select %eq3A_546, %get3A_566, %broadcast_in_dim3A_568 : vector<64x128xi1>, vector<64x128xf32>
      %reduce_sum3A_570 = vector.shape_cast %select_n3A_569 : vector<64x128xf32> to vector<1x64x128xf32>
      %reduce_sum3A_571 = arith.constant dense<0.000000e+00> : vector<1xf32>
      %reduce_sum3A_572 = vector.multi_reduction <add>, %reduce_sum3A_570, %reduce_sum3A_571 [1, 2] : vector<1x64x128xf32> to vector<1xf32>
      %reduce_sum3A_573 = vector.shape_cast %reduce_sum3A_572 : vector<1xf32> to vector<1x1x1xf32>
      %reduce_sum3A_574 = vector.extract %reduce_sum3A_573[0, 0, 0] : f32 from vector<1x1x1xf32>
      %get3A_575 = arith.constant 1 : index
      %get3A_576 = arith.constant 2 : index
      %get3A_577 = arith.constant 0 : index
      %get3A_578 = arith.constant 0 : index
      %get3A_579 = vector.load %arg0[%get3A_575, %get3A_576, %get3A_577, %get3A_578] : memref<4x3x64x128xf32, #tpu.memory_space<vmem>>, vector<1x1x64x128xf32>
      %get3A_580 = vector.shape_cast %get3A_579 : vector<1x1x64x128xf32> to vector<64x128xf32>
      %jit3A_581 = arith.constant 0.000000e+00 : f32
      %broadcast_in_dim3A_582 = vector.broadcast %jit3A_581 : f32 to vector<64x128xf32>
      %select_n3A_583 = arith.select %eq3A_546, %get3A_580, %broadcast_in_dim3A_582 : vector<64x128xi1>, vector<64x128xf32>
      %reduce_sum3A_584 = vector.shape_cast %select_n3A_583 : vector<64x128xf32> to vector<1x64x128xf32>
      %reduce_sum3A_585 = arith.constant dense<0.000000e+00> : vector<1xf32>
      %reduce_sum3A_586 = vector.multi_reduction <add>, %reduce_sum3A_584, %reduce_sum3A_585 [1, 2] : vector<1x64x128xf32> to vector<1xf32>
      %reduce_sum3A_587 = vector.shape_cast %reduce_sum3A_586 : vector<1xf32> to vector<1x1x1xf32>
      %reduce_sum3A_588 = vector.extract %reduce_sum3A_587[0, 0, 0] : f32 from vector<1x1x1xf32>
      %eq3A_589 = vector.broadcast %reduce_min3A_444 : i32 to vector<64x128xi32>
      %eq3A_590 = arith.cmpi eq, %add3A, %eq3A_589 : vector<64x128xi32>
      %get3A_591 = arith.constant 2 : index
      %get3A_592 = arith.constant 0 : index
      %get3A_593 = arith.constant 0 : index
      %get3A_594 = arith.constant 0 : index
      %get3A_595 = vector.load %arg0[%get3A_591, %get3A_592, %get3A_593, %get3A_594] : memref<4x3x64x128xf32, #tpu.memory_space<vmem>>, vector<1x1x64x128xf32>
      %get3A_596 = vector.shape_cast %get3A_595 : vector<1x1x64x128xf32> to vector<64x128xf32>
      %jit3A_597 = arith.constant 0.000000e+00 : f32
      %broadcast_in_dim3A_598 = vector.broadcast %jit3A_597 : f32 to vector<64x128xf32>
      %select_n3A_599 = arith.select %eq3A_590, %get3A_596, %broadcast_in_dim3A_598 : vector<64x128xi1>, vector<64x128xf32>
      %reduce_sum3A_600 = vector.shape_cast %select_n3A_599 : vector<64x128xf32> to vector<1x64x128xf32>
      %reduce_sum3A_601 = arith.constant dense<0.000000e+00> : vector<1xf32>
      %reduce_sum3A_602 = vector.multi_reduction <add>, %reduce_sum3A_600, %reduce_sum3A_601 [1, 2] : vector<1x64x128xf32> to vector<1xf32>
      %reduce_sum3A_603 = vector.shape_cast %reduce_sum3A_602 : vector<1xf32> to vector<1x1x1xf32>
      %reduce_sum3A_604 = vector.extract %reduce_sum3A_603[0, 0, 0] : f32 from vector<1x1x1xf32>
      %get3A_605 = arith.constant 2 : index
      %get3A_606 = arith.constant 1 : index
      %get3A_607 = arith.constant 0 : index
      %get3A_608 = arith.constant 0 : index
      %get3A_609 = vector.load %arg0[%get3A_605, %get3A_606, %get3A_607, %get3A_608] : memref<4x3x64x128xf32, #tpu.memory_space<vmem>>, vector<1x1x64x128xf32>
      %get3A_610 = vector.shape_cast %get3A_609 : vector<1x1x64x128xf32> to vector<64x128xf32>
      %jit3A_611 = arith.constant 0.000000e+00 : f32
      %broadcast_in_dim3A_612 = vector.broadcast %jit3A_611 : f32 to vector<64x128xf32>
      %select_n3A_613 = arith.select %eq3A_590, %get3A_610, %broadcast_in_dim3A_612 : vector<64x128xi1>, vector<64x128xf32>
      %reduce_sum3A_614 = vector.shape_cast %select_n3A_613 : vector<64x128xf32> to vector<1x64x128xf32>
      %reduce_sum3A_615 = arith.constant dense<0.000000e+00> : vector<1xf32>
      %reduce_sum3A_616 = vector.multi_reduction <add>, %reduce_sum3A_614, %reduce_sum3A_615 [1, 2] : vector<1x64x128xf32> to vector<1xf32>
      %reduce_sum3A_617 = vector.shape_cast %reduce_sum3A_616 : vector<1xf32> to vector<1x1x1xf32>
      %reduce_sum3A_618 = vector.extract %reduce_sum3A_617[0, 0, 0] : f32 from vector<1x1x1xf32>
      %get3A_619 = arith.constant 2 : index
      %get3A_620 = arith.constant 2 : index
      %get3A_621 = arith.constant 0 : index
      %get3A_622 = arith.constant 0 : index
      %get3A_623 = vector.load %arg0[%get3A_619, %get3A_620, %get3A_621, %get3A_622] : memref<4x3x64x128xf32, #tpu.memory_space<vmem>>, vector<1x1x64x128xf32>
      %get3A_624 = vector.shape_cast %get3A_623 : vector<1x1x64x128xf32> to vector<64x128xf32>
      %jit3A_625 = arith.constant 0.000000e+00 : f32
      %broadcast_in_dim3A_626 = vector.broadcast %jit3A_625 : f32 to vector<64x128xf32>
      %select_n3A_627 = arith.select %eq3A_590, %get3A_624, %broadcast_in_dim3A_626 : vector<64x128xi1>, vector<64x128xf32>
      %reduce_sum3A_628 = vector.shape_cast %select_n3A_627 : vector<64x128xf32> to vector<1x64x128xf32>
      %reduce_sum3A_629 = arith.constant dense<0.000000e+00> : vector<1xf32>
      %reduce_sum3A_630 = vector.multi_reduction <add>, %reduce_sum3A_628, %reduce_sum3A_629 [1, 2] : vector<1x64x128xf32> to vector<1xf32>
      %reduce_sum3A_631 = vector.shape_cast %reduce_sum3A_630 : vector<1xf32> to vector<1x1x1xf32>
      %reduce_sum3A_632 = vector.extract %reduce_sum3A_631[0, 0, 0] : f32 from vector<1x1x1xf32>
      %eq3A_633 = vector.broadcast %reduce_min3A_500 : i32 to vector<64x128xi32>
      %eq3A_634 = arith.cmpi eq, %add3A, %eq3A_633 : vector<64x128xi32>
      %get3A_635 = arith.constant 3 : index
      %get3A_636 = arith.constant 0 : index
      %get3A_637 = arith.constant 0 : index
      %get3A_638 = arith.constant 0 : index
      %get3A_639 = vector.load %arg0[%get3A_635, %get3A_636, %get3A_637, %get3A_638] : memref<4x3x64x128xf32, #tpu.memory_space<vmem>>, vector<1x1x64x128xf32>
      %get3A_640 = vector.shape_cast %get3A_639 : vector<1x1x64x128xf32> to vector<64x128xf32>
      %jit3A_641 = arith.constant 0.000000e+00 : f32
      %broadcast_in_dim3A_642 = vector.broadcast %jit3A_641 : f32 to vector<64x128xf32>
      %select_n3A_643 = arith.select %eq3A_634, %get3A_640, %broadcast_in_dim3A_642 : vector<64x128xi1>, vector<64x128xf32>
      %reduce_sum3A_644 = vector.shape_cast %select_n3A_643 : vector<64x128xf32> to vector<1x64x128xf32>
      %reduce_sum3A_645 = arith.constant dense<0.000000e+00> : vector<1xf32>
      %reduce_sum3A_646 = vector.multi_reduction <add>, %reduce_sum3A_644, %reduce_sum3A_645 [1, 2] : vector<1x64x128xf32> to vector<1xf32>
      %reduce_sum3A_647 = vector.shape_cast %reduce_sum3A_646 : vector<1xf32> to vector<1x1x1xf32>
      %reduce_sum3A_648 = vector.extract %reduce_sum3A_647[0, 0, 0] : f32 from vector<1x1x1xf32>
      %get3A_649 = arith.constant 3 : index
      %get3A_650 = arith.constant 1 : index
      %get3A_651 = arith.constant 0 : index
      %get3A_652 = arith.constant 0 : index
      %get3A_653 = vector.load %arg0[%get3A_649, %get3A_650, %get3A_651, %get3A_652] : memref<4x3x64x128xf32, #tpu.memory_space<vmem>>, vector<1x1x64x128xf32>
      %get3A_654 = vector.shape_cast %get3A_653 : vector<1x1x64x128xf32> to vector<64x128xf32>
      %jit3A_655 = arith.constant 0.000000e+00 : f32
      %broadcast_in_dim3A_656 = vector.broadcast %jit3A_655 : f32 to vector<64x128xf32>
      %select_n3A_657 = arith.select %eq3A_634, %get3A_654, %broadcast_in_dim3A_656 : vector<64x128xi1>, vector<64x128xf32>
      %reduce_sum3A_658 = vector.shape_cast %select_n3A_657 : vector<64x128xf32> to vector<1x64x128xf32>
      %reduce_sum3A_659 = arith.constant dense<0.000000e+00> : vector<1xf32>
      %reduce_sum3A_660 = vector.multi_reduction <add>, %reduce_sum3A_658, %reduce_sum3A_659 [1, 2] : vector<1x64x128xf32> to vector<1xf32>
      %reduce_sum3A_661 = vector.shape_cast %reduce_sum3A_660 : vector<1xf32> to vector<1x1x1xf32>
      %reduce_sum3A_662 = vector.extract %reduce_sum3A_661[0, 0, 0] : f32 from vector<1x1x1xf32>
      %get3A_663 = arith.constant 3 : index
      %get3A_664 = arith.constant 2 : index
      %get3A_665 = arith.constant 0 : index
      %get3A_666 = arith.constant 0 : index
      %get3A_667 = vector.load %arg0[%get3A_663, %get3A_664, %get3A_665, %get3A_666] : memref<4x3x64x128xf32, #tpu.memory_space<vmem>>, vector<1x1x64x128xf32>
      %get3A_668 = vector.shape_cast %get3A_667 : vector<1x1x64x128xf32> to vector<64x128xf32>
      %jit3A_669 = arith.constant 0.000000e+00 : f32
      %broadcast_in_dim3A_670 = vector.broadcast %jit3A_669 : f32 to vector<64x128xf32>
      %select_n3A_671 = arith.select %eq3A_634, %get3A_668, %broadcast_in_dim3A_670 : vector<64x128xi1>, vector<64x128xf32>
      %reduce_sum3A_672 = vector.shape_cast %select_n3A_671 : vector<64x128xf32> to vector<1x64x128xf32>
      %reduce_sum3A_673 = arith.constant dense<0.000000e+00> : vector<1xf32>
      %reduce_sum3A_674 = vector.multi_reduction <add>, %reduce_sum3A_672, %reduce_sum3A_673 [1, 2] : vector<1x64x128xf32> to vector<1xf32>
      %reduce_sum3A_675 = vector.shape_cast %reduce_sum3A_674 : vector<1xf32> to vector<1x1x1xf32>
      %reduce_sum3A_676 = vector.extract %reduce_sum3A_675[0, 0, 0] : f32 from vector<1x1x1xf32>
      %broadcast_in_dim3A_677 = arith.constant 0 : i32
      %broadcast_in_dim3A_678 = vector.broadcast %broadcast_in_dim3A_677 : i32 to vector<1x128xi32>
      %eq3A_679 = arith.constant 0 : i32
      %eq3A_680 = vector.broadcast %eq3A_679 : i32 to vector<1x128xi32>
      %eq3A_681 = arith.cmpi eq, %iota3A_7, %eq3A_680 : vector<1x128xi32>
      %broadcast_in_dim3A_682 = vector.broadcast %reduce_min3A_332 : i32 to vector<1x128xi32>
      %select_n3A_683 = arith.select %eq3A_681, %broadcast_in_dim3A_682, %broadcast_in_dim3A_678 : vector<1x128xi1>, vector<1x128xi32>
      %eq3A_684 = arith.constant 1 : i32
      %eq3A_685 = vector.broadcast %eq3A_684 : i32 to vector<1x128xi32>
      %eq3A_686 = arith.cmpi eq, %iota3A_7, %eq3A_685 : vector<1x128xi32>
      %broadcast_in_dim3A_687 = vector.broadcast %reduce_min3A_388 : i32 to vector<1x128xi32>
      %select_n3A_688 = arith.select %eq3A_686, %broadcast_in_dim3A_687, %select_n3A_683 : vector<1x128xi1>, vector<1x128xi32>
      %eq3A_689 = arith.constant 2 : i32
      %eq3A_690 = vector.broadcast %eq3A_689 : i32 to vector<1x128xi32>
      %eq3A_691 = arith.cmpi eq, %iota3A_7, %eq3A_690 : vector<1x128xi32>
      %broadcast_in_dim3A_692 = vector.broadcast %reduce_min3A_444 : i32 to vector<1x128xi32>
      %select_n3A_693 = arith.select %eq3A_691, %broadcast_in_dim3A_692, %select_n3A_688 : vector<1x128xi1>, vector<1x128xi32>
      %eq3A_694 = arith.constant 3 : i32
      %eq3A_695 = vector.broadcast %eq3A_694 : i32 to vector<1x128xi32>
      %eq3A_696 = arith.cmpi eq, %iota3A_7, %eq3A_695 : vector<1x128xi32>
      %broadcast_in_dim3A_697 = vector.broadcast %reduce_min3A_500 : i32 to vector<1x128xi32>
      %select_n3A_698 = arith.select %eq3A_696, %broadcast_in_dim3A_697, %select_n3A_693 : vector<1x128xi1>, vector<1x128xi32>
      %swap3A_699 = arith.index_cast %scan3A_268 : i32 to index
      %swap3A_700 = arith.constant 0 : index
      %swap3A_701 = vector.load %arg1[%swap3A_699, %swap3A_700] : memref<1024x128xi32, #tpu.memory_space<vmem>>, vector<1x128xi32>
      tpu.vector_store %arg1[%swap3A_699, %swap3A_700], %select_n3A_698 {strides = array<i32>} : memref<1024x128xi32, #tpu.memory_space<vmem>>, vector<1x128xi32>,
      %broadcast_in_dim3A_702 = arith.constant 0.000000e+00 : f32
      %broadcast_in_dim3A_703 = vector.broadcast %broadcast_in_dim3A_702 : f32 to vector<1x128xf32>
      %eq3A_704 = arith.constant 0 : i32
      %eq3A_705 = vector.broadcast %eq3A_704 : i32 to vector<1x128xi32>
      %eq3A_706 = arith.cmpi eq, %iota3A_7, %eq3A_705 : vector<1x128xi32>
      %broadcast_in_dim3A_707 = vector.broadcast %reduce_sum3A_516 : f32 to vector<1x128xf32>
      %select_n3A_708 = arith.select %eq3A_706, %broadcast_in_dim3A_707, %broadcast_in_dim3A_703 : vector<1x128xi1>, vector<1x128xf32>
      %eq3A_709 = arith.constant 1 : i32
      %eq3A_710 = vector.broadcast %eq3A_709 : i32 to vector<1x128xi32>
      %eq3A_711 = arith.cmpi eq, %iota3A_7, %eq3A_710 : vector<1x128xi32>
      %broadcast_in_dim3A_712 = vector.broadcast %reduce_sum3A_560 : f32 to vector<1x128xf32>
      %select_n3A_713 = arith.select %eq3A_711, %broadcast_in_dim3A_712, %select_n3A_708 : vector<1x128xi1>, vector<1x128xf32>
      %eq3A_714 = arith.constant 2 : i32
      %eq3A_715 = vector.broadcast %eq3A_714 : i32 to vector<1x128xi32>
      %eq3A_716 = arith.cmpi eq, %iota3A_7, %eq3A_715 : vector<1x128xi32>
      %broadcast_in_dim3A_717 = vector.broadcast %reduce_sum3A_604 : f32 to vector<1x128xf32>
      %select_n3A_718 = arith.select %eq3A_716, %broadcast_in_dim3A_717, %select_n3A_713 : vector<1x128xi1>, vector<1x128xf32>
      %eq3A_719 = arith.constant 3 : i32
      %eq3A_720 = vector.broadcast %eq3A_719 : i32 to vector<1x128xi32>
      %eq3A_721 = arith.cmpi eq, %iota3A_7, %eq3A_720 : vector<1x128xi32>
      %broadcast_in_dim3A_722 = vector.broadcast %reduce_sum3A_648 : f32 to vector<1x128xf32>
      %select_n3A_723 = arith.select %eq3A_721, %broadcast_in_dim3A_722, %select_n3A_718 : vector<1x128xi1>, vector<1x128xf32>
      %swap3A_724 = arith.constant 0 : index
      %swap3A_725 = arith.index_cast %scan3A_268 : i32 to index
      %swap3A_726 = arith.constant 0 : index
      %swap3A_727 = vector.load %arg2[%swap3A_724, %swap3A_725, %swap3A_726] : memref<3x1024x128xf32, #tpu.memory_space<vmem>>, vector<1x1x128xf32>
      %swap3A_728 = vector.shape_cast %swap3A_727 : vector<1x1x128xf32> to vector<1x128xf32>
      %swap3A_729 = vector.shape_cast %select_n3A_723 : vector<1x128xf32> to vector<1x1x128xf32>
      tpu.vector_store %arg2[%swap3A_724, %swap3A_725, %swap3A_726], %swap3A_729 {strides = array<i32>} : memref<3x1024x128xf32, #tpu.memory_space<vmem>>, vector<1x1x128xf32>,
      %broadcast_in_dim3A_730 = arith.constant 0.000000e+00 : f32
      %broadcast_in_dim3A_731 = vector.broadcast %broadcast_in_dim3A_730 : f32 to vector<1x128xf32>
      %eq3A_732 = arith.constant 0 : i32
      %eq3A_733 = vector.broadcast %eq3A_732 : i32 to vector<1x128xi32>
      %eq3A_734 = arith.cmpi eq, %iota3A_7, %eq3A_733 : vector<1x128xi32>
      %broadcast_in_dim3A_735 = vector.broadcast %reduce_sum3A_530 : f32 to vector<1x128xf32>
      %select_n3A_736 = arith.select %eq3A_734, %broadcast_in_dim3A_735, %broadcast_in_dim3A_731 : vector<1x128xi1>, vector<1x128xf32>
      %eq3A_737 = arith.constant 1 : i32
      %eq3A_738 = vector.broadcast %eq3A_737 : i32 to vector<1x128xi32>
      %eq3A_739 = arith.cmpi eq, %iota3A_7, %eq3A_738 : vector<1x128xi32>
      %broadcast_in_dim3A_740 = vector.broadcast %reduce_sum3A_574 : f32 to vector<1x128xf32>
      %select_n3A_741 = arith.select %eq3A_739, %broadcast_in_dim3A_740, %select_n3A_736 : vector<1x128xi1>, vector<1x128xf32>
      %eq3A_742 = arith.constant 2 : i32
      %eq3A_743 = vector.broadcast %eq3A_742 : i32 to vector<1x128xi32>
      %eq3A_744 = arith.cmpi eq, %iota3A_7, %eq3A_743 : vector<1x128xi32>
      %broadcast_in_dim3A_745 = vector.broadcast %reduce_sum3A_618 : f32 to vector<1x128xf32>
      %select_n3A_746 = arith.select %eq3A_744, %broadcast_in_dim3A_745, %select_n3A_741 : vector<1x128xi1>, vector<1x128xf32>
      %eq3A_747 = arith.constant 3 : i32
      %eq3A_748 = vector.broadcast %eq3A_747 : i32 to vector<1x128xi32>
      %eq3A_749 = arith.cmpi eq, %iota3A_7, %eq3A_748 : vector<1x128xi32>
      %broadcast_in_dim3A_750 = vector.broadcast %reduce_sum3A_662 : f32 to vector<1x128xf32>
      %select_n3A_751 = arith.select %eq3A_749, %broadcast_in_dim3A_750, %select_n3A_746 : vector<1x128xi1>, vector<1x128xf32>
      %swap3A_752 = arith.constant 1 : index
      %swap3A_753 = arith.index_cast %scan3A_268 : i32 to index
      %swap3A_754 = arith.constant 0 : index
      %swap3A_755 = vector.load %arg2[%swap3A_752, %swap3A_753, %swap3A_754] : memref<3x1024x128xf32, #tpu.memory_space<vmem>>, vector<1x1x128xf32>
      %swap3A_756 = vector.shape_cast %swap3A_755 : vector<1x1x128xf32> to vector<1x128xf32>
      %swap3A_757 = vector.shape_cast %select_n3A_751 : vector<1x128xf32> to vector<1x1x128xf32>
      tpu.vector_store %arg2[%swap3A_752, %swap3A_753, %swap3A_754], %swap3A_757 {strides = array<i32>} : memref<3x1024x128xf32, #tpu.memory_space<vmem>>, vector<1x1x128xf32>,
      %broadcast_in_dim3A_758 = arith.constant 0.000000e+00 : f32
      %broadcast_in_dim3A_759 = vector.broadcast %broadcast_in_dim3A_758 : f32 to vector<1x128xf32>
      %eq3A_760 = arith.constant 0 : i32
      %eq3A_761 = vector.broadcast %eq3A_760 : i32 to vector<1x128xi32>
      %eq3A_762 = arith.cmpi eq, %iota3A_7, %eq3A_761 : vector<1x128xi32>
      %broadcast_in_dim3A_763 = vector.broadcast %reduce_sum3A_544 : f32 to vector<1x128xf32>
      %select_n3A_764 = arith.select %eq3A_762, %broadcast_in_dim3A_763, %broadcast_in_dim3A_759 : vector<1x128xi1>, vector<1x128xf32>
      %eq3A_765 = arith.constant 1 : i32
      %eq3A_766 = vector.broadcast %eq3A_765 : i32 to vector<1x128xi32>
      %eq3A_767 = arith.cmpi eq, %iota3A_7, %eq3A_766 : vector<1x128xi32>
      %broadcast_in_dim3A_768 = vector.broadcast %reduce_sum3A_588 : f32 to vector<1x128xf32>
      %select_n3A_769 = arith.select %eq3A_767, %broadcast_in_dim3A_768, %select_n3A_764 : vector<1x128xi1>, vector<1x128xf32>
      %eq3A_770 = arith.constant 2 : i32
      %eq3A_771 = vector.broadcast %eq3A_770 : i32 to vector<1x128xi32>
      %eq3A_772 = arith.cmpi eq, %iota3A_7, %eq3A_771 : vector<1x128xi32>
      %broadcast_in_dim3A_773 = vector.broadcast %reduce_sum3A_632 : f32 to vector<1x128xf32>
      %select_n3A_774 = arith.select %eq3A_772, %broadcast_in_dim3A_773, %select_n3A_769 : vector<1x128xi1>, vector<1x128xf32>
      %eq3A_775 = arith.constant 3 : i32
      %eq3A_776 = vector.broadcast %eq3A_775 : i32 to vector<1x128xi32>
      %eq3A_777 = arith.cmpi eq, %iota3A_7, %eq3A_776 : vector<1x128xi32>
      %broadcast_in_dim3A_778 = vector.broadcast %reduce_sum3A_676 : f32 to vector<1x128xf32>
      %select_n3A_779 = arith.select %eq3A_777, %broadcast_in_dim3A_778, %select_n3A_774 : vector<1x128xi1>, vector<1x128xf32>
      %swap3A_780 = arith.constant 2 : index
      %swap3A_781 = arith.index_cast %scan3A_268 : i32 to index
      %swap3A_782 = arith.constant 0 : index
      %swap3A_783 = vector.load %arg2[%swap3A_780, %swap3A_781, %swap3A_782] : memref<3x1024x128xf32, #tpu.memory_space<vmem>>, vector<1x1x128xf32>
      %swap3A_784 = vector.shape_cast %swap3A_783 : vector<1x1x128xf32> to vector<1x128xf32>
      %swap3A_785 = vector.shape_cast %select_n3A_779 : vector<1x128xf32> to vector<1x1x128xf32>
      tpu.vector_store %arg2[%swap3A_780, %swap3A_781, %swap3A_782], %swap3A_785 {strides = array<i32>} : memref<3x1024x128xf32, #tpu.memory_space<vmem>>, vector<1x1x128xf32>,
      scf.yield %reduce_sum3A_516, %reduce_sum3A_530, %reduce_sum3A_544, %reduce_sum3A_560, %reduce_sum3A_574, %reduce_sum3A_588, %reduce_sum3A_604, %reduce_sum3A_618, %reduce_sum3A_632, %reduce_sum3A_648, %reduce_sum3A_662, %reduce_sum3A_676 : f32, f32, f32, f32, f32, f32, f32, f32, f32, f32, f32, f32
    }
    %scan3A_267 = arith.constant 1023 : i32
    return
  }
}

module attributes {stable_mosaic.version = 14 : i64} {
  func.func @_mask_body(%arg0: i32, %arg1: i32, %arg2: memref<1x128x3xf32, #tpu.memory_space<vmem>>, %arg3: memref<1x3x8192xf32, #tpu.memory_space<vmem>>, %arg4: memref<512x32xf32, #tpu.memory_space<vmem>>, %arg5: memref<512x32xf32, #tpu.memory_space<vmem>>, %arg6: memref<512x512xf32, #tpu.memory_space<vmem>>, %arg7: memref<1x128x512xi32, #tpu.memory_space<vmem>>) attributes {dimension_semantics = [#tpu.dimension_semantics<arbitrary>, #tpu.dimension_semantics<arbitrary>], iteration_bounds = array<i64: 4, 8>, scalar_prefetch = 0 : i64, scratch_operands = 0 : i64, tpu.core_type = #tpu.core_type<tc>, window_params = [{transform_indices = @transform_0, window_bounds = array<i64: 1, 128, 3>}, {transform_indices = @transform_1, window_bounds = array<i64: 1, 3, 8192>}, {pipeline_mode = #tpu.pipeline_mode<synchronous>, transform_indices = @transform_2, window_bounds = array<i64: 512, 32>}, {pipeline_mode = #tpu.pipeline_mode<synchronous>, transform_indices = @transform_3, window_bounds = array<i64: 512, 32>}, {pipeline_mode = #tpu.pipeline_mode<synchronous>, transform_indices = @transform_4, window_bounds = array<i64: 512, 512>}, {transform_indices = @transform_5, window_bounds = array<i64: 1, 128, 512>}]} {
    %get3A = arith.constant 0 : index
    %get3A_0 = arith.constant 0 : index
    %get3A_1 = arith.constant 0 : index
    %get3A_2 = vector.load %arg2[%get3A, %get3A_0, %get3A_1] : memref<1x128x3xf32, #tpu.memory_space<vmem>>, vector<1x128x3xf32>
    %get3A_3 = vector.shape_cast %get3A_2 : vector<1x128x3xf32> to vector<128x3xf32>
    %get3A_4 = arith.constant 0 : index
    %get3A_5 = arith.constant 0 : index
    %get3A_6 = arith.constant 0 : index
    %get3A_7 = vector.load %arg3[%get3A_4, %get3A_5, %get3A_6] : memref<1x3x8192xf32, #tpu.memory_space<vmem>>, vector<1x3x8192xf32>
    %get3A_8 = vector.shape_cast %get3A_7 : vector<1x3x8192xf32> to vector<3x8192xf32>
    %dot_general3A = arith.constant dense<0.000000e+00> : vector<128x8192xf32>
    %dot_general3A_9 = tpu.matmul %get3A_3, %get3A_8, %dot_general3A {dimension_numbers = #tpu.dot_dimension_numbers<[1], [0], [0], [1], [0, 0, 1, 1], [], []>, transpose_lhs_hint = false} : vector<128x3xf32>, vector<3x8192xf32>, vector<128x8192xf32> -> vector<128x8192xf32>
    %slice3A = vector.extract_strided_slice %get3A_3 {offsets = [0, 0], sizes = [128, 1], strides = [1, 1]} : vector<128x3xf32> to vector<128x1xf32>
    %slice3A_10 = vector.extract_strided_slice %get3A_3 {offsets = [0, 1], sizes = [128, 1], strides = [1, 1]} : vector<128x3xf32> to vector<128x1xf32>
    %slice3A_11 = vector.extract_strided_slice %get3A_3 {offsets = [0, 2], sizes = [128, 1], strides = [1, 1]} : vector<128x3xf32> to vector<128x1xf32>
    %mul3A = arith.mulf %slice3A, %slice3A : vector<128x1xf32>
    %mul3A_12 = arith.mulf %slice3A_10, %slice3A_10 : vector<128x1xf32>
    %add3A = arith.addf %mul3A, %mul3A_12 : vector<128x1xf32>
    %mul3A_13 = arith.mulf %slice3A_11, %slice3A_11 : vector<128x1xf32>
    %add3A_14 = arith.addf %add3A, %mul3A_13 : vector<128x1xf32>
    %slice3A_15 = vector.extract_strided_slice %get3A_8 {offsets = [0, 0], sizes = [1, 8192], strides = [1, 1]} : vector<3x8192xf32> to vector<1x8192xf32>
    %slice3A_16 = vector.extract_strided_slice %get3A_8 {offsets = [1, 0], sizes = [1, 8192], strides = [1, 1]} : vector<3x8192xf32> to vector<1x8192xf32>
    %slice3A_17 = vector.extract_strided_slice %get3A_8 {offsets = [2, 0], sizes = [1, 8192], strides = [1, 1]} : vector<3x8192xf32> to vector<1x8192xf32>
    %mul3A_18 = arith.mulf %slice3A_15, %slice3A_15 : vector<1x8192xf32>
    %mul3A_19 = arith.mulf %slice3A_16, %slice3A_16 : vector<1x8192xf32>
    %add3A_20 = arith.addf %mul3A_18, %mul3A_19 : vector<1x8192xf32>
    %mul3A_21 = arith.mulf %slice3A_17, %slice3A_17 : vector<1x8192xf32>
    %add3A_22 = arith.addf %add3A_20, %mul3A_21 : vector<1x8192xf32>
    %add3A_23 = vector.broadcast %add3A_14 : vector<128x1xf32> to vector<128x8192xf32>
    %add3A_24 = vector.broadcast %add3A_22 : vector<1x8192xf32> to vector<128x8192xf32>
    %add3A_25 = arith.addf %add3A_23, %add3A_24 : vector<128x8192xf32>
    %mul3A_26 = arith.constant 2.000000e+00 : f32
    %mul3A_27 = vector.broadcast %mul3A_26 : f32 to vector<128x8192xf32>
    %mul3A_28 = arith.mulf %mul3A_27, %dot_general3A_9 : vector<128x8192xf32>
    %sub3A = arith.subf %add3A_25, %mul3A_28 : vector<128x8192xf32>
    %le3A = arith.constant 4.000000e-02 : f32
    %le3A_29 = vector.broadcast %le3A : f32 to vector<128x8192xf32>
    %le3A_30 = arith.cmpf ole, %sub3A, %le3A_29 : vector<128x8192xf32>
    %convert_element_type3A = arith.extui %le3A_30 : vector<128x8192xi1> to vector<128x8192xi32>
    %convert_element_type3A_31 = arith.sitofp %convert_element_type3A : vector<128x8192xi32> to vector<128x8192xf32>
    %get3A_32 = arith.constant 0 : index
    %get3A_33 = arith.constant 0 : index
    %get3A_34 = vector.load %arg4[%get3A_32, %get3A_33] : memref<512x32xf32, #tpu.memory_space<vmem>>, vector<512x32xf32>
    %get3A_35 = arith.constant 0 : index
    %get3A_36 = arith.constant 0 : index
    %get3A_37 = vector.load %arg5[%get3A_35, %get3A_36] : memref<512x32xf32, #tpu.memory_space<vmem>>, vector<512x32xf32>
    %slice3A_38 = vector.extract_strided_slice %convert_element_type3A_31 {offsets = [0, 0], sizes = [128, 512], strides = [1, 1]} : vector<128x8192xf32> to vector<128x512xf32>
    %dot_general3A_39 = arith.constant dense<0.000000e+00> : vector<128x32xf32>
    %dot_general3A_40 = tpu.matmul %slice3A_38, %get3A_34, %dot_general3A_39 {dimension_numbers = #tpu.dot_dimension_numbers<[1], [0], [0], [1], [0, 0, 1, 1], [], []>, transpose_lhs_hint = false} : vector<128x512xf32>, vector<512x32xf32>, vector<128x32xf32> -> vector<128x32xf32>
    %dot_general3A_41 = arith.constant dense<0.000000e+00> : vector<128x32xf32>
    %dot_general3A_42 = tpu.matmul %slice3A_38, %get3A_37, %dot_general3A_41 {dimension_numbers = #tpu.dot_dimension_numbers<[1], [0], [0], [1], [0, 0, 1, 1], [], []>, transpose_lhs_hint = false} : vector<128x512xf32>, vector<512x32xf32>, vector<128x32xf32> -> vector<128x32xf32>
    %slice3A_43 = vector.extract_strided_slice %convert_element_type3A_31 {offsets = [0, 512], sizes = [128, 512], strides = [1, 1]} : vector<128x8192xf32> to vector<128x512xf32>
    %dot_general3A_44 = arith.constant dense<0.000000e+00> : vector<128x32xf32>
    %dot_general3A_45 = tpu.matmul %slice3A_43, %get3A_34, %dot_general3A_44 {dimension_numbers = #tpu.dot_dimension_numbers<[1], [0], [0], [1], [0, 0, 1, 1], [], []>, transpose_lhs_hint = false} : vector<128x512xf32>, vector<512x32xf32>, vector<128x32xf32> -> vector<128x32xf32>
    %dot_general3A_46 = arith.constant dense<0.000000e+00> : vector<128x32xf32>
    %dot_general3A_47 = tpu.matmul %slice3A_43, %get3A_37, %dot_general3A_46 {dimension_numbers = #tpu.dot_dimension_numbers<[1], [0], [0], [1], [0, 0, 1, 1], [], []>, transpose_lhs_hint = false} : vector<128x512xf32>, vector<512x32xf32>, vector<128x32xf32> -> vector<128x32xf32>
    %slice3A_48 = vector.extract_strided_slice %convert_element_type3A_31 {offsets = [0, 1024], sizes = [128, 512], strides = [1, 1]} : vector<128x8192xf32> to vector<128x512xf32>
    %dot_general3A_49 = arith.constant dense<0.000000e+00> : vector<128x32xf32>
    %dot_general3A_50 = tpu.matmul %slice3A_48, %get3A_34, %dot_general3A_49 {dimension_numbers = #tpu.dot_dimension_numbers<[1], [0], [0], [1], [0, 0, 1, 1], [], []>, transpose_lhs_hint = false} : vector<128x512xf32>, vector<512x32xf32>, vector<128x32xf32> -> vector<128x32xf32>
    %dot_general3A_51 = arith.constant dense<0.000000e+00> : vector<128x32xf32>
    %dot_general3A_52 = tpu.matmul %slice3A_48, %get3A_37, %dot_general3A_51 {dimension_numbers = #tpu.dot_dimension_numbers<[1], [0], [0], [1], [0, 0, 1, 1], [], []>, transpose_lhs_hint = false} : vector<128x512xf32>, vector<512x32xf32>, vector<128x32xf32> -> vector<128x32xf32>
    %slice3A_53 = vector.extract_strided_slice %convert_element_type3A_31 {offsets = [0, 1536], sizes = [128, 512], strides = [1, 1]} : vector<128x8192xf32> to vector<128x512xf32>
    %dot_general3A_54 = arith.constant dense<0.000000e+00> : vector<128x32xf32>
    %dot_general3A_55 = tpu.matmul %slice3A_53, %get3A_34, %dot_general3A_54 {dimension_numbers = #tpu.dot_dimension_numbers<[1], [0], [0], [1], [0, 0, 1, 1], [], []>, transpose_lhs_hint = false} : vector<128x512xf32>, vector<512x32xf32>, vector<128x32xf32> -> vector<128x32xf32>
    %dot_general3A_56 = arith.constant dense<0.000000e+00> : vector<128x32xf32>
    %dot_general3A_57 = tpu.matmul %slice3A_53, %get3A_37, %dot_general3A_56 {dimension_numbers = #tpu.dot_dimension_numbers<[1], [0], [0], [1], [0, 0, 1, 1], [], []>, transpose_lhs_hint = false} : vector<128x512xf32>, vector<512x32xf32>, vector<128x32xf32> -> vector<128x32xf32>
    %slice3A_58 = vector.extract_strided_slice %convert_element_type3A_31 {offsets = [0, 2048], sizes = [128, 512], strides = [1, 1]} : vector<128x8192xf32> to vector<128x512xf32>
    %dot_general3A_59 = arith.constant dense<0.000000e+00> : vector<128x32xf32>
    %dot_general3A_60 = tpu.matmul %slice3A_58, %get3A_34, %dot_general3A_59 {dimension_numbers = #tpu.dot_dimension_numbers<[1], [0], [0], [1], [0, 0, 1, 1], [], []>, transpose_lhs_hint = false} : vector<128x512xf32>, vector<512x32xf32>, vector<128x32xf32> -> vector<128x32xf32>
    %dot_general3A_61 = arith.constant dense<0.000000e+00> : vector<128x32xf32>
    %dot_general3A_62 = tpu.matmul %slice3A_58, %get3A_37, %dot_general3A_61 {dimension_numbers = #tpu.dot_dimension_numbers<[1], [0], [0], [1], [0, 0, 1, 1], [], []>, transpose_lhs_hint = false} : vector<128x512xf32>, vector<512x32xf32>, vector<128x32xf32> -> vector<128x32xf32>
    %slice3A_63 = vector.extract_strided_slice %convert_element_type3A_31 {offsets = [0, 2560], sizes = [128, 512], strides = [1, 1]} : vector<128x8192xf32> to vector<128x512xf32>
    %dot_general3A_64 = arith.constant dense<0.000000e+00> : vector<128x32xf32>
    %dot_general3A_65 = tpu.matmul %slice3A_63, %get3A_34, %dot_general3A_64 {dimension_numbers = #tpu.dot_dimension_numbers<[1], [0], [0], [1], [0, 0, 1, 1], [], []>, transpose_lhs_hint = false} : vector<128x512xf32>, vector<512x32xf32>, vector<128x32xf32> -> vector<128x32xf32>
    %dot_general3A_66 = arith.constant dense<0.000000e+00> : vector<128x32xf32>
    %dot_general3A_67 = tpu.matmul %slice3A_63, %get3A_37, %dot_general3A_66 {dimension_numbers = #tpu.dot_dimension_numbers<[1], [0], [0], [1], [0, 0, 1, 1], [], []>, transpose_lhs_hint = false} : vector<128x512xf32>, vector<512x32xf32>, vector<128x32xf32> -> vector<128x32xf32>
    %slice3A_68 = vector.extract_strided_slice %convert_element_type3A_31 {offsets = [0, 3072], sizes = [128, 512], strides = [1, 1]} : vector<128x8192xf32> to vector<128x512xf32>
    %dot_general3A_69 = arith.constant dense<0.000000e+00> : vector<128x32xf32>
    %dot_general3A_70 = tpu.matmul %slice3A_68, %get3A_34, %dot_general3A_69 {dimension_numbers = #tpu.dot_dimension_numbers<[1], [0], [0], [1], [0, 0, 1, 1], [], []>, transpose_lhs_hint = false} : vector<128x512xf32>, vector<512x32xf32>, vector<128x32xf32> -> vector<128x32xf32>
    %dot_general3A_71 = arith.constant dense<0.000000e+00> : vector<128x32xf32>
    %dot_general3A_72 = tpu.matmul %slice3A_68, %get3A_37, %dot_general3A_71 {dimension_numbers = #tpu.dot_dimension_numbers<[1], [0], [0], [1], [0, 0, 1, 1], [], []>, transpose_lhs_hint = false} : vector<128x512xf32>, vector<512x32xf32>, vector<128x32xf32> -> vector<128x32xf32>
    %slice3A_73 = vector.extract_strided_slice %convert_element_type3A_31 {offsets = [0, 3584], sizes = [128, 512], strides = [1, 1]} : vector<128x8192xf32> to vector<128x512xf32>
    %dot_general3A_74 = arith.constant dense<0.000000e+00> : vector<128x32xf32>
    %dot_general3A_75 = tpu.matmul %slice3A_73, %get3A_34, %dot_general3A_74 {dimension_numbers = #tpu.dot_dimension_numbers<[1], [0], [0], [1], [0, 0, 1, 1], [], []>, transpose_lhs_hint = false} : vector<128x512xf32>, vector<512x32xf32>, vector<128x32xf32> -> vector<128x32xf32>
    %dot_general3A_76 = arith.constant dense<0.000000e+00> : vector<128x32xf32>
    %dot_general3A_77 = tpu.matmul %slice3A_73, %get3A_37, %dot_general3A_76 {dimension_numbers = #tpu.dot_dimension_numbers<[1], [0], [0], [1], [0, 0, 1, 1], [], []>, transpose_lhs_hint = false} : vector<128x512xf32>, vector<512x32xf32>, vector<128x32xf32> -> vector<128x32xf32>
    %slice3A_78 = vector.extract_strided_slice %convert_element_type3A_31 {offsets = [0, 4096], sizes = [128, 512], strides = [1, 1]} : vector<128x8192xf32> to vector<128x512xf32>
    %dot_general3A_79 = arith.constant dense<0.000000e+00> : vector<128x32xf32>
    %dot_general3A_80 = tpu.matmul %slice3A_78, %get3A_34, %dot_general3A_79 {dimension_numbers = #tpu.dot_dimension_numbers<[1], [0], [0], [1], [0, 0, 1, 1], [], []>, transpose_lhs_hint = false} : vector<128x512xf32>, vector<512x32xf32>, vector<128x32xf32> -> vector<128x32xf32>
    %dot_general3A_81 = arith.constant dense<0.000000e+00> : vector<128x32xf32>
    %dot_general3A_82 = tpu.matmul %slice3A_78, %get3A_37, %dot_general3A_81 {dimension_numbers = #tpu.dot_dimension_numbers<[1], [0], [0], [1], [0, 0, 1, 1], [], []>, transpose_lhs_hint = false} : vector<128x512xf32>, vector<512x32xf32>, vector<128x32xf32> -> vector<128x32xf32>
    %slice3A_83 = vector.extract_strided_slice %convert_element_type3A_31 {offsets = [0, 4608], sizes = [128, 512], strides = [1, 1]} : vector<128x8192xf32> to vector<128x512xf32>
    %dot_general3A_84 = arith.constant dense<0.000000e+00> : vector<128x32xf32>
    %dot_general3A_85 = tpu.matmul %slice3A_83, %get3A_34, %dot_general3A_84 {dimension_numbers = #tpu.dot_dimension_numbers<[1], [0], [0], [1], [0, 0, 1, 1], [], []>, transpose_lhs_hint = false} : vector<128x512xf32>, vector<512x32xf32>, vector<128x32xf32> -> vector<128x32xf32>
    %dot_general3A_86 = arith.constant dense<0.000000e+00> : vector<128x32xf32>
    %dot_general3A_87 = tpu.matmul %slice3A_83, %get3A_37, %dot_general3A_86 {dimension_numbers = #tpu.dot_dimension_numbers<[1], [0], [0], [1], [0, 0, 1, 1], [], []>, transpose_lhs_hint = false} : vector<128x512xf32>, vector<512x32xf32>, vector<128x32xf32> -> vector<128x32xf32>
    %slice3A_88 = vector.extract_strided_slice %convert_element_type3A_31 {offsets = [0, 5120], sizes = [128, 512], strides = [1, 1]} : vector<128x8192xf32> to vector<128x512xf32>
    %dot_general3A_89 = arith.constant dense<0.000000e+00> : vector<128x32xf32>
    %dot_general3A_90 = tpu.matmul %slice3A_88, %get3A_34, %dot_general3A_89 {dimension_numbers = #tpu.dot_dimension_numbers<[1], [0], [0], [1], [0, 0, 1, 1], [], []>, transpose_lhs_hint = false} : vector<128x512xf32>, vector<512x32xf32>, vector<128x32xf32> -> vector<128x32xf32>
    %dot_general3A_91 = arith.constant dense<0.000000e+00> : vector<128x32xf32>
    %dot_general3A_92 = tpu.matmul %slice3A_88, %get3A_37, %dot_general3A_91 {dimension_numbers = #tpu.dot_dimension_numbers<[1], [0], [0], [1], [0, 0, 1, 1], [], []>, transpose_lhs_hint = false} : vector<128x512xf32>, vector<512x32xf32>, vector<128x32xf32> -> vector<128x32xf32>
    %slice3A_93 = vector.extract_strided_slice %convert_element_type3A_31 {offsets = [0, 5632], sizes = [128, 512], strides = [1, 1]} : vector<128x8192xf32> to vector<128x512xf32>
    %dot_general3A_94 = arith.constant dense<0.000000e+00> : vector<128x32xf32>
    %dot_general3A_95 = tpu.matmul %slice3A_93, %get3A_34, %dot_general3A_94 {dimension_numbers = #tpu.dot_dimension_numbers<[1], [0], [0], [1], [0, 0, 1, 1], [], []>, transpose_lhs_hint = false} : vector<128x512xf32>, vector<512x32xf32>, vector<128x32xf32> -> vector<128x32xf32>
    %dot_general3A_96 = arith.constant dense<0.000000e+00> : vector<128x32xf32>
    %dot_general3A_97 = tpu.matmul %slice3A_93, %get3A_37, %dot_general3A_96 {dimension_numbers = #tpu.dot_dimension_numbers<[1], [0], [0], [1], [0, 0, 1, 1], [], []>, transpose_lhs_hint = false} : vector<128x512xf32>, vector<512x32xf32>, vector<128x32xf32> -> vector<128x32xf32>
    %slice3A_98 = vector.extract_strided_slice %convert_element_type3A_31 {offsets = [0, 6144], sizes = [128, 512], strides = [1, 1]} : vector<128x8192xf32> to vector<128x512xf32>
    %dot_general3A_99 = arith.constant dense<0.000000e+00> : vector<128x32xf32>
    %dot_general3A_100 = tpu.matmul %slice3A_98, %get3A_34, %dot_general3A_99 {dimension_numbers = #tpu.dot_dimension_numbers<[1], [0], [0], [1], [0, 0, 1, 1], [], []>, transpose_lhs_hint = false} : vector<128x512xf32>, vector<512x32xf32>, vector<128x32xf32> -> vector<128x32xf32>
    %dot_general3A_101 = arith.constant dense<0.000000e+00> : vector<128x32xf32>
    %dot_general3A_102 = tpu.matmul %slice3A_98, %get3A_37, %dot_general3A_101 {dimension_numbers = #tpu.dot_dimension_numbers<[1], [0], [0], [1], [0, 0, 1, 1], [], []>, transpose_lhs_hint = false} : vector<128x512xf32>, vector<512x32xf32>, vector<128x32xf32> -> vector<128x32xf32>
    %slice3A_103 = vector.extract_strided_slice %convert_element_type3A_31 {offsets = [0, 6656], sizes = [128, 512], strides = [1, 1]} : vector<128x8192xf32> to vector<128x512xf32>
    %dot_general3A_104 = arith.constant dense<0.000000e+00> : vector<128x32xf32>
    %dot_general3A_105 = tpu.matmul %slice3A_103, %get3A_34, %dot_general3A_104 {dimension_numbers = #tpu.dot_dimension_numbers<[1], [0], [0], [1], [0, 0, 1, 1], [], []>, transpose_lhs_hint = false} : vector<128x512xf32>, vector<512x32xf32>, vector<128x32xf32> -> vector<128x32xf32>
    %dot_general3A_106 = arith.constant dense<0.000000e+00> : vector<128x32xf32>
    %dot_general3A_107 = tpu.matmul %slice3A_103, %get3A_37, %dot_general3A_106 {dimension_numbers = #tpu.dot_dimension_numbers<[1], [0], [0], [1], [0, 0, 1, 1], [], []>, transpose_lhs_hint = false} : vector<128x512xf32>, vector<512x32xf32>, vector<128x32xf32> -> vector<128x32xf32>
    %slice3A_108 = vector.extract_strided_slice %convert_element_type3A_31 {offsets = [0, 7168], sizes = [128, 512], strides = [1, 1]} : vector<128x8192xf32> to vector<128x512xf32>
    %dot_general3A_109 = arith.constant dense<0.000000e+00> : vector<128x32xf32>
    %dot_general3A_110 = tpu.matmul %slice3A_108, %get3A_34, %dot_general3A_109 {dimension_numbers = #tpu.dot_dimension_numbers<[1], [0], [0], [1], [0, 0, 1, 1], [], []>, transpose_lhs_hint = false} : vector<128x512xf32>, vector<512x32xf32>, vector<128x32xf32> -> vector<128x32xf32>
    %dot_general3A_111 = arith.constant dense<0.000000e+00> : vector<128x32xf32>
    %dot_general3A_112 = tpu.matmul %slice3A_108, %get3A_37, %dot_general3A_111 {dimension_numbers = #tpu.dot_dimension_numbers<[1], [0], [0], [1], [0, 0, 1, 1], [], []>, transpose_lhs_hint = false} : vector<128x512xf32>, vector<512x32xf32>, vector<128x32xf32> -> vector<128x32xf32>
    %slice3A_113 = vector.extract_strided_slice %convert_element_type3A_31 {offsets = [0, 7680], sizes = [128, 512], strides = [1, 1]} : vector<128x8192xf32> to vector<128x512xf32>
    %dot_general3A_114 = arith.constant dense<0.000000e+00> : vector<128x32xf32>
    %dot_general3A_115 = tpu.matmul %slice3A_113, %get3A_34, %dot_general3A_114 {dimension_numbers = #tpu.dot_dimension_numbers<[1], [0], [0], [1], [0, 0, 1, 1], [], []>, transpose_lhs_hint = false} : vector<128x512xf32>, vector<512x32xf32>, vector<128x32xf32> -> vector<128x32xf32>
    %dot_general3A_116 = arith.constant dense<0.000000e+00> : vector<128x32xf32>
    %dot_general3A_117 = tpu.matmul %slice3A_113, %get3A_37, %dot_general3A_116 {dimension_numbers = #tpu.dot_dimension_numbers<[1], [0], [0], [1], [0, 0, 1, 1], [], []>, transpose_lhs_hint = false} : vector<128x512xf32>, vector<512x32xf32>, vector<128x32xf32> -> vector<128x32xf32>
    %concatenate3A = tpu.concatenate %dot_general3A_40, %dot_general3A_45, %dot_general3A_50, %dot_general3A_55, %dot_general3A_60, %dot_general3A_65, %dot_general3A_70, %dot_general3A_75, %dot_general3A_80, %dot_general3A_85, %dot_general3A_90, %dot_general3A_95, %dot_general3A_100, %dot_general3A_105, %dot_general3A_110, %dot_general3A_115 in 1 : vector<128x32xf32>, vector<128x32xf32>, vector<128x32xf32>, vector<128x32xf32>, vector<128x32xf32>, vector<128x32xf32>, vector<128x32xf32>, vector<128x32xf32>, vector<128x32xf32>, vector<128x32xf32>, vector<128x32xf32>, vector<128x32xf32>, vector<128x32xf32>, vector<128x32xf32>, vector<128x32xf32>, vector<128x32xf32> -> vector<128x512xf32>
    %concatenate3A_118 = tpu.concatenate %dot_general3A_42, %dot_general3A_47, %dot_general3A_52, %dot_general3A_57, %dot_general3A_62, %dot_general3A_67, %dot_general3A_72, %dot_general3A_77, %dot_general3A_82, %dot_general3A_87, %dot_general3A_92, %dot_general3A_97, %dot_general3A_102, %dot_general3A_107, %dot_general3A_112, %dot_general3A_117 in 1 : vector<128x32xf32>, vector<128x32xf32>, vector<128x32xf32>, vector<128x32xf32>, vector<128x32xf32>, vector<128x32xf32>, vector<128x32xf32>, vector<128x32xf32>, vector<128x32xf32>, vector<128x32xf32>, vector<128x32xf32>, vector<128x32xf32>, vector<128x32xf32>, vector<128x32xf32>, vector<128x32xf32>, vector<128x32xf32> -> vector<128x512xf32>
    %get3A_119 = arith.constant 0 : index
    %get3A_120 = arith.constant 0 : index
    %get3A_121 = vector.load %arg6[%get3A_119, %get3A_120] : memref<512x512xf32, #tpu.memory_space<vmem>>, vector<512x512xf32>
    %dot_general3A_122 = arith.constant dense<0.000000e+00> : vector<128x512xf32>
    %dot_general3A_123 = tpu.matmul %concatenate3A_118, %get3A_121, %dot_general3A_122 {dimension_numbers = #tpu.dot_dimension_numbers<[1], [0], [0], [1], [0, 0, 1, 1], [], []>, transpose_lhs_hint = false} : vector<128x512xf32>, vector<512x512xf32>, vector<128x512xf32> -> vector<128x512xf32>
    %sub3A_124 = arith.subf %dot_general3A_123, %concatenate3A_118 : vector<128x512xf32>
    %convert_element_type3A_125 = arith.fptosi %sub3A_124 : vector<128x512xf32> to vector<128x512xi32>
    %convert_element_type3A_126 = arith.fptosi %concatenate3A : vector<128x512xf32> to vector<128x512xi32>
    %shift_left3A = arith.constant 16 : i32
    %shift_left3A_127 = vector.broadcast %shift_left3A : i32 to vector<128x512xi32>
    %shift_left3A_128 = arith.shli %convert_element_type3A_125, %shift_left3A_127 : vector<128x512xi32>
    %add3A_129 = arith.addi %convert_element_type3A_126, %shift_left3A_128 : vector<128x512xi32>
    %swap3A = arith.constant 0 : index
    %swap3A_130 = arith.constant 0 : index
    %swap3A_131 = arith.constant 0 : index
    %swap3A_132 = vector.load %arg7[%swap3A, %swap3A_130, %swap3A_131] : memref<1x128x512xi32, #tpu.memory_space<vmem>>, vector<1x128x512xi32>
    %swap3A_133 = vector.shape_cast %swap3A_132 : vector<1x128x512xi32> to vector<128x512xi32>
    %swap3A_134 = vector.shape_cast %add3A_129 : vector<128x512xi32> to vector<1x128x512xi32>
    tpu.vector_store %arg7[%swap3A, %swap3A_130, %swap3A_131], %swap3A_134 {strides = array<i32>} : memref<1x128x512xi32, #tpu.memory_space<vmem>>, vector<1x128x512xi32>,
    return
  }
  func.func @transform_0(%arg0: i32, %arg1: i32) -> (i32, i32, i32) {
    %c0_i32 = arith.constant 0 : i32
    %c0_i32_0 = arith.constant 0 : i32
    return %arg0, %arg1, %c0_i32 : i32, i32, i32
  }
  func.func @transform_1(%arg0: i32, %arg1: i32) -> (i32, i32, i32) {
    %c0_i32 = arith.constant 0 : i32
    %c0_i32_0 = arith.constant 0 : i32
    %c0_i32_1 = arith.constant 0 : i32
    return %arg0, %c0_i32, %c0_i32_0 : i32, i32, i32
  }
  func.func @transform_2(%arg0: i32, %arg1: i32) -> (i32, i32) {
    %c0_i32 = arith.constant 0 : i32
    %c0_i32_0 = arith.constant 0 : i32
    %c0_i32_1 = arith.constant 0 : i32
    return %c0_i32, %c0_i32_0 : i32, i32
  }
  func.func @transform_3(%arg0: i32, %arg1: i32) -> (i32, i32) {
    %c0_i32 = arith.constant 0 : i32
    %c0_i32_0 = arith.constant 0 : i32
    %c0_i32_1 = arith.constant 0 : i32
    return %c0_i32, %c0_i32_0 : i32, i32
  }
  func.func @transform_4(%arg0: i32, %arg1: i32) -> (i32, i32) {
    %c0_i32 = arith.constant 0 : i32
    %c0_i32_0 = arith.constant 0 : i32
    %c0_i32_1 = arith.constant 0 : i32
    return %c0_i32, %c0_i32_0 : i32, i32
  }
  func.func @transform_5(%arg0: i32, %arg1: i32) -> (i32, i32, i32) {
    %c0_i32 = arith.constant 0 : i32
    %c0_i32_0 = arith.constant 0 : i32
    return %arg0, %arg1, %c0_i32 : i32, i32, i32
  }
}

module attributes {stable_mosaic.version = 14 : i64} {
  func.func @_mlp_body(%arg0: i32, %arg1: memref<128x64x32xf32, #tpu.memory_space<vmem>>, %arg2: memref<128x16xi32, #tpu.memory_space<vmem>>, %arg3: memref<128x3xf32, #tpu.memory_space<vmem>>, %arg4: memref<19x32xf32, #tpu.memory_space<vmem>>, %arg5: memref<1x32xf32, #tpu.memory_space<vmem>>, %arg6: memref<32x32xf32, #tpu.memory_space<vmem>>, %arg7: memref<1x32xf32, #tpu.memory_space<vmem>>, %arg8: memref<32x64xf32, #tpu.memory_space<vmem>>, %arg9: memref<1x64xf32, #tpu.memory_space<vmem>>, %arg10: memref<128x64xf32, #tpu.memory_space<vmem>>, %arg11: memref<128x1xf32, #tpu.memory_space<vmem>>) attributes {dimension_semantics = [#tpu.dimension_semantics<arbitrary>], iteration_bounds = array<i64: 32>, scalar_prefetch = 0 : i64, scratch_operands = 0 : i64, tpu.core_type = #tpu.core_type<tc>, window_params = [{transform_indices = @transform_0, window_bounds = array<i64: 128, 64, 32>}, {transform_indices = @transform_1, window_bounds = array<i64: 128, 16>}, {transform_indices = @transform_2, window_bounds = array<i64: 128, 3>}, {pipeline_mode = #tpu.pipeline_mode<synchronous>, transform_indices = @transform_3, window_bounds = array<i64: 19, 32>}, {pipeline_mode = #tpu.pipeline_mode<synchronous>, transform_indices = @transform_4, window_bounds = array<i64: 1, 32>}, {pipeline_mode = #tpu.pipeline_mode<synchronous>, transform_indices = @transform_5, window_bounds = array<i64: 32, 32>}, {pipeline_mode = #tpu.pipeline_mode<synchronous>, transform_indices = @transform_6, window_bounds = array<i64: 1, 32>}, {pipeline_mode = #tpu.pipeline_mode<synchronous>, transform_indices = @transform_7, window_bounds = array<i64: 32, 64>}, {pipeline_mode = #tpu.pipeline_mode<synchronous>, transform_indices = @transform_8, window_bounds = array<i64: 1, 64>}, {transform_indices = @transform_9, window_bounds = array<i64: 128, 64>}, {transform_indices = @transform_10, window_bounds = array<i64: 128, 1>}]} {
    %get3A = arith.constant 0 : index
    %get3A_0 = arith.constant 0 : index
    %get3A_1 = arith.constant 0 : index
    %get3A_2 = vector.load %arg1[%get3A, %get3A_0, %get3A_1] : memref<128x64x32xf32, #tpu.memory_space<vmem>>, vector<128x64x32xf32>
    %get3A_3 = arith.constant 0 : index
    %get3A_4 = arith.constant 0 : index
    %get3A_5 = vector.load %arg2[%get3A_3, %get3A_4] : memref<128x16xi32, #tpu.memory_space<vmem>>, vector<128x16xi32>
    %slice3A = vector.extract_strided_slice %get3A_5 {offsets = [0, 0], sizes = [128, 1], strides = [1, 1]} : vector<128x16xi32> to vector<128x1xi32>
    %squeeze3A = vector.shape_cast %slice3A : vector<128x1xi32> to vector<128xi32>
    %broadcast_in_dim3A = vector.shape_cast %squeeze3A : vector<128xi32> to vector<128x1x1xi32>
    %iota3A = tpu.iota {dimensions = array<i32: 1>} : vector<128x64x1xi32>
    %lt3A = vector.broadcast %broadcast_in_dim3A : vector<128x1x1xi32> to vector<128x64x1xi32>
    %lt3A_6 = arith.cmpi slt, %iota3A, %lt3A : vector<128x64x1xi32>
    %slice3A_7 = vector.extract_strided_slice %get3A_2 {offsets = [0, 0, 0], sizes = [128, 1, 32], strides = [1, 1, 1]} : vector<128x64x32xf32> to vector<128x1x32xf32>
    %broadcast_in_dim3A_8 = vector.shape_cast %slice3A_7 : vector<128x1x32xf32> to vector<128x1x32xf32>
    %broadcast_in_dim3A_9 = vector.broadcast %broadcast_in_dim3A_8 : vector<128x1x32xf32> to vector<128x64x32xf32>
    %broadcast_in_dim3A_10 = vector.shape_cast %lt3A_6 : vector<128x64x1xi1> to vector<128x64x1xi1>
    %broadcast_in_dim3A_11 = vector.broadcast %broadcast_in_dim3A_10 : vector<128x64x1xi1> to vector<128x64x32xi1>
    %select_n3A = arith.select %broadcast_in_dim3A_11, %get3A_2, %broadcast_in_dim3A_9 : vector<128x64x32xi1>, vector<128x64x32xf32>
    %reshape3A = vector.shape_cast %select_n3A : vector<128x64x32xf32> to vector<8192x32xf32>
    %slice3A_12 = vector.extract_strided_slice %reshape3A {offsets = [0, 3], sizes = [8192, 1], strides = [1, 1]} : vector<8192x32xf32> to vector<8192x1xf32>
    %slice3A_13 = vector.extract_strided_slice %reshape3A {offsets = [0, 4], sizes = [8192, 1], strides = [1, 1]} : vector<8192x32xf32> to vector<8192x1xf32>
    %sin3A = math.sin %slice3A_12 : vector<8192x1xf32>
    %mul3A = arith.mulf %slice3A_13, %sin3A : vector<8192x1xf32>
    %reshape3A_14 = vector.shape_cast %mul3A : vector<8192x1xf32> to vector<128x64xf32>
    %cos3A = math.cos %slice3A_12 : vector<8192x1xf32>
    %mul3A_15 = arith.mulf %slice3A_13, %cos3A : vector<8192x1xf32>
    %reshape3A_16 = vector.shape_cast %mul3A_15 : vector<8192x1xf32> to vector<128x64xf32>
    %reduce_sum3A = arith.constant dense<0.000000e+00> : vector<128xf32>
    %reduce_sum3A_17 = vector.multi_reduction <add>, %reshape3A_14, %reduce_sum3A [1] : vector<128x64xf32> to vector<128xf32>
    %broadcast_in_dim3A_18 = vector.shape_cast %reduce_sum3A_17 : vector<128xf32> to vector<128x1xf32>
    %reduce_sum3A_19 = arith.constant dense<0.000000e+00> : vector<128xf32>
    %reduce_sum3A_20 = vector.multi_reduction <add>, %reshape3A_16, %reduce_sum3A_19 [1] : vector<128x64xf32> to vector<128xf32>
    %broadcast_in_dim3A_21 = vector.shape_cast %reduce_sum3A_20 : vector<128xf32> to vector<128x1xf32>
    %reshape3A_22 = vector.shape_cast %slice3A_13 : vector<8192x1xf32> to vector<128x64xf32>
    %reduce_sum3A_23 = arith.constant dense<0.000000e+00> : vector<128xf32>
    %reduce_sum3A_24 = vector.multi_reduction <add>, %reshape3A_22, %reduce_sum3A_23 [1] : vector<128x64xf32> to vector<128xf32>
    %broadcast_in_dim3A_25 = vector.shape_cast %reduce_sum3A_24 : vector<128xf32> to vector<128x1xf32>
    %gt3A = arith.constant 0.000000e+00 : f32
    %gt3A_26 = vector.broadcast %gt3A : f32 to vector<128x1xf32>
    %gt3A_27 = arith.cmpf ogt, %broadcast_in_dim3A_25, %gt3A_26 : vector<128x1xf32>
    %jit3A = arith.constant 0.000000e+00 : f32
    %broadcast_in_dim3A_28 = vector.broadcast %jit3A : f32 to vector<128x1xf32>
    %select_n3A_29 = arith.select %gt3A_27, %broadcast_in_dim3A_18, %broadcast_in_dim3A_28 : vector<128x1xi1>, vector<128x1xf32>
    %jit3A_30 = arith.constant 1.000000e+00 : f32
    %broadcast_in_dim3A_31 = vector.broadcast %jit3A_30 : f32 to vector<128x1xf32>
    %select_n3A_32 = arith.select %gt3A_27, %broadcast_in_dim3A_21, %broadcast_in_dim3A_31 : vector<128x1xi1>, vector<128x1xf32>
    %atan23A = math.atan2 %select_n3A_29, %select_n3A_32 : vector<128x1xf32>
    %swap3A = arith.constant 0 : index
    %swap3A_33 = arith.constant 0 : index
    %swap3A_34 = vector.load %arg11[%swap3A, %swap3A_33] : memref<128x1xf32, #tpu.memory_space<vmem>>, vector<128x1xf32>
    tpu.vector_store %arg11[%swap3A, %swap3A_33], %atan23A {strides = array<i32>} : memref<128x1xf32, #tpu.memory_space<vmem>>, vector<128x1xf32>,
    %cos3A_35 = math.cos %atan23A : vector<128x1xf32>
    %broadcast_in_dim3A_36 = vector.shape_cast %cos3A_35 : vector<128x1xf32> to vector<128x1x1xf32>
    %broadcast_in_dim3A_37 = vector.shape_cast %broadcast_in_dim3A_36 : vector<128x1x1xf32> to vector<128x1x1xf32>
    %broadcast_in_dim3A_38 = vector.broadcast %broadcast_in_dim3A_37 : vector<128x1x1xf32> to vector<128x64x1xf32>
    %reshape3A_39 = vector.shape_cast %broadcast_in_dim3A_38 : vector<128x64x1xf32> to vector<8192x1xf32>
    %sin3A_40 = math.sin %atan23A : vector<128x1xf32>
    %broadcast_in_dim3A_41 = vector.shape_cast %sin3A_40 : vector<128x1xf32> to vector<128x1x1xf32>
    %broadcast_in_dim3A_42 = vector.shape_cast %broadcast_in_dim3A_41 : vector<128x1x1xf32> to vector<128x1x1xf32>
    %broadcast_in_dim3A_43 = vector.broadcast %broadcast_in_dim3A_42 : vector<128x1x1xf32> to vector<128x64x1xf32>
    %reshape3A_44 = vector.shape_cast %broadcast_in_dim3A_43 : vector<128x64x1xf32> to vector<8192x1xf32>
    %get3A_45 = arith.constant 0 : index
    %get3A_46 = arith.constant 0 : index
    %get3A_47 = vector.load %arg3[%get3A_45, %get3A_46] : memref<128x3xf32, #tpu.memory_space<vmem>>, vector<128x3xf32>
    %broadcast_in_dim3A_48 = vector.shape_cast %get3A_47 : vector<128x3xf32> to vector<128x1x3xf32>
    %broadcast_in_dim3A_49 = vector.shape_cast %broadcast_in_dim3A_48 : vector<128x1x3xf32> to vector<128x1x3xf32>
    %broadcast_in_dim3A_50 = vector.broadcast %broadcast_in_dim3A_49 : vector<128x1x3xf32> to vector<128x64x3xf32>
    %slice3A_51 = vector.extract_strided_slice %reshape3A {offsets = [0, 0], sizes = [8192, 3], strides = [1, 1]} : vector<8192x32xf32> to vector<8192x3xf32>
    %reshape3A_52 = vector.shape_cast %broadcast_in_dim3A_50 : vector<128x64x3xf32> to vector<8192x3xf32>
    %sub3A = arith.subf %slice3A_51, %reshape3A_52 : vector<8192x3xf32>
    %div3A = arith.constant 2.000000e-01 : f32
    %div3A_53 = vector.broadcast %div3A : f32 to vector<8192x3xf32>
    %div3A_54 = arith.divf %sub3A, %div3A_53 : vector<8192x3xf32>
    %slice3A_55 = vector.extract_strided_slice %div3A_54 {offsets = [0, 0], sizes = [8192, 1], strides = [1, 1]} : vector<8192x3xf32> to vector<8192x1xf32>
    %slice3A_56 = vector.extract_strided_slice %div3A_54 {offsets = [0, 1], sizes = [8192, 1], strides = [1, 1]} : vector<8192x3xf32> to vector<8192x1xf32>
    %slice3A_57 = vector.extract_strided_slice %div3A_54 {offsets = [0, 2], sizes = [8192, 1], strides = [1, 1]} : vector<8192x3xf32> to vector<8192x1xf32>
    %mul3A_58 = arith.mulf %reshape3A_39, %slice3A_55 : vector<8192x1xf32>
    %mul3A_59 = arith.mulf %reshape3A_44, %slice3A_56 : vector<8192x1xf32>
    %add3A = arith.addf %mul3A_58, %mul3A_59 : vector<8192x1xf32>
    %neg3A = arith.constant 0.000000e+00 : f32
    %neg3A_60 = vector.broadcast %neg3A : f32 to vector<8192x1xf32>
    %neg3A_61 = arith.subf %neg3A_60, %reshape3A_44 : vector<8192x1xf32>
    %mul3A_62 = arith.mulf %neg3A_61, %slice3A_55 : vector<8192x1xf32>
    %mul3A_63 = arith.mulf %reshape3A_39, %slice3A_56 : vector<8192x1xf32>
    %add3A_64 = arith.addf %mul3A_62, %mul3A_63 : vector<8192x1xf32>
    %slice3A_65 = vector.extract_strided_slice %reshape3A {offsets = [0, 5], sizes = [8192, 16], strides = [1, 1]} : vector<8192x32xf32> to vector<8192x16xf32>
    %concatenate3A = tpu.concatenate %add3A, %add3A_64, %slice3A_57, %slice3A_65 in 1 : vector<8192x1xf32>, vector<8192x1xf32>, vector<8192x1xf32>, vector<8192x16xf32> -> vector<8192x19xf32>
    %sqrt3A = arith.constant 1.000010e+00 : f32
    %sqrt3A_66 = math.sqrt %sqrt3A : f32
    %div3A_67 = arith.constant 1.000000e+00 : f32
    %div3A_68 = arith.divf %div3A_67, %sqrt3A_66 : f32
    %get3A_69 = arith.constant 0 : index
    %get3A_70 = arith.constant 0 : index
    %get3A_71 = vector.load %arg4[%get3A_69, %get3A_70] : memref<19x32xf32, #tpu.memory_space<vmem>>, vector<19x32xf32>
    %dot_general3A = arith.constant dense<0.000000e+00> : vector<8192x32xf32>
    %dot_general3A_72 = tpu.matmul %concatenate3A, %get3A_71, %dot_general3A {dimension_numbers = #tpu.dot_dimension_numbers<[1], [0], [0], [1], [0, 0, 1, 1], [], []>, transpose_lhs_hint = false} : vector<8192x19xf32>, vector<19x32xf32>, vector<8192x32xf32> -> vector<8192x32xf32>
    %get3A_73 = arith.constant 0 : index
    %get3A_74 = arith.constant 0 : index
    %get3A_75 = vector.load %arg5[%get3A_73, %get3A_74] : memref<1x32xf32, #tpu.memory_space<vmem>>, vector<1x32xf32>
    %add3A_76 = vector.broadcast %get3A_75 : vector<1x32xf32> to vector<8192x32xf32>
    %add3A_77 = arith.addf %dot_general3A_72, %add3A_76 : vector<8192x32xf32>
    %mul3A_78 = vector.broadcast %div3A_68 : f32 to vector<8192x32xf32>
    %mul3A_79 = arith.mulf %add3A_77, %mul3A_78 : vector<8192x32xf32>
    %max3A = arith.constant 0.000000e+00 : f32
    %max3A_80 = vector.broadcast %max3A : f32 to vector<8192x32xf32>
    %max3A_81 = arith.maximumf %mul3A_79, %max3A_80 : vector<8192x32xf32>
    %get3A_82 = arith.constant 0 : index
    %get3A_83 = arith.constant 0 : index
    %get3A_84 = vector.load %arg6[%get3A_82, %get3A_83] : memref<32x32xf32, #tpu.memory_space<vmem>>, vector<32x32xf32>
    %dot_general3A_85 = arith.constant dense<0.000000e+00> : vector<8192x32xf32>
    %dot_general3A_86 = tpu.matmul %max3A_81, %get3A_84, %dot_general3A_85 {dimension_numbers = #tpu.dot_dimension_numbers<[1], [0], [0], [1], [0, 0, 1, 1], [], []>, transpose_lhs_hint = false} : vector<8192x32xf32>, vector<32x32xf32>, vector<8192x32xf32> -> vector<8192x32xf32>
    %get3A_87 = arith.constant 0 : index
    %get3A_88 = arith.constant 0 : index
    %get3A_89 = vector.load %arg7[%get3A_87, %get3A_88] : memref<1x32xf32, #tpu.memory_space<vmem>>, vector<1x32xf32>
    %add3A_90 = vector.broadcast %get3A_89 : vector<1x32xf32> to vector<8192x32xf32>
    %add3A_91 = arith.addf %dot_general3A_86, %add3A_90 : vector<8192x32xf32>
    %mul3A_92 = vector.broadcast %div3A_68 : f32 to vector<8192x32xf32>
    %mul3A_93 = arith.mulf %add3A_91, %mul3A_92 : vector<8192x32xf32>
    %max3A_94 = arith.constant 0.000000e+00 : f32
    %max3A_95 = vector.broadcast %max3A_94 : f32 to vector<8192x32xf32>
    %max3A_96 = arith.maximumf %mul3A_93, %max3A_95 : vector<8192x32xf32>
    %get3A_97 = arith.constant 0 : index
    %get3A_98 = arith.constant 0 : index
    %get3A_99 = vector.load %arg8[%get3A_97, %get3A_98] : memref<32x64xf32, #tpu.memory_space<vmem>>, vector<32x64xf32>
    %dot_general3A_100 = arith.constant dense<0.000000e+00> : vector<8192x64xf32>
    %dot_general3A_101 = tpu.matmul %max3A_96, %get3A_99, %dot_general3A_100 {dimension_numbers = #tpu.dot_dimension_numbers<[1], [0], [0], [1], [0, 0, 1, 1], [], []>, transpose_lhs_hint = false} : vector<8192x32xf32>, vector<32x64xf32>, vector<8192x64xf32> -> vector<8192x64xf32>
    %get3A_102 = arith.constant 0 : index
    %get3A_103 = arith.constant 0 : index
    %get3A_104 = vector.load %arg9[%get3A_102, %get3A_103] : memref<1x64xf32, #tpu.memory_space<vmem>>, vector<1x64xf32>
    %add3A_105 = vector.broadcast %get3A_104 : vector<1x64xf32> to vector<8192x64xf32>
    %add3A_106 = arith.addf %dot_general3A_101, %add3A_105 : vector<8192x64xf32>
    %mul3A_107 = vector.broadcast %div3A_68 : f32 to vector<8192x64xf32>
    %mul3A_108 = arith.mulf %add3A_106, %mul3A_107 : vector<8192x64xf32>
    %max3A_109 = arith.constant 0.000000e+00 : f32
    %max3A_110 = vector.broadcast %max3A_109 : f32 to vector<8192x64xf32>
    %max3A_111 = arith.maximumf %mul3A_108, %max3A_110 : vector<8192x64xf32>
    %reshape3A_112 = vector.shape_cast %max3A_111 : vector<8192x64xf32> to vector<128x64x64xf32>
    %reduce_max3A = arith.constant dense<0xFF800000> : vector<128x64xf32>
    %reduce_max3A_113 = vector.multi_reduction <maximumf>, %reshape3A_112, %reduce_max3A [1] : vector<128x64x64xf32> to vector<128x64xf32>
    %swap3A_114 = arith.constant 0 : index
    %swap3A_115 = arith.constant 0 : index
    %swap3A_116 = vector.load %arg10[%swap3A_114, %swap3A_115] : memref<128x64xf32, #tpu.memory_space<vmem>>, vector<128x64xf32>
    tpu.vector_store %arg10[%swap3A_114, %swap3A_115], %reduce_max3A_113 {strides = array<i32>} : memref<128x64xf32, #tpu.memory_space<vmem>>, vector<128x64xf32>,
    return
  }
  func.func @transform_0(%arg0: i32) -> (i32, i32, i32) {
    %c0_i32 = arith.constant 0 : i32
    %c0_i32_0 = arith.constant 0 : i32
    %c0_i32_1 = arith.constant 0 : i32
    return %arg0, %c0_i32, %c0_i32_0 : i32, i32, i32
  }
  func.func @transform_1(%arg0: i32) -> (i32, i32) {
    %c0_i32 = arith.constant 0 : i32
    %c0_i32_0 = arith.constant 0 : i32
    return %arg0, %c0_i32 : i32, i32
  }
  func.func @transform_2(%arg0: i32) -> (i32, i32) {
    %c0_i32 = arith.constant 0 : i32
    %c0_i32_0 = arith.constant 0 : i32
    return %arg0, %c0_i32 : i32, i32
  }
  func.func @transform_3(%arg0: i32) -> (i32, i32) {
    %c0_i32 = arith.constant 0 : i32
    %c0_i32_0 = arith.constant 0 : i32
    %c0_i32_1 = arith.constant 0 : i32
    return %c0_i32, %c0_i32_0 : i32, i32
  }
  func.func @transform_4(%arg0: i32) -> (i32, i32) {
    %c0_i32 = arith.constant 0 : i32
    %c0_i32_0 = arith.constant 0 : i32
    %c0_i32_1 = arith.constant 0 : i32
    return %c0_i32, %c0_i32_0 : i32, i32
  }
  func.func @transform_5(%arg0: i32) -> (i32, i32) {
    %c0_i32 = arith.constant 0 : i32
    %c0_i32_0 = arith.constant 0 : i32
    %c0_i32_1 = arith.constant 0 : i32
    return %c0_i32, %c0_i32_0 : i32, i32
  }
  func.func @transform_6(%arg0: i32) -> (i32, i32) {
    %c0_i32 = arith.constant 0 : i32
    %c0_i32_0 = arith.constant 0 : i32
    %c0_i32_1 = arith.constant 0 : i32
    return %c0_i32, %c0_i32_0 : i32, i32
  }
  func.func @transform_7(%arg0: i32) -> (i32, i32) {
    %c0_i32 = arith.constant 0 : i32
    %c0_i32_0 = arith.constant 0 : i32
    %c0_i32_1 = arith.constant 0 : i32
    return %c0_i32, %c0_i32_0 : i32, i32
  }
  func.func @transform_8(%arg0: i32) -> (i32, i32) {
    %c0_i32 = arith.constant 0 : i32
    %c0_i32_0 = arith.constant 0 : i32
    %c0_i32_1 = arith.constant 0 : i32
    return %c0_i32, %c0_i32_0 : i32, i32
  }
  func.func @transform_9(%arg0: i32) -> (i32, i32) {
    %c0_i32 = arith.constant 0 : i32
    %c0_i32_0 = arith.constant 0 : i32
    return %arg0, %c0_i32 : i32, i32
  }
  func.func @transform_10(%arg0: i32) -> (i32, i32) {
    %c0_i32 = arith.constant 0 : i32
    %c0_i32_0 = arith.constant 0 : i32
    return %arg0, %c0_i32 : i32, i32
  }
}

</mosaic_0001>

<sc_bundles>
// kernel: kernel.6.cloned.1.call-start
scs
__scs_entry_jumppad:
0x0: {  	(pc) =	sbr.rel $0x88, $3  }
0x1: {  	(tag) =	ssettag $0x0;
	lr =	simm.s32 $0x1  }
0x2: {  	[smem:$0x3F97] =	sst lr;
	_ =	strace $0xD0000000  }
0x3: {  	_ = 	snop  }
0x4: {  	_ = 	snop  }
0x5: {  	_ = 	snop  }
0x6: {  	_ = 	snop  }
0x7: {  	_ = 	snop  }
__scs_overlays_trampoline_lowered:
0x8: {  	[smem:$0x3FA6] =	sst s0  }
0x9: {  	[smem:$0x3FA7] =	sst s1  }
0xa: {  	[smem:$0x3FA8] =	sst s2  }
0xb: {  	[smem:$0x3FA9] =	sst s3  }
0xc: {  	[smem:$0x3FAA] =	sst s4  }
0xd: {  	[smem:$0x3FAB] =	sst s5  }
0xe: {  	[smem:$0x3FAC] =	sst s6  }
0xf: {  	[smem:$0x3FAD] =	sst s7  }
0x10: {  	[smem:$0x3FAE] =	sst s8  }
0x11: {  	[smem:$0x3FAF] =	sst s9;
	s0 =	simm.s32 @!p0 $0x0  }
0x12: {  	s1 =	sld [smem:$0x3F95];
	s0 =	simm.s32 @p0 $0x1  }
0x13: {  	[smem:$0x3FB0] =	sst s0;
	s0 =	simm.s32 @!p1 $0x0  }
0x14: {  	s2 =	sld [smem:$0x3F94];
	s0 =	simm.s32 @p1 $0x1  }
0x15: {  	[smem:$0x3FB1] =	sst s0;
	s0 =	simm.s32 @!p2 $0x0  }
0x16: {  	s3 =	sld [smem:$0x3FDB];
	s0 =	simm.s32 @p2 $0x1  }
0x17: {  	s4 =	simm.s32 $0x1BF5;
	[smem:$0x3FB3] =	sst s0  }
0x18: {  	s0 =	sld [smem:$0x3F96];
	_ =	swait.ge [sflag:s4], $0x0  }
0x19: {  	s7 =	sld [smem:$0x3F97]  }
0x1a: {  	s8 =	sadd.s32 $0xFFFFE003, lr  }
0x1b: {  	s9 =	sadd.s32 $0xFFFFFEF7, lr;
	s5 =	simm.s32 $0xFFFFFFFF;
	p2 =	slt.u32 s8, $0xFFFFF086  }
0x1c: {  	p1 =	slt.u32 s9, $0xF7A;
	s5 =	simm.s32 @!p2 $0x0  }
0x1d: {  	s5 =	simm.s32 @p1 $0x1;
	p0 =	seq.s32 s7, s2  }
0x1e: {  	s7 =	smul.u32 @!p0 $0xF7A, s2;
	p2 =	seq.s32 @!p0 s5, $0x0  }
0x1f: {  	s9 =	smul.u32 $0xF7A, s1;
	s8 =	simm.s32 @!p0 $0x1BF5;
	p2 =	por !p2, p0  }
0x20: {  	[sflag:s8] =	ssyncset.s32 @!p0 $0xFFFFF086;
	s6 =	sadd.s32 @!p0 s3, s7;
	s7 =	simm.s32 @!p0 $0x108  }
0x21: {  	s3 =	sadd.s32 s3, s9;
	s6 =	sadd.s32 @!p0 $0x88, s6;
	s7 =	simm.s32 @p2 $0x1082  }
0x22: {  	[simem:s7], [sflag:s8] =	dma.local @!p0 [hbm:s6], $0xF7A  }
0x23: {  	s9 =	sor.u32 $0xD0000000, s2;
	s6 =	simm.s32 $0x108;
	_ =	swait.ge @!p0 [sflag:s8], $0x0  }
0x24: {  	s3 =	sadd.s32 $0x88, s3;
	s6 =	simm.s32 @!p1 $0x1082;
	[sflag:s4] =	ssyncset.s32 $0xFFFFF086  }
0x25: {  	[simem:s6], [sflag:s4] =	dma.local [hbm:s3], $0xF7A  }
0x26: {  	[smem:$0x3F97] =	sst s1;
	(tag) =	ssettag s2;
	_ =	strace s9  }
0x27: {  	s1 =	sld [smem:$0x3FA7]  }
0x28: {  	s2 =	sld [smem:$0x3FA8]  }
0x29: {  	s4 =	sld [smem:$0x3FAA]  }
0x2a: {  	p0 =	seq.s32 s5, $0x0;
	s5 =	sld [smem:$0x3FAB]  }
0x2b: {  	s6 =	sld [smem:$0x3FAC]  }
0x2c: {  	s7 =	sld [smem:$0x3FAD]  }
0x2d: {  	s3 =	simm.s32 $0x108;
	s8 =	sld [smem:$0x3FAE]  }
0x2e: {  	s3 =	simm.s32 @!p0 $0x1082;
	s9 =	sld [smem:$0x3FAF]  }
0x2f: {  	lr =	sadd.s32 s0, s3;
	s0 =	sld [smem:$0x3FA6]  }
0x30: {  	s3 =	sld [smem:$0x3FA9]  }
0x31: {  	[smem:$0x3FB2] =	sst s10  }
0x32: {  	s10 =	sld [smem:$0x3FB0];
	_ =	sdelay $0x3  }
0x33: {  	p0 =	seq.s32 s10, $0x1;
	s10 =	sld [smem:$0x3FB2];
	_ =	sdelay $0x3  }
0x34: {  	[smem:$0x3FB2] =	sst s10  }
0x35: {  	s10 =	sld [smem:$0x3FB1];
	_ =	sdelay $0x3  }
0x36: {  	p1 =	seq.s32 s10, $0x1;
	s10 =	sld [smem:$0x3FB2];
	_ =	sdelay $0x3  }
0x37: {  	[smem:$0x3FB2] =	sst s10  }
0x38: {  	s10 =	sld [smem:$0x3FB3]  }
0x39: {  	_ = 	snop;
	(pc) =	sbr.ind lr, $3  }
0x3a: {  	_ = 	snop  }
0x3b: {  	_ = 	snop  }
0x3c: {  	p2 =	seq.s32 s10, $0x1;
	s10 =	sld [smem:$0x3FB2]  }
0x3d: {  	_ =	shalt  }
0x3e: {  	_ =	shalt  }
0x3f: {  	_ =	shalt  }
0x40: {  	_ =	shalt  }
0x41: {  	_ =	shalt  }
0x42: {  	_ =	shalt  }
0x43: {  	_ =	shalt  }
0x44: {  	_ =	shalt  }
0x45: {  	_ =	shalt  }
0x46: {  	_ =	shalt  }
0x47: {  	_ =	shalt  }
0x48: {  	_ =	shalt  }
0x49: {  	_ =	shalt  }
0x4a: {  	_ =	shalt  }
0x4b: {  	_ =	shalt  }
0x4c: {  	_ =	shalt  }
0x4d: {  	_ =	shalt  }
0x4e: {  	_ =	shalt  }
0x4f: {  	_ =	shalt  }
0x50: {  	_ =	shalt  }
0x51: {  	_ =	shalt  }
0x52: {  	_ =	shalt  }
0x53: {  	_ =	shalt  }
0x54: {  	_ =	shalt  }
0x55: {  	_ =	shalt  }
0x56: {  	_ =	shalt  }
0x57: {  	_ =	shalt  }
0x58: {  	_ =	shalt  }
0x59: {  	_ =	shalt  }
0x5a: {  	_ =	shalt  }
0x5b: {  	_ =	shalt  }
0x5c: {  	_ =	shalt  }
0x5d: {  	_ =	shalt  }
0x5e: {  	_ =	shalt  }
0x5f: {  	_ =	shalt  }
0x60: {  	_ =	shalt  }
0x61: {  	_ =	shalt  }
0x62: {  	_ =	shalt  }
0x63: {  	_ =	shalt  }
0x64: {  	_ =	shalt  }
0x65: {  	_ =	shalt  }
0x66: {  	_ =	shalt  }
0x67: {  	_ =	shalt  }
0x68: {  	_ =	shalt  }
0x69: {  	_ =	shalt  }
0x6a: {  	_ =	shalt  }
0x6b: {  	_ =	shalt  }
0x6c: {  	_ =	shalt  }
0x6d: {  	_ =	shalt  }
0x6e: {  	_ =	shalt  }
0x6f: {  	_ =	shalt  }
0x70: {  	_ =	shalt  }
0x71: {  	_ =	shalt  }
0x72: {  	_ =	shalt  }
0x73: {  	_ =	shalt  }
0x74: {  	_ =	shalt  }
0x75: {  	_ =	shalt  }
0x76: {  	_ =	shalt  }
0x77: {  	_ =	shalt  }
0x78: {  	_ =	shalt  }
0x79: {  	_ =	shalt  }
0x7a: {  	_ =	shalt  }
0x7b: {  	_ =	shalt  }
0x7c: {  	_ =	shalt  }
0x7d: {  	_ =	shalt  }
0x7e: {  	_ =	shalt  }
0x7f: {  	_ =	shalt  }
0x80: {  	_ =	shalt  }
0x81: {  	_ =	shalt  }
0x82: {  	_ =	shalt  }
0x83: {  	_ =	shalt  }
0x84: {  	_ =	shalt  }
0x85: {  	_ =	shalt  }
0x86: {  	_ =	shalt  }
0x87: {  	_ =	shalt  }
.Lfunc_end0:
.L_simem_size_0:
called_computation_lowered:
.L_overlay_start_0:
0x88: {  	s2 =	sld [smem:$0x3FD9]  }
0x89: {  	s3 =	sld [smem:$0x3FFE];
	_ =	sdelay $0x1  }
0x8a: {  	s1 =	srdreg.scid  }
0x8b: {  	s0 =	sand.u32 $0x1, s1  }
0x8c: {  	s14 =	sshll.u32 s0, $0xA;
	s2 =	sadd.s32 s3, s2  }
0x8d: {  	s2 =	sadd.s32 s2, s14  }
0x8e: {  	[smem:$0x3FBE] =	sst s2  }
0x8f: {  	_ = 	snop  }
0x90: {  	s2 =	sld [smem:$0x3FD0];
	_ =	sdelay $0x2  }
0x91: {  	s15 =	simm.s32 $0xA;
	s4 =	simm.s32 $0x10  }
0x92: {  	[smem:s4], [sflag:s15] =	dma.local [hbm:s2], $0x1  }
0x93: {  	_ =	swait.eq [sflag:s15], $0x1  }
0x94: {  	[sflag:s15] =	ssyncset.done $0x0  }
0x95: {  	s16 =	sld [smem:$0x11];
	[sflag:s15] =	ssyncadd.s32 $0xFFFFFFFF  }
0x96: {  	s17 =	sld [smem:$0x13];
	(tm) =	ssettm $0x1  }
0x97: {  	s18 =	sld [smem:$0x3FFB];
	_ =	sdelay $0x3  }
0x98: {  	_ =	strace s18  }
0x99: {  	s4 =	sld [smem:$0x3FFC];
	_ =	sdelay $0x3  }
0x9a: {  	_ =	strace s4  }
0x9b: {  	s4 =	sld [smem:$0x3FFD];
	_ =	sdelay $0x3  }
0x9c: {  	_ =	strace s4  }
0x9d: {  	_ =	strace $0x8FFFFFFF  }
0x9e: {  	s19 =	sld [smem:$0x3FDB];
	_ =	sdelay $0x1  }
0x9f: {  	s5 =	simm.s32 $_scs_section_size  }
0xa0: {  	s6 =	simm.s32 $_size__tile_overlayer_lowered;
	s7 =	simm.s32 $_tile_overlayer_lowered  }
0xa1: {  	s22 =	simm.s32 $0x1BFF;
	s21 =	sshll.u32 s7, $0x1;
	s4 =	sadd.s32 s5, s19  }
0xa2: {  	s8 =	simm.s32 $0x0;
	s20 =	sshll.u32 s6, $0x1;
	s6 =	sadd.s32 s21, s4  }
0xa3: {  	[timem:s8], [sflag:s22] =	dma.local [hbm:s6], s20  }
0xa4: {  	_ =	swait.ge [sflag:s22], s20  }
0xa5: {  	s5 =	ssub.s32 $0x0, s20;
	[sflag:s22] =	ssyncset.done $0x0  }
0xa6: {  	[sflag:s22] =	ssyncadd.s32 s5;
	_ =	sdelay $0x1  }
0xa7: {  	s23 =	simm.s32 $0x1B8B  }
0xa8: {  	_ =	swait.ge [sflag:s23], $0x1  }
0xa9: {  	[sflag:s23] =	ssyncset.done $0x0  }
0xaa: {  	s25 =	simm.s32 $0x1B8E;
	s24 =	sld [smem:$0x3FFE];
	[sflag:s23] =	ssyncadd.s32 $0xFFFFFFFF  }
0xab: {  	s26 =	simm.s32 $execute0_lowered;
	[smem:$0x3FD2] =	sst s25  }
0xac: {  	s6 =	sshll.u32 s26, $0x1;
	_ =	strace $0x80000046;
	[dreg:$0x1] =	wrdreg $0xFFFFFFFF  }
0xad: {  	s28 =	simm.s32 $_size_execute0_lowered;
	s4 =	sadd.s32 s4, s6;
	[dreg:$0x0] =	wrdreg $0x0  }
0xae: {  	s6 =	sshll.u32 s28, $0x1;
	[dreg:$0x2] =	wrdreg s4  }
0xaf: {  	[dreg:$0x3] =	wrdreg s6  }
0xb0: {  	[dreg:$0x4] =	wrdreg $0xC0  }
0xb1: {  	_ =	task [dreg:s8], $0x5FFFF  }
0xb2: {  	[dreg:$0x1] =	wrdreg $0xFFFFFFFF  }
0xb3: {  	[dreg:$0x0] =	wrdreg $0x60  }
0xb4: {  	[dreg:$0x2] =	wrdreg s24  }
0xb5: {  	[dreg:$0x3] =	wrdreg s17  }
0xb6: {  	[dreg:$0x4] =	wrdreg s16  }
0xb7: {  	[dreg:$0x5] =	wrdreg $0x9  }
0xb8: {  	_ =	task.clear_ibuf [dreg:s8], $0x6FFFF;
	_ =	strace $0x90000046  }
0xb9: {  	s29 =	simm.s32 $0x9;
	_ =	strace $0x80000048  }
0xba: {  	_ =	swait.ge [sflag:s29], $0x1  }
0xbb: {  	[sflag:s29] =	ssyncadd.s32 $0xFFFFFFFF  }
0xbc: {  	_ =	strace $0x90000048  }
0xbd: {  	_ =	sfence  }
0xbe: {  	s30 =	sld [smem:$0x0];
	_ =	sdelay $0x2  }
0xbf: {  	s31 =	sshll.u32 s1, $0xD;
	s1 =	sshrl.u32 s1, $0x2  }
0xc0: {  	s3 =	sand.u32 $0x4000, s31;
	s1 =	sadd.s32 s1, s30  }
0xc1: {  	s0 =	sor.u32 s3, s0;
	s1 =	sshll.u32 s1, $0x11  }
0xc2: {  	s0 =	sor.u32 s1, s0  }
0xc3: {  	s0 =	sadd.s32 $0x8F2B, s0  }
0xc4: {  	[sflag:s0] =	ssyncadd.remote.s32 $0x1  }
0xc5: {  	_ =	sfence.sel $0xFFFF  }
0xc6: {  	[dreg:$0x0] =	wrdreg $0xFFFFFFFF;
	(pc) =	sbr.abs _section_cstart, $3  }
0xc7: {  	[dreg:$0x1] =	wrdreg $0xFFFFFFFF  }
0xc8: {  	_ =	task.clear_ibuf [dreg:s8], $0x2FFFF;
	_ =	strace $0x9FFFFFFF  }
0xc9: {  	(tm) =	ssettm $0x7FFFFFFF  }
tec
execute0_lowered:
.L_overlay_start_1:
0x0: {  	(tag) =	ssettag $0x1  }
0x1: {  	s5 =	rddreg [dreg:$0x0]  }
0x2: {  	s2 =	rddreg [dreg:$0x1]  }
0x3: {  	s8 =	rddreg [dreg:$0x2]  }
0x4: {  	s0 =	rddreg [dreg:$0x3]  }
0x5: {  	s4 =	srdreg.scid;
	s1 =	stileid.u32;
	s3 =	simm.s32 $0x0  }
0x6: {  	s13 =	simm.s32 $0x13820;
	s14 =	simm.s32 $0x1;
	s15 =	simm.s32 $0x13020  }
0x7: {  	s16 =	simm.s32 $0x0;
	s6 =	sand.u32 $0x1, s4;
	s31 =	sshll.u32 s1, $0x1  }
0x8: {  	[smem:$0x7FF] =	sst s3;
	s12 =	sshll.u32 s1, $0xB;
	s9 =	sor.u32 s6, s31  }
0x9: {  	_ =	strace $0x80000047;
	s6 =	ssub.s32 $0x2, s6;
	s4 =	sshll.u32 s9, $0xD  }
0xa: {  	s10 =	sshll.u32 s9, $0xF;
	s11 =	sshrl.u32 s6, $0x1;
	s9 =	sshll.u32 s9, $0x8  }
0xb: {  	s7 =	sadd.s32 s4, s5;
	s4 =	sadd.s32 $0x42800, s5;
	s10 =	sadd.s32 s10, s5  }
0xc: {  	s11 =	ssub.s32 s6, s11;
	s5 =	sand.u32 $0x6000, s12;
	s8 =	sadd.s32 s8, s9  }
0xd: {  	v0 =	vlaneseq.u32;
	s12 =	simm.s32 $0x40;
	s6 =	sadd.s32 $0x2800, s7;
	s7 =	sadd.s32 $0x62800, s10  }
0xe: {  	s9 =	smax.u32 s11, $0x1;
	s10 =	simm.s32 $0x2;
	s11 =	simm.s32 $0x12020;
	v1 =	vor.u32 s5, v0  }
.LBB2_1:
0xf: {  	[tilespmem:s3], [sflag:$0x2] =	stream.linear.gather [hbm4b:s6+s3], $0x10000, $0x38;
	[tilespmem:$0x14020] =	vst v63  }
0x10: {  	_ =	swait.ge [sflag:s10], $0x10000  }
0x11: {  	[sflag:s10] =	ssyncset.done $0x0  }
0x12: {  	[sflag:s10] =	ssyncadd.s32 $0xFFFF0000  }
0x13: {  	[tilespmem:s11], [sflag:$0x2] =	stream.linear.gather [hbm4b:s2+s3], $0x1000, $0x38;
	[tilespmem:$0x14020] =	vst v63  }
0x14: {  	_ =	swait.ge [sflag:s10], $0x1000  }
0x15: {  	[sflag:s10] =	ssyncset.done $0x0  }
0x16: {  	s17 =	simm.s32 $0x40;
	s18 =	simm.s32 $0x0;
	[sflag:s10] =	ssyncadd.s32 $0xFFFFF000  }
.LBB2_2:
0x17: {  	p0 =	sne.s32 s17, $0x8040;
	[tilespmem:s18+$0x10000] =	vst v1;
	s18 =	smov.u32 s17;
	s17 =	sadd.s32 $0x40, s17  }
.Ltmp0:
0x18: {  	(pc) =	sbr.rel @p0 .LBB2_2-.Ltmp0, $2  }
0x19: {  	_ =	sdelay $0x2  }
0x1a: {  	s18 =	sshra.s32 s18, $0x2  }
0x1b: {  	[tilespmem:s18+$0x10000] =	vst v1;
	s17 =	simm.s32 $0x0;
	s18 =	simm.s32 $0x0  }
.LBB2_4:
0x1c: {  	s19 =	sshll.u32 s18, $0x6  }
0x1d: {  	s20 =	sadd.s32 $0x10000, s19  }
0x1e: {  	s21 =	smov.u32 s17;
	s22 =	simm.s32 $0x0;
	s24 =	simm.s32 $0x0;
	v2 =	vmov s20  }
.LBB2_5:
0x1f: {  	v3 =	vld [tilespmem:s21+$0x0];
	_ =	sdelay $0x4  }
0x20: {  	(v2sf) =	vpush v3, $0x0;
	_ =	sdelay $0xe  }
0x21: {  	s23 =	spop (v2sf)  }
0x22: {  	s25 =	sshll.u32 s23, $0x4  }
0x23: {  	s23 =	sshrl.u32 s23, $0x4;
	s25 =	sand.u32 $0xFF0, s25  }
0x24: {  	s23 =	sand.u32 $0xFF0, s23;
	v4 =	vld [tilespmem:s25+$0x12020]  }
0x25: {  	v5 =	vld [tilespmem:s23+$0x12020];
	_ =	sdelay $0x3  }
0x26: {  	(v2sf) =	vpush v4, $0x8  }
0x27: {  	(v2sf) =	vpush v5, $0x8  }
0x28: {  	(v2sf) =	vpush v3, $0x1;
	_ =	sdelay $0xb  }
0x29: {  	p0 =	slt.s32 s24, $0x40  }
0x2a: {  	s26 =	smov.u32 s24;
	s23 =	sadd.s32 s22, s5;
	s29 =	spop (v2sf)  }
0x2b: {  	s26 =	simm.s32 @!p0 $0x40;
	s30 =	sadd.s32 $0x8, s23;
	s28 =	spop (v2sf)  }
0x2c: {  	v4 =	vadd.s32 s23, v4;
	s25 =	sadd.s32 $0x8, s29;
	s29 =	sadd.s32 s26, s20;
	s31 =	spop (v2sf)  }
0x2d: {  	v35 =	vadd.s32 s30, v5;
	[tilespmem:v2+s26+$0x0 ss:$0x1] =	vst.idx.msk $0xffff, v4;
	s26 =	sadd.s32 s25, s29;
	s30 =	sshll.u32 s31, $0x4  }
0x2e: {  	[tilespmem:s26+$0x0] =	vst v35;
	s31 =	sshrl.u32 s31, $0x4;
	s30 =	sand.u32 $0xFF0, s30  }
0x2f: {  	s26 =	sand.u32 $0xFF0, s31;
	v4 =	vld [tilespmem:s30+$0x12020]  }
0x30: {  	v36 =	vld [tilespmem:s26+$0x12020];
	_ =	sdelay $0x3  }
0x31: {  	(v2sf) =	vpush v4, $0x8  }
0x32: {  	(v2sf) =	vpush v36, $0x8  }
0x33: {  	(v2sf) =	vpush v3, $0x2;
	_ =	sdelay $0x8  }
0x34: {  	s29 =	sadd.s32 s25, s24  }
0x35: {  	s24 =	sadd.s32 s28, s29  }
0x36: {  	s24 =	sadd.s32 $0x8, s24  }
0x37: {  	p0 =	slt.s32 s24, $0x40;
	s26 =	smov.u32 s24  }
0x38: {  	s26 =	simm.s32 @!p0 $0x40;
	s30 =	spop (v2sf)  }
0x39: {  	s31 =	sadd.s32 $0x10, s23;
	s29 =	sadd.s32 s26, s20;
	s28 =	spop (v2sf)  }
0x3a: {  	v4 =	vadd.s32 s31, v4;
	s25 =	sadd.s32 $0x8, s30;
	s30 =	sadd.s32 $0x18, s23;
	s31 =	spop (v2sf)  }
0x3b: {  	[tilespmem:v2+s26+$0x0 ss:$0x1] =	vst.idx.msk $0xffff, v4;
	v37 =	vadd.s32 s30, v36;
	s26 =	sadd.s32 s25, s29;
	s30 =	sshll.u32 s31, $0x4  }
0x3c: {  	[tilespmem:s26+$0x0] =	vst v37;
	s29 =	sshrl.u32 s31, $0x4;
	s30 =	sand.u32 $0xFF0, s30  }
0x3d: {  	s26 =	sand.u32 $0xFF0, s29;
	v4 =	vld [tilespmem:s30+$0x12020]  }
0x3e: {  	v38 =	vld [tilespmem:s26+$0x12020];
	_ =	sdelay $0x3  }
0x3f: {  	(v2sf) =	vpush v4, $0x8  }
0x40: {  	(v2sf) =	vpush v38, $0x8  }
0x41: {  	(v2sf) =	vpush v3, $0x3;
	_ =	sdelay $0x8  }
0x42: {  	s24 =	sadd.s32 s25, s24  }
0x43: {  	s24 =	sadd.s32 s28, s24  }
0x44: {  	s24 =	sadd.s32 $0x8, s24  }
0x45: {  	p0 =	slt.s32 s24, $0x40;
	s26 =	smov.u32 s24  }
0x46: {  	s26 =	simm.s32 @!p0 $0x40;
	s30 =	spop (v2sf)  }
0x47: {  	s31 =	sadd.s32 $0x20, s23;
	s29 =	sadd.s32 s26, s20;
	s28 =	spop (v2sf)  }
0x48: {  	v4 =	vadd.s32 s31, v4;
	s25 =	sadd.s32 $0x8, s30;
	s30 =	sadd.s32 $0x28, s23;
	s31 =	spop (v2sf)  }
0x49: {  	[tilespmem:v2+s26+$0x0 ss:$0x1] =	vst.idx.msk $0xffff, v4;
	v39 =	vadd.s32 s30, v38;
	s26 =	sadd.s32 s25, s29;
	s30 =	sshll.u32 s31, $0x4  }
0x4a: {  	[tilespmem:s26+$0x0] =	vst v39;
	s29 =	sshrl.u32 s31, $0x4;
	s30 =	sand.u32 $0xFF0, s30  }
0x4b: {  	s26 =	sand.u32 $0xFF0, s29;
	v4 =	vld [tilespmem:s30+$0x12020]  }
0x4c: {  	v40 =	vld [tilespmem:s26+$0x12020];
	_ =	sdelay $0x3  }
0x4d: {  	(v2sf) =	vpush v4, $0x8  }
0x4e: {  	(v2sf) =	vpush v40, $0x8  }
0x4f: {  	(v2sf) =	vpush v3, $0x4;
	_ =	sdelay $0x8  }
0x50: {  	s24 =	sadd.s32 s25, s24  }
0x51: {  	s24 =	sadd.s32 s28, s24  }
0x52: {  	s24 =	sadd.s32 $0x8, s24  }
0x53: {  	p0 =	slt.s32 s24, $0x40;
	s26 =	smov.u32 s24  }
0x54: {  	s26 =	simm.s32 @!p0 $0x40;
	s30 =	spop (v2sf)  }
0x55: {  	s31 =	sadd.s32 $0x30, s23;
	s29 =	sadd.s32 s26, s20;
	s28 =	spop (v2sf)  }
0x56: {  	v4 =	vadd.s32 s31, v4;
	s25 =	sadd.s32 $0x8, s30;
	s30 =	sadd.s32 $0x38, s23;
	s31 =	spop (v2sf)  }
0x57: {  	[tilespmem:v2+s26+$0x0 ss:$0x1] =	vst.idx.msk $0xffff, v4;
	v41 =	vadd.s32 s30, v40;
	s26 =	sadd.s32 s25, s29;
	s30 =	sshll.u32 s31, $0x4  }
0x58: {  	[tilespmem:s26+$0x0] =	vst v41;
	s29 =	sshrl.u32 s31, $0x4;
	s30 =	sand.u32 $0xFF0, s30  }
0x59: {  	s26 =	sand.u32 $0xFF0, s29;
	v4 =	vld [tilespmem:s30+$0x12020]  }
0x5a: {  	v42 =	vld [tilespmem:s26+$0x12020];
	_ =	sdelay $0x3  }
0x5b: {  	(v2sf) =	vpush v4, $0x8  }
0x5c: {  	(v2sf) =	vpush v42, $0x8  }
0x5d: {  	(v2sf) =	vpush v3, $0x5;
	_ =	sdelay $0x8  }
0x5e: {  	s24 =	sadd.s32 s25, s24  }
0x5f: {  	s24 =	sadd.s32 s28, s24  }
0x60: {  	s24 =	sadd.s32 $0x8, s24  }
0x61: {  	p0 =	slt.s32 s24, $0x40;
	s26 =	smov.u32 s24  }
0x62: {  	s26 =	simm.s32 @!p0 $0x40;
	s30 =	spop (v2sf)  }
0x63: {  	s31 =	sadd.s32 $0x40, s23;
	s29 =	sadd.s32 s26, s20;
	s28 =	spop (v2sf)  }
0x64: {  	v4 =	vadd.s32 s31, v4;
	s25 =	sadd.s32 $0x8, s30;
	s30 =	sadd.s32 $0x48, s23;
	s31 =	spop (v2sf)  }
0x65: {  	[tilespmem:v2+s26+$0x0 ss:$0x1] =	vst.idx.msk $0xffff, v4;
	v43 =	vadd.s32 s30, v42;
	s26 =	sadd.s32 s25, s29;
	s30 =	sshll.u32 s31, $0x4  }
0x66: {  	[tilespmem:s26+$0x0] =	vst v43;
	s29 =	sshrl.u32 s31, $0x4;
	s30 =	sand.u32 $0xFF0, s30  }
0x67: {  	s26 =	sand.u32 $0xFF0, s29;
	v4 =	vld [tilespmem:s30+$0x12020]  }
0x68: {  	v44 =	vld [tilespmem:s26+$0x12020];
	_ =	sdelay $0x3  }
0x69: {  	(v2sf) =	vpush v4, $0x8  }
0x6a: {  	(v2sf) =	vpush v44, $0x8  }
0x6b: {  	(v2sf) =	vpush v3, $0x6;
	_ =	sdelay $0x8  }
0x6c: {  	s24 =	sadd.s32 s25, s24  }
0x6d: {  	s24 =	sadd.s32 s28, s24  }
0x6e: {  	s24 =	sadd.s32 $0x8, s24  }
0x6f: {  	p0 =	slt.s32 s24, $0x40;
	s26 =	smov.u32 s24  }
0x70: {  	s26 =	simm.s32 @!p0 $0x40;
	s30 =	spop (v2sf)  }
0x71: {  	s31 =	sadd.s32 $0x50, s23;
	s29 =	sadd.s32 s26, s20;
	s28 =	spop (v2sf)  }
0x72: {  	v4 =	vadd.s32 s31, v4;
	s25 =	sadd.s32 $0x8, s30;
	s30 =	sadd.s32 $0x58, s23;
	s31 =	spop (v2sf)  }
0x73: {  	[tilespmem:v2+s26+$0x0 ss:$0x1] =	vst.idx.msk $0xffff, v4;
	v45 =	vadd.s32 s30, v44;
	s26 =	sadd.s32 s25, s29;
	s30 =	sshll.u32 s31, $0x4  }
0x74: {  	[tilespmem:s26+$0x0] =	vst v45;
	s29 =	sshrl.u32 s31, $0x4;
	s30 =	sand.u32 $0xFF0, s30  }
0x75: {  	s26 =	sand.u32 $0xFF0, s29;
	v4 =	vld [tilespmem:s30+$0x12020]  }
0x76: {  	v46 =	vld [tilespmem:s26+$0x12020];
	_ =	sdelay $0x3  }
0x77: {  	(v2sf) =	vpush v4, $0x8  }
0x78: {  	(v2sf) =	vpush v46, $0x8  }
0x79: {  	(v2sf) =	vpush v3, $0x7;
	_ =	sdelay $0x8  }
0x7a: {  	s24 =	sadd.s32 s25, s24  }
0x7b: {  	s24 =	sadd.s32 s28, s24  }
0x7c: {  	s24 =	sadd.s32 $0x8, s24  }
0x7d: {  	p0 =	slt.s32 s24, $0x40;
	s26 =	smov.u32 s24  }
0x7e: {  	s26 =	simm.s32 @!p0 $0x40;
	s30 =	spop (v2sf)  }
0x7f: {  	s31 =	sadd.s32 $0x60, s23;
	s29 =	sadd.s32 s26, s20;
	s28 =	spop (v2sf)  }
0x80: {  	v4 =	vadd.s32 s31, v4;
	s25 =	sadd.s32 $0x8, s30;
	s30 =	sadd.s32 $0x68, s23;
	s31 =	spop (v2sf)  }
0x81: {  	[tilespmem:v2+s26+$0x0 ss:$0x1] =	vst.idx.msk $0xffff, v4;
	v47 =	vadd.s32 s30, v46;
	s26 =	sadd.s32 s25, s29;
	s30 =	sshll.u32 s31, $0x4  }
0x82: {  	[tilespmem:s26+$0x0] =	vst v47;
	s29 =	sshrl.u32 s31, $0x4;
	s30 =	sand.u32 $0xFF0, s30  }
0x83: {  	s26 =	sand.u32 $0xFF0, s29;
	v4 =	vld [tilespmem:s30+$0x12020]  }
0x84: {  	v48 =	vld [tilespmem:s26+$0x12020];
	_ =	sdelay $0x3  }
0x85: {  	(v2sf) =	vpush v4, $0x8  }
0x86: {  	(v2sf) =	vpush v48, $0x8  }
0x87: {  	(v2sf) =	vpush v3, $0x8;
	_ =	sdelay $0x8  }
0x88: {  	s24 =	sadd.s32 s25, s24  }
0x89: {  	s24 =	sadd.s32 s28, s24  }
0x8a: {  	s24 =	sadd.s32 $0x8, s24  }
0x8b: {  	p0 =	slt.s32 s24, $0x40;
	s26 =	smov.u32 s24  }
0x8c: {  	s26 =	simm.s32 @!p0 $0x40;
	s30 =	spop (v2sf)  }
0x8d: {  	s31 =	sadd.s32 $0x70, s23;
	s29 =	sadd.s32 s26, s20;
	s28 =	spop (v2sf)  }
0x8e: {  	v4 =	vadd.s32 s31, v4;
	s25 =	sadd.s32 $0x8, s30;
	s30 =	sadd.s32 $0x78, s23;
	s31 =	spop (v2sf)  }
0x8f: {  	[tilespmem:v2+s26+$0x0 ss:$0x1] =	vst.idx.msk $0xffff, v4;
	v49 =	vadd.s32 s30, v48;
	s26 =	sadd.s32 s25, s29;
	s30 =	sshll.u32 s31, $0x4  }
0x90: {  	[tilespmem:s26+$0x0] =	vst v49;
	s29 =	sshrl.u32 s31, $0x4;
	s30 =	sand.u32 $0xFF0, s30  }
0x91: {  	s26 =	sand.u32 $0xFF0, s29;
	v4 =	vld [tilespmem:s30+$0x12020]  }
0x92: {  	v50 =	vld [tilespmem:s26+$0x12020];
	_ =	sdelay $0x3  }
0x93: {  	(v2sf) =	vpush v4, $0x8  }
0x94: {  	(v2sf) =	vpush v50, $0x8  }
0x95: {  	(v2sf) =	vpush v3, $0x9;
	_ =	sdelay $0x8  }
0x96: {  	s24 =	sadd.s32 s25, s24  }
0x97: {  	s24 =	sadd.s32 s28, s24  }
0x98: {  	s24 =	sadd.s32 $0x8, s24  }
0x99: {  	p0 =	slt.s32 s24, $0x40;
	s26 =	smov.u32 s24  }
0x9a: {  	s26 =	simm.s32 @!p0 $0x40;
	s30 =	spop (v2sf)  }
0x9b: {  	s31 =	sadd.s32 $0x80, s23;
	s29 =	sadd.s32 s26, s20;
	s28 =	spop (v2sf)  }
0x9c: {  	v4 =	vadd.s32 s31, v4;
	s25 =	sadd.s32 $0x8, s30;
	s30 =	sadd.s32 $0x88, s23;
	s31 =	spop (v2sf)  }
0x9d: {  	[tilespmem:v2+s26+$0x0 ss:$0x1] =	vst.idx.msk $0xffff, v4;
	v51 =	vadd.s32 s30, v50;
	s26 =	sadd.s32 s25, s29;
	s30 =	sshll.u32 s31, $0x4  }
0x9e: {  	[tilespmem:s26+$0x0] =	vst v51;
	s29 =	sshrl.u32 s31, $0x4;
	s30 =	sand.u32 $0xFF0, s30  }
0x9f: {  	s26 =	sand.u32 $0xFF0, s29;
	v4 =	vld [tilespmem:s30+$0x12020]  }
0xa0: {  	v52 =	vld [tilespmem:s26+$0x12020];
	_ =	sdelay $0x3  }
0xa1: {  	(v2sf) =	vpush v4, $0x8  }
0xa2: {  	(v2sf) =	vpush v52, $0x8  }
0xa3: {  	(v2sf) =	vpush v3, $0xA;
	_ =	sdelay $0x8  }
0xa4: {  	s24 =	sadd.s32 s25, s24  }
0xa5: {  	s24 =	sadd.s32 s28, s24  }
0xa6: {  	s24 =	sadd.s32 $0x8, s24  }
0xa7: {  	p0 =	slt.s32 s24, $0x40;
	s26 =	smov.u32 s24  }
0xa8: {  	s26 =	simm.s32 @!p0 $0x40;
	s30 =	spop (v2sf)  }
0xa9: {  	s31 =	sadd.s32 $0x90, s23;
	s29 =	sadd.s32 s26, s20;
	s28 =	spop (v2sf)  }
0xaa: {  	v4 =	vadd.s32 s31, v4;
	s25 =	sadd.s32 $0x8, s30;
	s30 =	sadd.s32 $0x98, s23;
	s31 =	spop (v2sf)  }
0xab: {  	[tilespmem:v2+s26+$0x0 ss:$0x1] =	vst.idx.msk $0xffff, v4;
	v53 =	vadd.s32 s30, v52;
	s26 =	sadd.s32 s25, s29;
	s30 =	sshll.u32 s31, $0x4  }
0xac: {  	[tilespmem:s26+$0x0] =	vst v53;
	s29 =	sshrl.u32 s31, $0x4;
	s30 =	sand.u32 $0xFF0, s30  }
0xad: {  	s26 =	sand.u32 $0xFF0, s29;
	v4 =	vld [tilespmem:s30+$0x12020]  }
0xae: {  	v54 =	vld [tilespmem:s26+$0x12020];
	_ =	sdelay $0x3  }
0xaf: {  	(v2sf) =	vpush v4, $0x8  }
0xb0: {  	(v2sf) =	vpush v54, $0x8  }
0xb1: {  	(v2sf) =	vpush v3, $0xB;
	_ =	sdelay $0x8  }
0xb2: {  	s24 =	sadd.s32 s25, s24  }
0xb3: {  	s24 =	sadd.s32 s28, s24  }
0xb4: {  	s24 =	sadd.s32 $0x8, s24  }
0xb5: {  	p0 =	slt.s32 s24, $0x40;
	s26 =	smov.u32 s24  }
0xb6: {  	s26 =	simm.s32 @!p0 $0x40;
	s30 =	spop (v2sf)  }
0xb7: {  	s31 =	sadd.s32 $0xA0, s23;
	s29 =	sadd.s32 s26, s20;
	s28 =	spop (v2sf)  }
0xb8: {  	v4 =	vadd.s32 s31, v4;
	s25 =	sadd.s32 $0x8, s30;
	s30 =	sadd.s32 $0xA8, s23;
	s31 =	spop (v2sf)  }
0xb9: {  	[tilespmem:v2+s26+$0x0 ss:$0x1] =	vst.idx.msk $0xffff, v4;
	v55 =	vadd.s32 s30, v54;
	s26 =	sadd.s32 s25, s29;
	s30 =	sshll.u32 s31, $0x4  }
0xba: {  	[tilespmem:s26+$0x0] =	vst v55;
	s29 =	sshrl.u32 s31, $0x4;
	s30 =	sand.u32 $0xFF0, s30  }
0xbb: {  	s26 =	sand.u32 $0xFF0, s29;
	v4 =	vld [tilespmem:s30+$0x12020]  }
0xbc: {  	v56 =	vld [tilespmem:s26+$0x12020];
	_ =	sdelay $0x3  }
0xbd: {  	(v2sf) =	vpush v4, $0x8  }
0xbe: {  	(v2sf) =	vpush v56, $0x8  }
0xbf: {  	(v2sf) =	vpush v3, $0xC;
	_ =	sdelay $0x8  }
0xc0: {  	s24 =	sadd.s32 s25, s24  }
0xc1: {  	s24 =	sadd.s32 s28, s24  }
0xc2: {  	s24 =	sadd.s32 $0x8, s24  }
0xc3: {  	p0 =	slt.s32 s24, $0x40;
	s26 =	smov.u32 s24  }
0xc4: {  	s26 =	simm.s32 @!p0 $0x40;
	s30 =	spop (v2sf)  }
0xc5: {  	s31 =	sadd.s32 $0xB0, s23;
	s29 =	sadd.s32 s26, s20;
	s28 =	spop (v2sf)  }
0xc6: {  	v4 =	vadd.s32 s31, v4;
	s25 =	sadd.s32 $0x8, s30;
	s30 =	sadd.s32 $0xB8, s23;
	s31 =	spop (v2sf)  }
0xc7: {  	[tilespmem:v2+s26+$0x0 ss:$0x1] =	vst.idx.msk $0xffff, v4;
	v57 =	vadd.s32 s30, v56;
	s26 =	sadd.s32 s25, s29;
	s30 =	sshll.u32 s31, $0x4  }
0xc8: {  	[tilespmem:s26+$0x0] =	vst v57;
	s29 =	sshrl.u32 s31, $0x4;
	s30 =	sand.u32 $0xFF0, s30  }
0xc9: {  	s26 =	sand.u32 $0xFF0, s29;
	v4 =	vld [tilespmem:s30+$0x12020]  }
0xca: {  	v58 =	vld [tilespmem:s26+$0x12020];
	_ =	sdelay $0x3  }
0xcb: {  	(v2sf) =	vpush v4, $0x8  }
0xcc: {  	(v2sf) =	vpush v58, $0x8  }
0xcd: {  	(v2sf) =	vpush v3, $0xD;
	_ =	sdelay $0x8  }
0xce: {  	s24 =	sadd.s32 s25, s24  }
0xcf: {  	s24 =	sadd.s32 s28, s24  }
0xd0: {  	s24 =	sadd.s32 $0x8, s24  }
0xd1: {  	p0 =	slt.s32 s24, $0x40;
	s26 =	smov.u32 s24  }
0xd2: {  	s26 =	simm.s32 @!p0 $0x40;
	s30 =	spop (v2sf)  }
0xd3: {  	s31 =	sadd.s32 $0xC0, s23;
	s29 =	sadd.s32 s26, s20;
	s28 =	spop (v2sf)  }
0xd4: {  	v4 =	vadd.s32 s31, v4;
	s25 =	sadd.s32 $0x8, s30;
	s30 =	sadd.s32 $0xC8, s23;
	s31 =	spop (v2sf)  }
0xd5: {  	[tilespmem:v2+s26+$0x0 ss:$0x1] =	vst.idx.msk $0xffff, v4;
	v59 =	vadd.s32 s30, v58;
	s26 =	sadd.s32 s25, s29;
	s30 =	sshll.u32 s31, $0x4  }
0xd6: {  	[tilespmem:s26+$0x0] =	vst v59;
	s29 =	sshrl.u32 s31, $0x4;
	s30 =	sand.u32 $0xFF0, s30  }
0xd7: {  	s26 =	sand.u32 $0xFF0, s29;
	v4 =	vld [tilespmem:s30+$0x12020]  }
0xd8: {  	v60 =	vld [tilespmem:s26+$0x12020];
	_ =	sdelay $0x3  }
0xd9: {  	(v2sf) =	vpush v4, $0x8  }
0xda: {  	(v2sf) =	vpush v60, $0x8  }
0xdb: {  	(v2sf) =	vpush v3, $0xE;
	_ =	sdelay $0x8  }
0xdc: {  	s24 =	sadd.s32 s25, s24  }
0xdd: {  	s24 =	sadd.s32 s28, s24  }
0xde: {  	s24 =	sadd.s32 $0x8, s24  }
0xdf: {  	p0 =	slt.s32 s24, $0x40;
	s26 =	smov.u32 s24  }
0xe0: {  	s26 =	simm.s32 @!p0 $0x40;
	s30 =	spop (v2sf)  }
0xe1: {  	s31 =	sadd.s32 $0xD0, s23;
	s29 =	sadd.s32 s26, s20;
	s28 =	spop (v2sf)  }
0xe2: {  	v4 =	vadd.s32 s31, v4;
	s25 =	sadd.s32 $0x8, s30;
	s30 =	sadd.s32 $0xD8, s23;
	s31 =	spop (v2sf)  }
0xe3: {  	[tilespmem:v2+s26+$0x0 ss:$0x1] =	vst.idx.msk $0xffff, v4;
	v61 =	vadd.s32 s30, v60;
	s26 =	sadd.s32 s25, s29;
	s30 =	sshll.u32 s31, $0x4  }
0xe4: {  	[tilespmem:s26+$0x0] =	vst v61;
	s29 =	sshrl.u32 s31, $0x4;
	s30 =	sand.u32 $0xFF0, s30  }
0xe5: {  	s26 =	sand.u32 $0xFF0, s29;
	v4 =	vld [tilespmem:s30+$0x12020]  }
0xe6: {  	v62 =	vld [tilespmem:s26+$0x12020];
	_ =	sdelay $0x3  }
0xe7: {  	(v2sf) =	vpush v4, $0x8  }
0xe8: {  	(v2sf) =	vpush v62, $0x8  }
0xe9: {  	(v2sf) =	vpush v3, $0xF;
	_ =	sdelay $0x8  }
0xea: {  	s24 =	sadd.s32 s25, s24  }
0xeb: {  	s24 =	sadd.s32 s28, s24  }
0xec: {  	s24 =	sadd.s32 $0x8, s24  }
0xed: {  	p0 =	slt.s32 s24, $0x40;
	s26 =	smov.u32 s24  }
0xee: {  	s26 =	simm.s32 @!p0 $0x40;
	s30 =	spop (v2sf)  }
0xef: {  	s31 =	sadd.s32 $0xE0, s23;
	s29 =	sadd.s32 s26, s20;
	s28 =	spop (v2sf)  }
0xf0: {  	v3 =	vadd.s32 s31, v4;
	s25 =	sadd.s32 $0x8, s30;
	s30 =	sadd.s32 $0xE8, s23;
	s31 =	spop (v2sf)  }
0xf1: {  	[tilespmem:v2+s26+$0x0 ss:$0x1] =	vst.idx.msk $0xffff, v3;
	v3 =	vadd.s32 s30, v62;
	s26 =	sadd.s32 s25, s29;
	s30 =	sshll.u32 s31, $0x4  }
0xf2: {  	[tilespmem:s26+$0x0] =	vst v3;
	s30 =	sand.u32 $0xFF0, s30  }
0xf3: {  	s29 =	sshrl.u32 s31, $0x4;
	v3 =	vld [tilespmem:s30+$0x12020]  }
0xf4: {  	s26 =	sand.u32 $0xFF0, s29  }
0xf5: {  	v63 =	vld [tilespmem:s26+$0x12020];
	_ =	sdelay $0x2  }
0xf6: {  	(v2sf) =	vpush v3, $0x8;
	_ =	sdelay $0x1  }
0xf7: {  	(v2sf) =	vpush v63, $0x8;
	_ =	sdelay $0x7  }
0xf8: {  	s24 =	sadd.s32 s25, s24  }
0xf9: {  	s24 =	sadd.s32 s28, s24  }
0xfa: {  	s24 =	sadd.s32 $0x8, s24  }
0xfb: {  	p0 =	slt.s32 s24, $0x40;
	s26 =	smov.u32 s24  }
0xfc: {  	s26 =	simm.s32 @!p0 $0x40;
	p0 =	sne.s32 s22, $0x1F00  }
.Ltmp1:
0xfd: {  	s30 =	spop (v2sf);
	(pc) =	sbr.rel @p0 .LBB2_5-.Ltmp1, $4  }
0xfe: {  	s31 =	sadd.s32 $0xF0, s23;
	s23 =	sadd.s32 $0xF8, s23;
	s25 =	sadd.s32 $0x8, s30  }
0xff: {  	v3 =	vadd.s32 s31, v3;
	s28 =	spop (v2sf);
	s30 =	sadd.s32 s26, s20;
	s24 =	sadd.s32 s25, s24  }
0x100: {  	[tilespmem:v2+s26+$0x0 ss:$0x1] =	vst.idx.msk $0xffff, v3;
	v3 =	vadd.s32 s23, v63;
	s31 =	sadd.s32 s25, s30;
	s24 =	sadd.s32 s28, s24  }
0x101: {  	s21 =	sadd.s32 $0x10, s21;
	s22 =	sadd.s32 $0x100, s22;
	[tilespmem:s31+$0x0] =	vst v3;
	s24 =	sadd.s32 $0x8, s24  }
0x102: {  	s20 =	sshll.u32 s18, $0x8  }
0x103: {  	v2 =	vadd.s32 s24, v0;
	s19 =	sshrl.u32 s19, $0x2;
	s21 =	sshrl.u32 s20, $0x2  }
0x104: {  	[tilespmem:s19+$0x13020] =	vst v2;
	s30 =	sadd.s32 $0x10000, s21  }
0x105: {  	[tilespmem:s13], [sflag:$0x1] =	stream.indirect.gather [hbm4b:s4+s12], $0x20, s30, s12, $0xb8;
	[tilespmem:$0x14020] =	vst v63  }
0x106: {  	s18 =	sadd.s32 $0x1, s18;
	_ =	swait.ge [sflag:s14], $0x800  }
0x107: {  	p0 =	sne.s32 s18, $0x80;
	[sflag:s14] =	ssyncset.done $0x0  }
.Ltmp2:
0x108: {  	s31 =	sadd.s32 s20, s7;
	[sflag:s14] =	ssyncadd.s32 $0xFFFFF800;
	(pc) =	sbr.rel @p0 .LBB2_4-.Ltmp2, $4  }
0x109: {  	[hbm4b:s31+s3] =	stream.linear.scatter [tilespmem:s13], [sflag:$0x2], $0x800, $0x38;
	[tilespmem:$0x14020] =	vst v63  }
0x10a: {  	_ =	swait.ge [sflag:s10], $0x800  }
0x10b: {  	[sflag:s10] =	ssyncset.done $0x0  }
0x10c: {  	s17 =	sadd.s32 $0x200, s17;
	[sflag:s10] =	ssyncadd.s32 $0xFFFFF800  }
0x10d: {  	s16 =	sadd.s32 $0x1, s16  }
0x10e: {  	p0 =	sne.s32 s16, s9  }
.Ltmp3:
0x10f: {  	_ = 	snop;
	(pc) =	sbr.rel @p0 .LBB2_1-.Ltmp3, $4  }
0x110: {  	[hbm4b:s8+s3] =	stream.linear.scatter [tilespmem:s15], [sflag:$0x2], $0x800, $0x38;
	[tilespmem:$0x14020] =	vst v63  }
0x111: {  	_ =	swait.ge [sflag:s10], $0x800  }
0x112: {  	[sflag:s10] =	ssyncset.done $0x0  }
0x113: {  	[sflag:s10] =	ssyncadd.s32 $0xFFFFF800  }
0x114: {  	_ =	sfence.sel $0x180000  }
0x115: {  	[bflag:$0x0] =	sbarrier.arrive $0xFFFF  }
0x116: {  	p0 =	sne.s32 s1, $0x0;
	_ =	strace $0x90000047  }
0x117: {  	s0 =	sadd.s32 @!p0 $0x100000, s0;
	[bflag:$0x2] =	sbarrier.arrive $0xFFFF  }
0x118: {  	[sflag:s0] =	ssyncadd.tile.s32 @!p0 $0x1;
	_ =	shalt  }
.Lfunc_end2:
_tile_overlayer_lowered:
.L_overlay_start_2:
0x119: {  	(tag) =	ssettag $0x2  }
0x11a: {  	s0 =	rddreg [dreg:$0x0];
	s2 =	stileid.u32  }
0x11b: {  	s1 =	rddreg [dreg:$0x1];
	p0 =	sne.s32 s2, $0x0  }
0x11c: {  	s3 =	rddreg [dreg:$0x2];
	[bflag:$0x3] =	sbarrier.arrive $0xFFFF;
	s2 =	simm.s32 @!p0 $0x1C02  }
0x11d: {  	[timem:s3], [sflag:s2] =	dma.local @!p0 [hbm:s0], s1  }
0x11e: {  	s0 =	simm.s32 @!p0 $0x2  }
0x11f: {  	_ =	swait.ge @!p0 [sflag:s0], s1  }
0x120: {  	s1 =	ssub.s32 @!p0 $0x0, s1;
	[sflag:s0] =	ssyncset.done @!p0 $0x0  }
0x121: {  	[sflag:s0] =	ssyncadd.s32 @!p0 s1  }
0x122: {  	[bflag:$0x3] =	sbarrier.arrive $0xFFFF  }
0x123: {  	_ =	shalt  }

</sc_bundles>
